<compile_context>
chip_gen: v7x
topology: tpu7x:2x2x1
jax: 0.10.2.dev20260603
libtpu: 0.0.44.dev20260713+nightly
codegen_flags: <defaults>
</compile_context>

<pallas_src>
import functools

import numpy as np

import jax
import jax.numpy as jnp
from jax import lax
from jax.experimental import pallas as pl
from jax.experimental.pallas import tpu as pltpu
from jax.experimental.pallas import tpu_sc as plsc

_GROUPS = 4
_LANES = 16
_NC, _NS = 2, 16
_WPT = 4


def _sc_maxrel(xTt, ijT, iiT, B, N, C, K, NP):
    S = 2000
    NCH = NP // S

    mesh = plsc.VectorSubcoreMesh(core_axis_name="c", subcore_axis_name="s")

    @functools.partial(
        pl.kernel,
        mesh=mesh,
        compiler_params=pltpu.CompilerParams(
            use_tc_tiling_on_sc=False, needs_layout_passes=False),
        out_type=jax.ShapeDtypeStruct((B, _NS, 2 * _WPT, NP), jnp.float32),
        scratch_types=[
            pltpu.VMEM((N * _WPT,), jnp.int32),
            pltpu.VMEM((K, S), jnp.int32),
            pltpu.VMEM((K, S), jnp.int32),
            pltpu.VMEM((2 * _WPT, S), jnp.float32),
            pltpu.SemaphoreType.DMA,
        ],
    )
    def sc_kernel(xTt_hbm, ij_hbm, ii_hbm, out_hbm, tbl_v, ij_v, ii_v, o_v, sem):
        b = lax.axis_index("c")
        h = lax.axis_index("s")

        pltpu.sync_copy(xTt_hbm.at[b, h], tbl_v)

        MASK = jnp.int32(-65536)

        def halves(v):
            lo = lax.bitcast_convert_type(v << 16, jnp.float32)
            hi = lax.bitcast_convert_type(v & MASK, jnp.float32)
            return lo, hi

        def chunk(t, carry):
            n0 = pl.multiple_of(t * S, S)
            pltpu.sync_copy(ij_hbm.at[b, :, pl.ds(n0, S)], ij_v)
            pltpu.sync_copy(ii_hbm.at[b, :, pl.ds(n0, S)], ii_v)

            def grp(g, c2):
                sl = pl.ds(pl.multiple_of(g * _LANES, _LANES), _LANES)
                acc_e = [None] * _WPT
                acc_o = [None] * _WPT
                for k in range(K):
                    bj = ij_v[k, sl] * _WPT
                    bi = ii_v[k, sl] * _WPT
                    for w in range(_WPT):
                        vj = plsc.load_gather(tbl_v, [bj + w])
                        vi = plsc.load_gather(tbl_v, [bi + w])
                        je, jo = halves(vj)
                        ie, io = halves(vi)
                        de = je - ie
                        do = jo - io
                        if k == 0:
                            acc_e[w] = de
                            acc_o[w] = do
                        else:
                            acc_e[w] = jnp.maximum(acc_e[w], de)
                            acc_o[w] = jnp.maximum(acc_o[w], do)
                for w in range(_WPT):
                    o_v[w, sl] = acc_e[w]
                    o_v[_WPT + w, sl] = acc_o[w]
                return c2

            lax.fori_loop(0, S // _LANES, grp, 0)
            pltpu.sync_copy(o_v, out_hbm.at[b, h, :, pl.ds(n0, S)])
            return carry

        lax.fori_loop(0, NCH, chunk, 0)

    return sc_kernel(xTt, ijT, iiT)


def _tc_body(wx_ref, wj_ref, b_ref, x_ref, mr_ref, o_ref):
    xb = x_ref[0]
    mr = mr_ref[0]
    acc = jnp.dot(wx_ref[...], xb, preferred_element_type=jnp.float32)
    acc = acc + jnp.dot(wj_ref[...], mr, preferred_element_type=jnp.float32)
    o_ref[0] = jnp.maximum(acc + b_ref[...], 0.0)


def _tc_conv(x3, mr3, Wx, Wj, bias):
    B, C, N = x3.shape
    COUT = Wx.shape[0]
    return pl.pallas_call(
        _tc_body,
        grid=(B,),
        in_specs=[
            pl.BlockSpec((COUT, C), lambda b: (0, 0)),
            pl.BlockSpec((COUT, C), lambda b: (0, 0)),
            pl.BlockSpec((COUT, 1), lambda b: (0, 0)),
            pl.BlockSpec((1, C, N), lambda b: (b, 0, 0)),
            pl.BlockSpec((1, C, N), lambda b: (b, 0, 0)),
        ],
        out_specs=pl.BlockSpec((1, COUT, N), lambda b: (b, 0, 0)),
        out_shape=jax.ShapeDtypeStruct((B, COUT, N), jnp.float32),
    )(Wx, Wj, bias.reshape(COUT, 1), x3, mr3)


def _block_diag(blocks):
    G, R, S = blocks.shape
    out = jnp.zeros((G * R, G * S), blocks.dtype)
    for g in range(G):
        out = out.at[g * R:(g + 1) * R, g * S:(g + 1) * S].set(blocks[g])
    return out


def kernel(x, edge_index, W, bias):
    B, C, N, _ = x.shape
    K = edge_index.shape[-1]
    COUT = W.shape[0]
    S = 2000
    NP = -(-N // S) * S

    x3 = x[..., 0]
    xT = jnp.transpose(x3, (0, 2, 1))
    xT32 = lax.bitcast_convert_type(
        xT.astype(jnp.bfloat16).reshape(B, N, C // 2, 2), jnp.int32)
    xTt = (xT32.reshape(B, N, _NS, _WPT)
           .transpose(0, 2, 1, 3).reshape(B, _NS, N * _WPT))

    ei = edge_index.astype(jnp.int32)
    pad = [(0, 0), (0, NP - N), (0, 0)]
    ijT = jnp.transpose(jnp.pad(ei[0], pad), (0, 2, 1))
    iiT = jnp.transpose(jnp.pad(ei[1], pad), (0, 2, 1))

    mr = _sc_maxrel(xTt, ijT, iiT, B, N, C, K, NP)
    mr3 = mr[:, :, :, :N].reshape(B, C, N)

    Wg = W[:, :, 0, 0].reshape(_GROUPS, COUT // _GROUPS, (2 * C) // _GROUPS)
    Wx = _block_diag(Wg[:, :, 0::2])
    Wj = _block_diag(Wg[:, :, 1::2])
    order = np.empty(C, dtype=np.int32)
    for h in range(_NS):
        for w in range(_WPT):
            order[h * 8 + w] = h * 8 + 2 * w
            order[h * 8 + _WPT + w] = h * 8 + 2 * w + 1
    Wj = Wj[:, order]

    out = _tc_conv(x3, mr3, Wx, Wj, bias)
    return out[..., None]

# --- scband reference (transcript-rebuilt; emitter-appended) ---
"""Pipeline reference for scband-mrconv2d-16870631538992 (READ-ONLY COPY).

The authoritative reference and input builder live on the scoring server;
editing this copy changes nothing except your own understanding.
"""

import jax, jax.numpy as jnp
import numpy as np

B, C, N, K = 2, 128, 10000, 16
COUT = 128
GROUPS = 4


def _batched_index_select(x, idx):
    # x: [B, C, Nr, 1], idx: [B, N, k] -> [B, C, N, k]
    b, c, nr = x.shape[0], x.shape[1], x.shape[2]
    _, n, k = idx.shape
    base = jnp.arange(b).reshape(-1, 1, 1) * nr
    flat_idx = (idx + base).reshape(-1)
    xt = jnp.transpose(x, (0, 2, 1, 3)).reshape(b * nr, -1)  # [B*Nr, C]
    feat = jnp.take(xt, flat_idx, axis=0).reshape(b, n, k, c)
    return jnp.transpose(feat, (0, 3, 1, 2))


def setup_inputs(seed: int = 0) -> dict:
    key = jax.random.key(seed)
    k1, k2, k3 = jax.random.split(key, 3)
    x = jax.random.normal(k1, (B, C, N, 1), dtype=jnp.float32)
    edge_index = jax.random.randint(k2, (2, B, N, K), 0, N, dtype=jnp.int64)
    # Conv2d(2C, COUT, 1, groups=4): weight [COUT, 2C/groups, 1, 1], kaiming normal
    fan_in = (2 * C) // GROUPS
    W = jax.random.normal(k3, (COUT, fan_in, 1, 1), dtype=jnp.float32) * np.sqrt(2.0 / fan_in)
    bias = jnp.zeros((COUT,), dtype=jnp.float32)
    return {"x": x, "edge_index": edge_index, "W": W, "bias": bias}


def reference(x, edge_index, W, bias):
    x_i = _batched_index_select(x, edge_index[1])
    x_j = _batched_index_select(x, edge_index[0])
    x_j = jnp.max(x_j - x_i, axis=-1, keepdims=True)  # [B, C, N, 1]
    b, c, n, _ = x.shape
    xcat = jnp.concatenate([x[:, :, None, :, :], x_j[:, :, None, :, :]], axis=2)
    xcat = xcat.reshape(b, 2 * c, n, 1)
    # grouped 1x1 conv
    cin = 2 * c
    cout = W.shape[0]
    xg = xcat.reshape(b, GROUPS, cin // GROUPS, n)
    Wg = W[:, :, 0, 0].reshape(GROUPS, cout // GROUPS, cin // GROUPS)
    out = jnp.einsum('bgcn,goc->bgon', xg, Wg).reshape(b, cout, n, 1)
    out = out + bias[None, :, None, None]
    return jax.nn.relu(out)

if __name__ == "__main__":
    import jax
    _d = setup_inputs()
    print(jax.jit(kernel)(*tuple(_d.values())))

</pallas_src>

<mosaic_0001>
#map = affine_map<(d0, d1) -> (0, 0, 0)>
#map1 = affine_map<(d0, d1) -> (0, 0, 0, 0)>
module attributes {stable_mosaic.version = 14 : i64} {
  func.func @sc_kernel(%arg0: i32, %arg1: i32, %arg2: memref<2x16x40000xi32, #tpu.memory_space<hbm>>, %arg3: memref<2x16x10000xi32, #tpu.memory_space<hbm>>, %arg4: memref<2x16x10000xi32, #tpu.memory_space<hbm>>, %arg5: memref<2x16x8x10000xf32, #tpu.memory_space<hbm>>, %arg6: memref<40000xi32, #tpu.memory_space<vmem>>, %arg7: memref<16x2000xi32, #tpu.memory_space<vmem>>, %arg8: memref<16x2000xi32, #tpu.memory_space<vmem>>, %arg9: memref<8x2000xf32, #tpu.memory_space<vmem>>, %arg10: memref<!tpu.dma_semaphore, #tpu.memory_space<semaphore_mem>>) attributes {dimension_semantics = [#tpu.dimension_semantics<core_parallel>, #tpu.dimension_semantics<subcore_parallel>], iteration_bounds = array<i64: 2, 16>, scalar_prefetch = 0 : i64, scratch_operands = 5 : i64, tpu.core_type = #tpu.core_type<sc_vector_subcore>, window_params = [{transform_indices = #map}, {transform_indices = #map}, {transform_indices = #map}, {transform_indices = #map1}]} {
    "tpu.region"() ({
      %run_scoped3A = tpu.sem_alloc : memref<!tpu.dma_semaphore, #tpu.memory_space<semaphore_mem>>
      %dma_start3A = arith.constant 0 : i32
      %dma_start3A_6 = tpu.memref_slice %arg2[%arg0, %arg1, %dma_start3A] : memref<2x16x40000xi32, #tpu.memory_space<hbm>> -> memref<1x1x40000xi32, #tpu.memory_space<hbm>>
      %dma_start3A_7 = tpu.memref_squeeze %dma_start3A_6 : memref<1x1x40000xi32, #tpu.memory_space<hbm>> -> memref<40000xi32, #tpu.memory_space<hbm>>
      %dma_start3A_8 = arith.constant 0 : i32
      %dma_start3A_9 = tpu.memref_slice %arg2[%arg0, %arg1, %dma_start3A_8] : memref<2x16x40000xi32, #tpu.memory_space<hbm>> -> memref<1x1x40000xi32, #tpu.memory_space<hbm>>
      %dma_start3A_10 = tpu.memref_squeeze %dma_start3A_9 : memref<1x1x40000xi32, #tpu.memory_space<hbm>> -> memref<40000xi32, #tpu.memory_space<hbm>>
      tpu.enqueue_dma source(%dma_start3A_10 : memref<40000xi32, #tpu.memory_space<hbm>>) target(%arg6 : memref<40000xi32, #tpu.memory_space<vmem>>) target_semaphore(%run_scoped3A : memref<!tpu.dma_semaphore, #tpu.memory_space<semaphore_mem>>)
      %dma_wait3A = arith.constant 0 : i32
      %dma_wait3A_11 = tpu.memref_slice %arg2[%arg0, %arg1, %dma_wait3A] : memref<2x16x40000xi32, #tpu.memory_space<hbm>> -> memref<1x1x40000xi32, #tpu.memory_space<hbm>>
      %dma_wait3A_12 = tpu.memref_squeeze %dma_wait3A_11 : memref<1x1x40000xi32, #tpu.memory_space<hbm>> -> memref<40000xi32, #tpu.memory_space<hbm>>
      %dma_wait3A_13 = arith.constant 0 : i32
      %dma_wait3A_14 = tpu.memref_slice %arg2[%arg0, %arg1, %dma_wait3A_13] : memref<2x16x40000xi32, #tpu.memory_space<hbm>> -> memref<1x1x40000xi32, #tpu.memory_space<hbm>>
      %dma_wait3A_15 = tpu.memref_squeeze %dma_wait3A_14 : memref<1x1x40000xi32, #tpu.memory_space<hbm>> -> memref<40000xi32, #tpu.memory_space<hbm>>
      tpu.wait_dma2 semaphore(%run_scoped3A : memref<!tpu.dma_semaphore, #tpu.memory_space<semaphore_mem>>) src(%dma_wait3A_15 : memref<40000xi32, #tpu.memory_space<hbm>>) dst(%arg6 : memref<40000xi32, #tpu.memory_space<vmem>>)
      tpu.yield
    }) : () -> ()
    %scan3A = arith.constant 0 : i32
    %scan3A_0 = arith.constant -65536 : i32
    %scan3A_1 = arith.constant 0 : i32
    %scan3A_2 = arith.constant 5 : i32
    %scan3A_3 = arith.addi %scan3A_1, %scan3A_2 : i32
    %scan3A_4 = arith.constant 1 : i32
    scf.for %scan3A_6 = %scan3A_1 to %scan3A_3 step %scan3A_4  : i32 {
      %mul3A = arith.constant 2000 : i32
      %mul3A_7 = arith.muli %scan3A_6, %mul3A : i32
      %multiple_of3A = tpu.assume_multiple %mul3A_7, 2000 : i32
      "tpu.region"() ({
        %run_scoped3A = tpu.sem_alloc : memref<!tpu.dma_semaphore, #tpu.memory_space<semaphore_mem>>
        %dma_start3A = arith.constant 0 : i32
        %dma_start3A_14 = tpu.memref_slice %arg3[%arg0, %dma_start3A, %multiple_of3A] : memref<2x16x10000xi32, #tpu.memory_space<hbm>> -> memref<1x16x2000xi32, #tpu.memory_space<hbm>>
        %dma_start3A_15 = tpu.memref_squeeze %dma_start3A_14 : memref<1x16x2000xi32, #tpu.memory_space<hbm>> -> memref<16x2000xi32, #tpu.memory_space<hbm>>
        %dma_start3A_16 = arith.constant 0 : i32
        %dma_start3A_17 = tpu.memref_slice %arg3[%arg0, %dma_start3A_16, %multiple_of3A] : memref<2x16x10000xi32, #tpu.memory_space<hbm>> -> memref<1x16x2000xi32, #tpu.memory_space<hbm>>
        %dma_start3A_18 = tpu.memref_squeeze %dma_start3A_17 : memref<1x16x2000xi32, #tpu.memory_space<hbm>> -> memref<16x2000xi32, #tpu.memory_space<hbm>>
        tpu.enqueue_dma source(%dma_start3A_18 : memref<16x2000xi32, #tpu.memory_space<hbm>>) target(%arg7 : memref<16x2000xi32, #tpu.memory_space<vmem>>) target_semaphore(%run_scoped3A : memref<!tpu.dma_semaphore, #tpu.memory_space<semaphore_mem>>)
        %dma_wait3A = arith.constant 0 : i32
        %dma_wait3A_19 = tpu.memref_slice %arg3[%arg0, %dma_wait3A, %multiple_of3A] : memref<2x16x10000xi32, #tpu.memory_space<hbm>> -> memref<1x16x2000xi32, #tpu.memory_space<hbm>>
        %dma_wait3A_20 = tpu.memref_squeeze %dma_wait3A_19 : memref<1x16x2000xi32, #tpu.memory_space<hbm>> -> memref<16x2000xi32, #tpu.memory_space<hbm>>
        %dma_wait3A_21 = arith.constant 0 : i32
        %dma_wait3A_22 = tpu.memref_slice %arg3[%arg0, %dma_wait3A_21, %multiple_of3A] : memref<2x16x10000xi32, #tpu.memory_space<hbm>> -> memref<1x16x2000xi32, #tpu.memory_space<hbm>>
        %dma_wait3A_23 = tpu.memref_squeeze %dma_wait3A_22 : memref<1x16x2000xi32, #tpu.memory_space<hbm>> -> memref<16x2000xi32, #tpu.memory_space<hbm>>
        tpu.wait_dma2 semaphore(%run_scoped3A : memref<!tpu.dma_semaphore, #tpu.memory_space<semaphore_mem>>) src(%dma_wait3A_23 : memref<16x2000xi32, #tpu.memory_space<hbm>>) dst(%arg7 : memref<16x2000xi32, #tpu.memory_space<vmem>>)
        tpu.yield
      }) : () -> ()
      "tpu.region"() ({
        %run_scoped3A = tpu.sem_alloc : memref<!tpu.dma_semaphore, #tpu.memory_space<semaphore_mem>>
        %dma_start3A = arith.constant 0 : i32
        %dma_start3A_14 = tpu.memref_slice %arg4[%arg0, %dma_start3A, %multiple_of3A] : memref<2x16x10000xi32, #tpu.memory_space<hbm>> -> memref<1x16x2000xi32, #tpu.memory_space<hbm>>
        %dma_start3A_15 = tpu.memref_squeeze %dma_start3A_14 : memref<1x16x2000xi32, #tpu.memory_space<hbm>> -> memref<16x2000xi32, #tpu.memory_space<hbm>>
        %dma_start3A_16 = arith.constant 0 : i32
        %dma_start3A_17 = tpu.memref_slice %arg4[%arg0, %dma_start3A_16, %multiple_of3A] : memref<2x16x10000xi32, #tpu.memory_space<hbm>> -> memref<1x16x2000xi32, #tpu.memory_space<hbm>>
        %dma_start3A_18 = tpu.memref_squeeze %dma_start3A_17 : memref<1x16x2000xi32, #tpu.memory_space<hbm>> -> memref<16x2000xi32, #tpu.memory_space<hbm>>
        tpu.enqueue_dma source(%dma_start3A_18 : memref<16x2000xi32, #tpu.memory_space<hbm>>) target(%arg8 : memref<16x2000xi32, #tpu.memory_space<vmem>>) target_semaphore(%run_scoped3A : memref<!tpu.dma_semaphore, #tpu.memory_space<semaphore_mem>>)
        %dma_wait3A = arith.constant 0 : i32
        %dma_wait3A_19 = tpu.memref_slice %arg4[%arg0, %dma_wait3A, %multiple_of3A] : memref<2x16x10000xi32, #tpu.memory_space<hbm>> -> memref<1x16x2000xi32, #tpu.memory_space<hbm>>
        %dma_wait3A_20 = tpu.memref_squeeze %dma_wait3A_19 : memref<1x16x2000xi32, #tpu.memory_space<hbm>> -> memref<16x2000xi32, #tpu.memory_space<hbm>>
        %dma_wait3A_21 = arith.constant 0 : i32
        %dma_wait3A_22 = tpu.memref_slice %arg4[%arg0, %dma_wait3A_21, %multiple_of3A] : memref<2x16x10000xi32, #tpu.memory_space<hbm>> -> memref<1x16x2000xi32, #tpu.memory_space<hbm>>
        %dma_wait3A_23 = tpu.memref_squeeze %dma_wait3A_22 : memref<1x16x2000xi32, #tpu.memory_space<hbm>> -> memref<16x2000xi32, #tpu.memory_space<hbm>>
        tpu.wait_dma2 semaphore(%run_scoped3A : memref<!tpu.dma_semaphore, #tpu.memory_space<semaphore_mem>>) src(%dma_wait3A_23 : memref<16x2000xi32, #tpu.memory_space<hbm>>) dst(%arg8 : memref<16x2000xi32, #tpu.memory_space<vmem>>)
        tpu.yield
      }) : () -> ()
      %scan3A_8 = arith.constant 0 : i32
      %scan3A_9 = arith.constant 0 : i32
      %scan3A_10 = arith.constant 125 : i32
      %scan3A_11 = arith.addi %scan3A_9, %scan3A_10 : i32
      %scan3A_12 = arith.constant 1 : i32
      scf.for %scan3A_14 = %scan3A_9 to %scan3A_11 step %scan3A_12  : i32 {
        %mul3A_15 = arith.constant 16 : i32
        %mul3A_16 = arith.muli %scan3A_14, %mul3A_15 : i32
        %multiple_of3A_17 = tpu.assume_multiple %mul3A_16, 16 : i32
        %get3A = arith.constant 0 : i32
        %get3A_18 = arith.index_cast %get3A : i32 to index
        %get3A_19 = arith.index_cast %multiple_of3A_17 : i32 to index
        %get3A_20 = tpu.vector_load %arg7[%get3A_18, %get3A_19] {strides = array<i32>} : memref<16x2000xi32, #tpu.memory_space<vmem>>, vector<16xi32>,
        %mul3A_21 = arith.constant 4 : i32
        %mul3A_22 = vector.broadcast %mul3A_21 : i32 to vector<16xi32>
        %mul3A_23 = arith.muli %get3A_20, %mul3A_22 : vector<16xi32>
        %get3A_24 = arith.constant 0 : i32
        %get3A_25 = arith.index_cast %get3A_24 : i32 to index
        %get3A_26 = arith.index_cast %multiple_of3A_17 : i32 to index
        %get3A_27 = tpu.vector_load %arg8[%get3A_25, %get3A_26] {strides = array<i32>} : memref<16x2000xi32, #tpu.memory_space<vmem>>, vector<16xi32>,
        %mul3A_28 = arith.constant 4 : i32
        %mul3A_29 = vector.broadcast %mul3A_28 : i32 to vector<16xi32>
        %mul3A_30 = arith.muli %get3A_27, %mul3A_29 : vector<16xi32>
        %add3A = arith.constant 0 : i32
        %add3A_31 = vector.broadcast %add3A : i32 to vector<16xi32>
        %add3A_32 = arith.addi %mul3A_23, %add3A_31 : vector<16xi32>
        %gather3A = tpu.vector_load_idx %arg6[%add3A_32] : memref<40000xi32, #tpu.memory_space<vmem>>[vector<16xi32>], vector<16xi32>,
        %add3A_33 = arith.constant 0 : i32
        %add3A_34 = vector.broadcast %add3A_33 : i32 to vector<16xi32>
        %add3A_35 = arith.addi %mul3A_30, %add3A_34 : vector<16xi32>
        %gather3A_36 = tpu.vector_load_idx %arg6[%add3A_35] : memref<40000xi32, #tpu.memory_space<vmem>>[vector<16xi32>], vector<16xi32>,
        %shift_left3A = arith.constant 16 : i32
        %shift_left3A_37 = vector.broadcast %shift_left3A : i32 to vector<16xi32>
        %shift_left3A_38 = arith.shli %gather3A, %shift_left3A_37 : vector<16xi32>
        %bitcast_convert_type3A = tpu.bitcast %shift_left3A_38 : vector<16xi32> -> vector<16xf32>
        %and3A = vector.broadcast %scan3A_0 : i32 to vector<16xi32>
        %and3A_39 = arith.andi %gather3A, %and3A : vector<16xi32>
        %bitcast_convert_type3A_40 = tpu.bitcast %and3A_39 : vector<16xi32> -> vector<16xf32>
        %shift_left3A_41 = arith.constant 16 : i32
        %shift_left3A_42 = vector.broadcast %shift_left3A_41 : i32 to vector<16xi32>
        %shift_left3A_43 = arith.shli %gather3A_36, %shift_left3A_42 : vector<16xi32>
        %bitcast_convert_type3A_44 = tpu.bitcast %shift_left3A_43 : vector<16xi32> -> vector<16xf32>
        %and3A_45 = vector.broadcast %scan3A_0 : i32 to vector<16xi32>
        %and3A_46 = arith.andi %gather3A_36, %and3A_45 : vector<16xi32>
        %bitcast_convert_type3A_47 = tpu.bitcast %and3A_46 : vector<16xi32> -> vector<16xf32>
        %sub3A = arith.subf %bitcast_convert_type3A, %bitcast_convert_type3A_44 : vector<16xf32>
        %sub3A_48 = arith.subf %bitcast_convert_type3A_40, %bitcast_convert_type3A_47 : vector<16xf32>
        %add3A_49 = arith.constant 1 : i32
        %add3A_50 = vector.broadcast %add3A_49 : i32 to vector<16xi32>
        %add3A_51 = arith.addi %mul3A_23, %add3A_50 : vector<16xi32>
        %gather3A_52 = tpu.vector_load_idx %arg6[%add3A_51] : memref<40000xi32, #tpu.memory_space<vmem>>[vector<16xi32>], vector<16xi32>,
        %add3A_53 = arith.constant 1 : i32
        %add3A_54 = vector.broadcast %add3A_53 : i32 to vector<16xi32>
        %add3A_55 = arith.addi %mul3A_30, %add3A_54 : vector<16xi32>
        %gather3A_56 = tpu.vector_load_idx %arg6[%add3A_55] : memref<40000xi32, #tpu.memory_space<vmem>>[vector<16xi32>], vector<16xi32>,
        %shift_left3A_57 = arith.constant 16 : i32
        %shift_left3A_58 = vector.broadcast %shift_left3A_57 : i32 to vector<16xi32>
        %shift_left3A_59 = arith.shli %gather3A_52, %shift_left3A_58 : vector<16xi32>
        %bitcast_convert_type3A_60 = tpu.bitcast %shift_left3A_59 : vector<16xi32> -> vector<16xf32>
        %and3A_61 = vector.broadcast %scan3A_0 : i32 to vector<16xi32>
        %and3A_62 = arith.andi %gather3A_52, %and3A_61 : vector<16xi32>
        %bitcast_convert_type3A_63 = tpu.bitcast %and3A_62 : vector<16xi32> -> vector<16xf32>
        %shift_left3A_64 = arith.constant 16 : i32
        %shift_left3A_65 = vector.broadcast %shift_left3A_64 : i32 to vector<16xi32>
        %shift_left3A_66 = arith.shli %gather3A_56, %shift_left3A_65 : vector<16xi32>
        %bitcast_convert_type3A_67 = tpu.bitcast %shift_left3A_66 : vector<16xi32> -> vector<16xf32>
        %and3A_68 = vector.broadcast %scan3A_0 : i32 to vector<16xi32>
        %and3A_69 = arith.andi %gather3A_56, %and3A_68 : vector<16xi32>
        %bitcast_convert_type3A_70 = tpu.bitcast %and3A_69 : vector<16xi32> -> vector<16xf32>
        %sub3A_71 = arith.subf %bitcast_convert_type3A_60, %bitcast_convert_type3A_67 : vector<16xf32>
        %sub3A_72 = arith.subf %bitcast_convert_type3A_63, %bitcast_convert_type3A_70 : vector<16xf32>
        %add3A_73 = arith.constant 2 : i32
        %add3A_74 = vector.broadcast %add3A_73 : i32 to vector<16xi32>
        %add3A_75 = arith.addi %mul3A_23, %add3A_74 : vector<16xi32>
        %gather3A_76 = tpu.vector_load_idx %arg6[%add3A_75] : memref<40000xi32, #tpu.memory_space<vmem>>[vector<16xi32>], vector<16xi32>,
        %add3A_77 = arith.constant 2 : i32
        %add3A_78 = vector.broadcast %add3A_77 : i32 to vector<16xi32>
        %add3A_79 = arith.addi %mul3A_30, %add3A_78 : vector<16xi32>
        %gather3A_80 = tpu.vector_load_idx %arg6[%add3A_79] : memref<40000xi32, #tpu.memory_space<vmem>>[vector<16xi32>], vector<16xi32>,
        %shift_left3A_81 = arith.constant 16 : i32
        %shift_left3A_82 = vector.broadcast %shift_left3A_81 : i32 to vector<16xi32>
        %shift_left3A_83 = arith.shli %gather3A_76, %shift_left3A_82 : vector<16xi32>
        %bitcast_convert_type3A_84 = tpu.bitcast %shift_left3A_83 : vector<16xi32> -> vector<16xf32>
        %and3A_85 = vector.broadcast %scan3A_0 : i32 to vector<16xi32>
        %and3A_86 = arith.andi %gather3A_76, %and3A_85 : vector<16xi32>
        %bitcast_convert_type3A_87 = tpu.bitcast %and3A_86 : vector<16xi32> -> vector<16xf32>
        %shift_left3A_88 = arith.constant 16 : i32
        %shift_left3A_89 = vector.broadcast %shift_left3A_88 : i32 to vector<16xi32>
        %shift_left3A_90 = arith.shli %gather3A_80, %shift_left3A_89 : vector<16xi32>
        %bitcast_convert_type3A_91 = tpu.bitcast %shift_left3A_90 : vector<16xi32> -> vector<16xf32>
        %and3A_92 = vector.broadcast %scan3A_0 : i32 to vector<16xi32>
        %and3A_93 = arith.andi %gather3A_80, %and3A_92 : vector<16xi32>
        %bitcast_convert_type3A_94 = tpu.bitcast %and3A_93 : vector<16xi32> -> vector<16xf32>
        %sub3A_95 = arith.subf %bitcast_convert_type3A_84, %bitcast_convert_type3A_91 : vector<16xf32>
        %sub3A_96 = arith.subf %bitcast_convert_type3A_87, %bitcast_convert_type3A_94 : vector<16xf32>
        %add3A_97 = arith.constant 3 : i32
        %add3A_98 = vector.broadcast %add3A_97 : i32 to vector<16xi32>
        %add3A_99 = arith.addi %mul3A_23, %add3A_98 : vector<16xi32>
        %gather3A_100 = tpu.vector_load_idx %arg6[%add3A_99] : memref<40000xi32, #tpu.memory_space<vmem>>[vector<16xi32>], vector<16xi32>,
        %add3A_101 = arith.constant 3 : i32
        %add3A_102 = vector.broadcast %add3A_101 : i32 to vector<16xi32>
        %add3A_103 = arith.addi %mul3A_30, %add3A_102 : vector<16xi32>
        %gather3A_104 = tpu.vector_load_idx %arg6[%add3A_103] : memref<40000xi32, #tpu.memory_space<vmem>>[vector<16xi32>], vector<16xi32>,
        %shift_left3A_105 = arith.constant 16 : i32
        %shift_left3A_106 = vector.broadcast %shift_left3A_105 : i32 to vector<16xi32>
        %shift_left3A_107 = arith.shli %gather3A_100, %shift_left3A_106 : vector<16xi32>
        %bitcast_convert_type3A_108 = tpu.bitcast %shift_left3A_107 : vector<16xi32> -> vector<16xf32>
        %and3A_109 = vector.broadcast %scan3A_0 : i32 to vector<16xi32>
        %and3A_110 = arith.andi %gather3A_100, %and3A_109 : vector<16xi32>
        %bitcast_convert_type3A_111 = tpu.bitcast %and3A_110 : vector<16xi32> -> vector<16xf32>
        %shift_left3A_112 = arith.constant 16 : i32
        %shift_left3A_113 = vector.broadcast %shift_left3A_112 : i32 to vector<16xi32>
        %shift_left3A_114 = arith.shli %gather3A_104, %shift_left3A_113 : vector<16xi32>
        %bitcast_convert_type3A_115 = tpu.bitcast %shift_left3A_114 : vector<16xi32> -> vector<16xf32>
        %and3A_116 = vector.broadcast %scan3A_0 : i32 to vector<16xi32>
        %and3A_117 = arith.andi %gather3A_104, %and3A_116 : vector<16xi32>
        %bitcast_convert_type3A_118 = tpu.bitcast %and3A_117 : vector<16xi32> -> vector<16xf32>
        %sub3A_119 = arith.subf %bitcast_convert_type3A_108, %bitcast_convert_type3A_115 : vector<16xf32>
        %sub3A_120 = arith.subf %bitcast_convert_type3A_111, %bitcast_convert_type3A_118 : vector<16xf32>
        %get3A_121 = arith.constant 1 : i32
        %get3A_122 = arith.index_cast %get3A_121 : i32 to index
        %get3A_123 = arith.index_cast %multiple_of3A_17 : i32 to index
        %get3A_124 = tpu.vector_load %arg7[%get3A_122, %get3A_123] {strides = array<i32>} : memref<16x2000xi32, #tpu.memory_space<vmem>>, vector<16xi32>,
        %mul3A_125 = arith.constant 4 : i32
        %mul3A_126 = vector.broadcast %mul3A_125 : i32 to vector<16xi32>
        %mul3A_127 = arith.muli %get3A_124, %mul3A_126 : vector<16xi32>
        %get3A_128 = arith.constant 1 : i32
        %get3A_129 = arith.index_cast %get3A_128 : i32 to index
        %get3A_130 = arith.index_cast %multiple_of3A_17 : i32 to index
        %get3A_131 = tpu.vector_load %arg8[%get3A_129, %get3A_130] {strides = array<i32>} : memref<16x2000xi32, #tpu.memory_space<vmem>>, vector<16xi32>,
        %mul3A_132 = arith.constant 4 : i32
        %mul3A_133 = vector.broadcast %mul3A_132 : i32 to vector<16xi32>
        %mul3A_134 = arith.muli %get3A_131, %mul3A_133 : vector<16xi32>
        %add3A_135 = arith.constant 0 : i32
        %add3A_136 = vector.broadcast %add3A_135 : i32 to vector<16xi32>
        %add3A_137 = arith.addi %mul3A_127, %add3A_136 : vector<16xi32>
        %gather3A_138 = tpu.vector_load_idx %arg6[%add3A_137] : memref<40000xi32, #tpu.memory_space<vmem>>[vector<16xi32>], vector<16xi32>,
        %add3A_139 = arith.constant 0 : i32
        %add3A_140 = vector.broadcast %add3A_139 : i32 to vector<16xi32>
        %add3A_141 = arith.addi %mul3A_134, %add3A_140 : vector<16xi32>
        %gather3A_142 = tpu.vector_load_idx %arg6[%add3A_141] : memref<40000xi32, #tpu.memory_space<vmem>>[vector<16xi32>], vector<16xi32>,
        %shift_left3A_143 = arith.constant 16 : i32
        %shift_left3A_144 = vector.broadcast %shift_left3A_143 : i32 to vector<16xi32>
        %shift_left3A_145 = arith.shli %gather3A_138, %shift_left3A_144 : vector<16xi32>
        %bitcast_convert_type3A_146 = tpu.bitcast %shift_left3A_145 : vector<16xi32> -> vector<16xf32>
        %and3A_147 = vector.broadcast %scan3A_0 : i32 to vector<16xi32>
        %and3A_148 = arith.andi %gather3A_138, %and3A_147 : vector<16xi32>
        %bitcast_convert_type3A_149 = tpu.bitcast %and3A_148 : vector<16xi32> -> vector<16xf32>
        %shift_left3A_150 = arith.constant 16 : i32
        %shift_left3A_151 = vector.broadcast %shift_left3A_150 : i32 to vector<16xi32>
        %shift_left3A_152 = arith.shli %gather3A_142, %shift_left3A_151 : vector<16xi32>
        %bitcast_convert_type3A_153 = tpu.bitcast %shift_left3A_152 : vector<16xi32> -> vector<16xf32>
        %and3A_154 = vector.broadcast %scan3A_0 : i32 to vector<16xi32>
        %and3A_155 = arith.andi %gather3A_142, %and3A_154 : vector<16xi32>
        %bitcast_convert_type3A_156 = tpu.bitcast %and3A_155 : vector<16xi32> -> vector<16xf32>
        %sub3A_157 = arith.subf %bitcast_convert_type3A_146, %bitcast_convert_type3A_153 : vector<16xf32>
        %sub3A_158 = arith.subf %bitcast_convert_type3A_149, %bitcast_convert_type3A_156 : vector<16xf32>
        %max3A = arith.maximumf %sub3A, %sub3A_157 : vector<16xf32>
        %max3A_159 = arith.maximumf %sub3A_48, %sub3A_158 : vector<16xf32>
        %add3A_160 = arith.constant 1 : i32
        %add3A_161 = vector.broadcast %add3A_160 : i32 to vector<16xi32>
        %add3A_162 = arith.addi %mul3A_127, %add3A_161 : vector<16xi32>
        %gather3A_163 = tpu.vector_load_idx %arg6[%add3A_162] : memref<40000xi32, #tpu.memory_space<vmem>>[vector<16xi32>], vector<16xi32>,
        %add3A_164 = arith.constant 1 : i32
        %add3A_165 = vector.broadcast %add3A_164 : i32 to vector<16xi32>
        %add3A_166 = arith.addi %mul3A_134, %add3A_165 : vector<16xi32>
        %gather3A_167 = tpu.vector_load_idx %arg6[%add3A_166] : memref<40000xi32, #tpu.memory_space<vmem>>[vector<16xi32>], vector<16xi32>,
        %shift_left3A_168 = arith.constant 16 : i32
        %shift_left3A_169 = vector.broadcast %shift_left3A_168 : i32 to vector<16xi32>
        %shift_left3A_170 = arith.shli %gather3A_163, %shift_left3A_169 : vector<16xi32>
        %bitcast_convert_type3A_171 = tpu.bitcast %shift_left3A_170 : vector<16xi32> -> vector<16xf32>
        %and3A_172 = vector.broadcast %scan3A_0 : i32 to vector<16xi32>
        %and3A_173 = arith.andi %gather3A_163, %and3A_172 : vector<16xi32>
        %bitcast_convert_type3A_174 = tpu.bitcast %and3A_173 : vector<16xi32> -> vector<16xf32>
        %shift_left3A_175 = arith.constant 16 : i32
        %shift_left3A_176 = vector.broadcast %shift_left3A_175 : i32 to vector<16xi32>
        %shift_left3A_177 = arith.shli %gather3A_167, %shift_left3A_176 : vector<16xi32>
        %bitcast_convert_type3A_178 = tpu.bitcast %shift_left3A_177 : vector<16xi32> -> vector<16xf32>
        %and3A_179 = vector.broadcast %scan3A_0 : i32 to vector<16xi32>
        %and3A_180 = arith.andi %gather3A_167, %and3A_179 : vector<16xi32>
        %bitcast_convert_type3A_181 = tpu.bitcast %and3A_180 : vector<16xi32> -> vector<16xf32>
        %sub3A_182 = arith.subf %bitcast_convert_type3A_171, %bitcast_convert_type3A_178 : vector<16xf32>
        %sub3A_183 = arith.subf %bitcast_convert_type3A_174, %bitcast_convert_type3A_181 : vector<16xf32>
        %max3A_184 = arith.maximumf %sub3A_71, %sub3A_182 : vector<16xf32>
        %max3A_185 = arith.maximumf %sub3A_72, %sub3A_183 : vector<16xf32>
        %add3A_186 = arith.constant 2 : i32
        %add3A_187 = vector.broadcast %add3A_186 : i32 to vector<16xi32>
        %add3A_188 = arith.addi %mul3A_127, %add3A_187 : vector<16xi32>
        %gather3A_189 = tpu.vector_load_idx %arg6[%add3A_188] : memref<40000xi32, #tpu.memory_space<vmem>>[vector<16xi32>], vector<16xi32>,
        %add3A_190 = arith.constant 2 : i32
        %add3A_191 = vector.broadcast %add3A_190 : i32 to vector<16xi32>
        %add3A_192 = arith.addi %mul3A_134, %add3A_191 : vector<16xi32>
        %gather3A_193 = tpu.vector_load_idx %arg6[%add3A_192] : memref<40000xi32, #tpu.memory_space<vmem>>[vector<16xi32>], vector<16xi32>,
        %shift_left3A_194 = arith.constant 16 : i32
        %shift_left3A_195 = vector.broadcast %shift_left3A_194 : i32 to vector<16xi32>
        %shift_left3A_196 = arith.shli %gather3A_189, %shift_left3A_195 : vector<16xi32>
        %bitcast_convert_type3A_197 = tpu.bitcast %shift_left3A_196 : vector<16xi32> -> vector<16xf32>
        %and3A_198 = vector.broadcast %scan3A_0 : i32 to vector<16xi32>
        %and3A_199 = arith.andi %gather3A_189, %and3A_198 : vector<16xi32>
        %bitcast_convert_type3A_200 = tpu.bitcast %and3A_199 : vector<16xi32> -> vector<16xf32>
        %shift_left3A_201 = arith.constant 16 : i32
        %shift_left3A_202 = vector.broadcast %shift_left3A_201 : i32 to vector<16xi32>
        %shift_left3A_203 = arith.shli %gather3A_193, %shift_left3A_202 : vector<16xi32>
        %bitcast_convert_type3A_204 = tpu.bitcast %shift_left3A_203 : vector<16xi32> -> vector<16xf32>
        %and3A_205 = vector.broadcast %scan3A_0 : i32 to vector<16xi32>
        %and3A_206 = arith.andi %gather3A_193, %and3A_205 : vector<16xi32>
        %bitcast_convert_type3A_207 = tpu.bitcast %and3A_206 : vector<16xi32> -> vector<16xf32>
        %sub3A_208 = arith.subf %bitcast_convert_type3A_197, %bitcast_convert_type3A_204 : vector<16xf32>
        %sub3A_209 = arith.subf %bitcast_convert_type3A_200, %bitcast_convert_type3A_207 : vector<16xf32>
        %max3A_210 = arith.maximumf %sub3A_95, %sub3A_208 : vector<16xf32>
        %max3A_211 = arith.maximumf %sub3A_96, %sub3A_209 : vector<16xf32>
        %add3A_212 = arith.constant 3 : i32
        %add3A_213 = vector.broadcast %add3A_212 : i32 to vector<16xi32>
        %add3A_214 = arith.addi %mul3A_127, %add3A_213 : vector<16xi32>
        %gather3A_215 = tpu.vector_load_idx %arg6[%add3A_214] : memref<40000xi32, #tpu.memory_space<vmem>>[vector<16xi32>], vector<16xi32>,
        %add3A_216 = arith.constant 3 : i32
        %add3A_217 = vector.broadcast %add3A_216 : i32 to vector<16xi32>
        %add3A_218 = arith.addi %mul3A_134, %add3A_217 : vector<16xi32>
        %gather3A_219 = tpu.vector_load_idx %arg6[%add3A_218] : memref<40000xi32, #tpu.memory_space<vmem>>[vector<16xi32>], vector<16xi32>,
        %shift_left3A_220 = arith.constant 16 : i32
        %shift_left3A_221 = vector.broadcast %shift_left3A_220 : i32 to vector<16xi32>
        %shift_left3A_222 = arith.shli %gather3A_215, %shift_left3A_221 : vector<16xi32>
        %bitcast_convert_type3A_223 = tpu.bitcast %shift_left3A_222 : vector<16xi32> -> vector<16xf32>
        %and3A_224 = vector.broadcast %scan3A_0 : i32 to vector<16xi32>
        %and3A_225 = arith.andi %gather3A_215, %and3A_224 : vector<16xi32>
        %bitcast_convert_type3A_226 = tpu.bitcast %and3A_225 : vector<16xi32> -> vector<16xf32>
        %shift_left3A_227 = arith.constant 16 : i32
        %shift_left3A_228 = vector.broadcast %shift_left3A_227 : i32 to vector<16xi32>
        %shift_left3A_229 = arith.shli %gather3A_219, %shift_left3A_228 : vector<16xi32>
        %bitcast_convert_type3A_230 = tpu.bitcast %shift_left3A_229 : vector<16xi32> -> vector<16xf32>
        %and3A_231 = vector.broadcast %scan3A_0 : i32 to vector<16xi32>
        %and3A_232 = arith.andi %gather3A_219, %and3A_231 : vector<16xi32>
        %bitcast_convert_type3A_233 = tpu.bitcast %and3A_232 : vector<16xi32> -> vector<16xf32>
        %sub3A_234 = arith.subf %bitcast_convert_type3A_223, %bitcast_convert_type3A_230 : vector<16xf32>
        %sub3A_235 = arith.subf %bitcast_convert_type3A_226, %bitcast_convert_type3A_233 : vector<16xf32>
        %max3A_236 = arith.maximumf %sub3A_119, %sub3A_234 : vector<16xf32>
        %max3A_237 = arith.maximumf %sub3A_120, %sub3A_235 : vector<16xf32>
        %get3A_238 = arith.constant 2 : i32
        %get3A_239 = arith.index_cast %get3A_238 : i32 to index
        %get3A_240 = arith.index_cast %multiple_of3A_17 : i32 to index
        %get3A_241 = tpu.vector_load %arg7[%get3A_239, %get3A_240] {strides = array<i32>} : memref<16x2000xi32, #tpu.memory_space<vmem>>, vector<16xi32>,
        %mul3A_242 = arith.constant 4 : i32
        %mul3A_243 = vector.broadcast %mul3A_242 : i32 to vector<16xi32>
        %mul3A_244 = arith.muli %get3A_241, %mul3A_243 : vector<16xi32>
        %get3A_245 = arith.constant 2 : i32
        %get3A_246 = arith.index_cast %get3A_245 : i32 to index
        %get3A_247 = arith.index_cast %multiple_of3A_17 : i32 to index
        %get3A_248 = tpu.vector_load %arg8[%get3A_246, %get3A_247] {strides = array<i32>} : memref<16x2000xi32, #tpu.memory_space<vmem>>, vector<16xi32>,
        %mul3A_249 = arith.constant 4 : i32
        %mul3A_250 = vector.broadcast %mul3A_249 : i32 to vector<16xi32>
        %mul3A_251 = arith.muli %get3A_248, %mul3A_250 : vector<16xi32>
        %add3A_252 = arith.constant 0 : i32
        %add3A_253 = vector.broadcast %add3A_252 : i32 to vector<16xi32>
        %add3A_254 = arith.addi %mul3A_244, %add3A_253 : vector<16xi32>
        %gather3A_255 = tpu.vector_load_idx %arg6[%add3A_254] : memref<40000xi32, #tpu.memory_space<vmem>>[vector<16xi32>], vector<16xi32>,
        %add3A_256 = arith.constant 0 : i32
        %add3A_257 = vector.broadcast %add3A_256 : i32 to vector<16xi32>
        %add3A_258 = arith.addi %mul3A_251, %add3A_257 : vector<16xi32>
        %gather3A_259 = tpu.vector_load_idx %arg6[%add3A_258] : memref<40000xi32, #tpu.memory_space<vmem>>[vector<16xi32>], vector<16xi32>,
        %shift_left3A_260 = arith.constant 16 : i32
        %shift_left3A_261 = vector.broadcast %shift_left3A_260 : i32 to vector<16xi32>
        %shift_left3A_262 = arith.shli %gather3A_255, %shift_left3A_261 : vector<16xi32>
        %bitcast_convert_type3A_263 = tpu.bitcast %shift_left3A_262 : vector<16xi32> -> vector<16xf32>
        %and3A_264 = vector.broadcast %scan3A_0 : i32 to vector<16xi32>
        %and3A_265 = arith.andi %gather3A_255, %and3A_264 : vector<16xi32>
        %bitcast_convert_type3A_266 = tpu.bitcast %and3A_265 : vector<16xi32> -> vector<16xf32>
        %shift_left3A_267 = arith.constant 16 : i32
        %shift_left3A_268 = vector.broadcast %shift_left3A_267 : i32 to vector<16xi32>
        %shift_left3A_269 = arith.shli %gather3A_259, %shift_left3A_268 : vector<16xi32>
        %bitcast_convert_type3A_270 = tpu.bitcast %shift_left3A_269 : vector<16xi32> -> vector<16xf32>
        %and3A_271 = vector.broadcast %scan3A_0 : i32 to vector<16xi32>
        %and3A_272 = arith.andi %gather3A_259, %and3A_271 : vector<16xi32>
        %bitcast_convert_type3A_273 = tpu.bitcast %and3A_272 : vector<16xi32> -> vector<16xf32>
        %sub3A_274 = arith.subf %bitcast_convert_type3A_263, %bitcast_convert_type3A_270 : vector<16xf32>
        %sub3A_275 = arith.subf %bitcast_convert_type3A_266, %bitcast_convert_type3A_273 : vector<16xf32>
        %max3A_276 = arith.maximumf %max3A, %sub3A_274 : vector<16xf32>
        %max3A_277 = arith.maximumf %max3A_159, %sub3A_275 : vector<16xf32>
        %add3A_278 = arith.constant 1 : i32
        %add3A_279 = vector.broadcast %add3A_278 : i32 to vector<16xi32>
        %add3A_280 = arith.addi %mul3A_244, %add3A_279 : vector<16xi32>
        %gather3A_281 = tpu.vector_load_idx %arg6[%add3A_280] : memref<40000xi32, #tpu.memory_space<vmem>>[vector<16xi32>], vector<16xi32>,
        %add3A_282 = arith.constant 1 : i32
        %add3A_283 = vector.broadcast %add3A_282 : i32 to vector<16xi32>
        %add3A_284 = arith.addi %mul3A_251, %add3A_283 : vector<16xi32>
        %gather3A_285 = tpu.vector_load_idx %arg6[%add3A_284] : memref<40000xi32, #tpu.memory_space<vmem>>[vector<16xi32>], vector<16xi32>,
        %shift_left3A_286 = arith.constant 16 : i32
        %shift_left3A_287 = vector.broadcast %shift_left3A_286 : i32 to vector<16xi32>
        %shift_left3A_288 = arith.shli %gather3A_281, %shift_left3A_287 : vector<16xi32>
        %bitcast_convert_type3A_289 = tpu.bitcast %shift_left3A_288 : vector<16xi32> -> vector<16xf32>
        %and3A_290 = vector.broadcast %scan3A_0 : i32 to vector<16xi32>
        %and3A_291 = arith.andi %gather3A_281, %and3A_290 : vector<16xi32>
        %bitcast_convert_type3A_292 = tpu.bitcast %and3A_291 : vector<16xi32> -> vector<16xf32>
        %shift_left3A_293 = arith.constant 16 : i32
        %shift_left3A_294 = vector.broadcast %shift_left3A_293 : i32 to vector<16xi32>
        %shift_left3A_295 = arith.shli %gather3A_285, %shift_left3A_294 : vector<16xi32>
        %bitcast_convert_type3A_296 = tpu.bitcast %shift_left3A_295 : vector<16xi32> -> vector<16xf32>
        %and3A_297 = vector.broadcast %scan3A_0 : i32 to vector<16xi32>
        %and3A_298 = arith.andi %gather3A_285, %and3A_297 : vector<16xi32>
        %bitcast_convert_type3A_299 = tpu.bitcast %and3A_298 : vector<16xi32> -> vector<16xf32>
        %sub3A_300 = arith.subf %bitcast_convert_type3A_289, %bitcast_convert_type3A_296 : vector<16xf32>
        %sub3A_301 = arith.subf %bitcast_convert_type3A_292, %bitcast_convert_type3A_299 : vector<16xf32>
        %max3A_302 = arith.maximumf %max3A_184, %sub3A_300 : vector<16xf32>
        %max3A_303 = arith.maximumf %max3A_185, %sub3A_301 : vector<16xf32>
        %add3A_304 = arith.constant 2 : i32
        %add3A_305 = vector.broadcast %add3A_304 : i32 to vector<16xi32>
        %add3A_306 = arith.addi %mul3A_244, %add3A_305 : vector<16xi32>
        %gather3A_307 = tpu.vector_load_idx %arg6[%add3A_306] : memref<40000xi32, #tpu.memory_space<vmem>>[vector<16xi32>], vector<16xi32>,
        %add3A_308 = arith.constant 2 : i32
        %add3A_309 = vector.broadcast %add3A_308 : i32 to vector<16xi32>
        %add3A_310 = arith.addi %mul3A_251, %add3A_309 : vector<16xi32>
        %gather3A_311 = tpu.vector_load_idx %arg6[%add3A_310] : memref<40000xi32, #tpu.memory_space<vmem>>[vector<16xi32>], vector<16xi32>,
        %shift_left3A_312 = arith.constant 16 : i32
        %shift_left3A_313 = vector.broadcast %shift_left3A_312 : i32 to vector<16xi32>
        %shift_left3A_314 = arith.shli %gather3A_307, %shift_left3A_313 : vector<16xi32>
        %bitcast_convert_type3A_315 = tpu.bitcast %shift_left3A_314 : vector<16xi32> -> vector<16xf32>
        %and3A_316 = vector.broadcast %scan3A_0 : i32 to vector<16xi32>
        %and3A_317 = arith.andi %gather3A_307, %and3A_316 : vector<16xi32>
        %bitcast_convert_type3A_318 = tpu.bitcast %and3A_317 : vector<16xi32> -> vector<16xf32>
        %shift_left3A_319 = arith.constant 16 : i32
        %shift_left3A_320 = vector.broadcast %shift_left3A_319 : i32 to vector<16xi32>
        %shift_left3A_321 = arith.shli %gather3A_311, %shift_left3A_320 : vector<16xi32>
        %bitcast_convert_type3A_322 = tpu.bitcast %shift_left3A_321 : vector<16xi32> -> vector<16xf32>
        %and3A_323 = vector.broadcast %scan3A_0 : i32 to vector<16xi32>
        %and3A_324 = arith.andi %gather3A_311, %and3A_323 : vector<16xi32>
        %bitcast_convert_type3A_325 = tpu.bitcast %and3A_324 : vector<16xi32> -> vector<16xf32>
        %sub3A_326 = arith.subf %bitcast_convert_type3A_315, %bitcast_convert_type3A_322 : vector<16xf32>
        %sub3A_327 = arith.subf %bitcast_convert_type3A_318, %bitcast_convert_type3A_325 : vector<16xf32>
        %max3A_328 = arith.maximumf %max3A_210, %sub3A_326 : vector<16xf32>
        %max3A_329 = arith.maximumf %max3A_211, %sub3A_327 : vector<16xf32>
        %add3A_330 = arith.constant 3 : i32
        %add3A_331 = vector.broadcast %add3A_330 : i32 to vector<16xi32>
        %add3A_332 = arith.addi %mul3A_244, %add3A_331 : vector<16xi32>
        %gather3A_333 = tpu.vector_load_idx %arg6[%add3A_332] : memref<40000xi32, #tpu.memory_space<vmem>>[vector<16xi32>], vector<16xi32>,
        %add3A_334 = arith.constant 3 : i32
        %add3A_335 = vector.broadcast %add3A_334 : i32 to vector<16xi32>
        %add3A_336 = arith.addi %mul3A_251, %add3A_335 : vector<16xi32>
        %gather3A_337 = tpu.vector_load_idx %arg6[%add3A_336] : memref<40000xi32, #tpu.memory_space<vmem>>[vector<16xi32>], vector<16xi32>,
        %shift_left3A_338 = arith.constant 16 : i32
        %shift_left3A_339 = vector.broadcast %shift_left3A_338 : i32 to vector<16xi32>
        %shift_left3A_340 = arith.shli %gather3A_333, %shift_left3A_339 : vector<16xi32>
        %bitcast_convert_type3A_341 = tpu.bitcast %shift_left3A_340 : vector<16xi32> -> vector<16xf32>
        %and3A_342 = vector.broadcast %scan3A_0 : i32 to vector<16xi32>
        %and3A_343 = arith.andi %gather3A_333, %and3A_342 : vector<16xi32>
        %bitcast_convert_type3A_344 = tpu.bitcast %and3A_343 : vector<16xi32> -> vector<16xf32>
        %shift_left3A_345 = arith.constant 16 : i32
        %shift_left3A_346 = vector.broadcast %shift_left3A_345 : i32 to vector<16xi32>
        %shift_left3A_347 = arith.shli %gather3A_337, %shift_left3A_346 : vector<16xi32>
        %bitcast_convert_type3A_348 = tpu.bitcast %shift_left3A_347 : vector<16xi32> -> vector<16xf32>
        %and3A_349 = vector.broadcast %scan3A_0 : i32 to vector<16xi32>
        %and3A_350 = arith.andi %gather3A_337, %and3A_349 : vector<16xi32>
        %bitcast_convert_type3A_351 = tpu.bitcast %and3A_350 : vector<16xi32> -> vector<16xf32>
        %sub3A_352 = arith.subf %bitcast_convert_type3A_341, %bitcast_convert_type3A_348 : vector<16xf32>
        %sub3A_353 = arith.subf %bitcast_convert_type3A_344, %bitcast_convert_type3A_351 : vector<16xf32>
        %max3A_354 = arith.maximumf %max3A_236, %sub3A_352 : vector<16xf32>
        %max3A_355 = arith.maximumf %max3A_237, %sub3A_353 : vector<16xf32>
        %get3A_356 = arith.constant 3 : i32
        %get3A_357 = arith.index_cast %get3A_356 : i32 to index
        %get3A_358 = arith.index_cast %multiple_of3A_17 : i32 to index
        %get3A_359 = tpu.vector_load %arg7[%get3A_357, %get3A_358] {strides = array<i32>} : memref<16x2000xi32, #tpu.memory_space<vmem>>, vector<16xi32>,
        %mul3A_360 = arith.constant 4 : i32
        %mul3A_361 = vector.broadcast %mul3A_360 : i32 to vector<16xi32>
        %mul3A_362 = arith.muli %get3A_359, %mul3A_361 : vector<16xi32>
        %get3A_363 = arith.constant 3 : i32
        %get3A_364 = arith.index_cast %get3A_363 : i32 to index
        %get3A_365 = arith.index_cast %multiple_of3A_17 : i32 to index
        %get3A_366 = tpu.vector_load %arg8[%get3A_364, %get3A_365] {strides = array<i32>} : memref<16x2000xi32, #tpu.memory_space<vmem>>, vector<16xi32>,
        %mul3A_367 = arith.constant 4 : i32
        %mul3A_368 = vector.broadcast %mul3A_367 : i32 to vector<16xi32>
        %mul3A_369 = arith.muli %get3A_366, %mul3A_368 : vector<16xi32>
        %add3A_370 = arith.constant 0 : i32
        %add3A_371 = vector.broadcast %add3A_370 : i32 to vector<16xi32>
        %add3A_372 = arith.addi %mul3A_362, %add3A_371 : vector<16xi32>
        %gather3A_373 = tpu.vector_load_idx %arg6[%add3A_372] : memref<40000xi32, #tpu.memory_space<vmem>>[vector<16xi32>], vector<16xi32>,
        %add3A_374 = arith.constant 0 : i32
        %add3A_375 = vector.broadcast %add3A_374 : i32 to vector<16xi32>
        %add3A_376 = arith.addi %mul3A_369, %add3A_375 : vector<16xi32>
        %gather3A_377 = tpu.vector_load_idx %arg6[%add3A_376] : memref<40000xi32, #tpu.memory_space<vmem>>[vector<16xi32>], vector<16xi32>,
        %shift_left3A_378 = arith.constant 16 : i32
        %shift_left3A_379 = vector.broadcast %shift_left3A_378 : i32 to vector<16xi32>
        %shift_left3A_380 = arith.shli %gather3A_373, %shift_left3A_379 : vector<16xi32>
        %bitcast_convert_type3A_381 = tpu.bitcast %shift_left3A_380 : vector<16xi32> -> vector<16xf32>
        %and3A_382 = vector.broadcast %scan3A_0 : i32 to vector<16xi32>
        %and3A_383 = arith.andi %gather3A_373, %and3A_382 : vector<16xi32>
        %bitcast_convert_type3A_384 = tpu.bitcast %and3A_383 : vector<16xi32> -> vector<16xf32>
        %shift_left3A_385 = arith.constant 16 : i32
        %shift_left3A_386 = vector.broadcast %shift_left3A_385 : i32 to vector<16xi32>
        %shift_left3A_387 = arith.shli %gather3A_377, %shift_left3A_386 : vector<16xi32>
        %bitcast_convert_type3A_388 = tpu.bitcast %shift_left3A_387 : vector<16xi32> -> vector<16xf32>
        %and3A_389 = vector.broadcast %scan3A_0 : i32 to vector<16xi32>
        %and3A_390 = arith.andi %gather3A_377, %and3A_389 : vector<16xi32>
        %bitcast_convert_type3A_391 = tpu.bitcast %and3A_390 : vector<16xi32> -> vector<16xf32>
        %sub3A_392 = arith.subf %bitcast_convert_type3A_381, %bitcast_convert_type3A_388 : vector<16xf32>
        %sub3A_393 = arith.subf %bitcast_convert_type3A_384, %bitcast_convert_type3A_391 : vector<16xf32>
        %max3A_394 = arith.maximumf %max3A_276, %sub3A_392 : vector<16xf32>
        %max3A_395 = arith.maximumf %max3A_277, %sub3A_393 : vector<16xf32>
        %add3A_396 = arith.constant 1 : i32
        %add3A_397 = vector.broadcast %add3A_396 : i32 to vector<16xi32>
        %add3A_398 = arith.addi %mul3A_362, %add3A_397 : vector<16xi32>
        %gather3A_399 = tpu.vector_load_idx %arg6[%add3A_398] : memref<40000xi32, #tpu.memory_space<vmem>>[vector<16xi32>], vector<16xi32>,
        %add3A_400 = arith.constant 1 : i32
        %add3A_401 = vector.broadcast %add3A_400 : i32 to vector<16xi32>
        %add3A_402 = arith.addi %mul3A_369, %add3A_401 : vector<16xi32>
        %gather3A_403 = tpu.vector_load_idx %arg6[%add3A_402] : memref<40000xi32, #tpu.memory_space<vmem>>[vector<16xi32>], vector<16xi32>,
        %shift_left3A_404 = arith.constant 16 : i32
        %shift_left3A_405 = vector.broadcast %shift_left3A_404 : i32 to vector<16xi32>
        %shift_left3A_406 = arith.shli %gather3A_399, %shift_left3A_405 : vector<16xi32>
        %bitcast_convert_type3A_407 = tpu.bitcast %shift_left3A_406 : vector<16xi32> -> vector<16xf32>
        %and3A_408 = vector.broadcast %scan3A_0 : i32 to vector<16xi32>
        %and3A_409 = arith.andi %gather3A_399, %and3A_408 : vector<16xi32>
        %bitcast_convert_type3A_410 = tpu.bitcast %and3A_409 : vector<16xi32> -> vector<16xf32>
        %shift_left3A_411 = arith.constant 16 : i32
        %shift_left3A_412 = vector.broadcast %shift_left3A_411 : i32 to vector<16xi32>
        %shift_left3A_413 = arith.shli %gather3A_403, %shift_left3A_412 : vector<16xi32>
        %bitcast_convert_type3A_414 = tpu.bitcast %shift_left3A_413 : vector<16xi32> -> vector<16xf32>
        %and3A_415 = vector.broadcast %scan3A_0 : i32 to vector<16xi32>
        %and3A_416 = arith.andi %gather3A_403, %and3A_415 : vector<16xi32>
        %bitcast_convert_type3A_417 = tpu.bitcast %and3A_416 : vector<16xi32> -> vector<16xf32>
        %sub3A_418 = arith.subf %bitcast_convert_type3A_407, %bitcast_convert_type3A_414 : vector<16xf32>
        %sub3A_419 = arith.subf %bitcast_convert_type3A_410, %bitcast_convert_type3A_417 : vector<16xf32>
        %max3A_420 = arith.maximumf %max3A_302, %sub3A_418 : vector<16xf32>
        %max3A_421 = arith.maximumf %max3A_303, %sub3A_419 : vector<16xf32>
        %add3A_422 = arith.constant 2 : i32
        %add3A_423 = vector.broadcast %add3A_422 : i32 to vector<16xi32>
        %add3A_424 = arith.addi %mul3A_362, %add3A_423 : vector<16xi32>
        %gather3A_425 = tpu.vector_load_idx %arg6[%add3A_424] : memref<40000xi32, #tpu.memory_space<vmem>>[vector<16xi32>], vector<16xi32>,
        %add3A_426 = arith.constant 2 : i32
        %add3A_427 = vector.broadcast %add3A_426 : i32 to vector<16xi32>
        %add3A_428 = arith.addi %mul3A_369, %add3A_427 : vector<16xi32>
        %gather3A_429 = tpu.vector_load_idx %arg6[%add3A_428] : memref<40000xi32, #tpu.memory_space<vmem>>[vector<16xi32>], vector<16xi32>,
        %shift_left3A_430 = arith.constant 16 : i32
        %shift_left3A_431 = vector.broadcast %shift_left3A_430 : i32 to vector<16xi32>
        %shift_left3A_432 = arith.shli %gather3A_425, %shift_left3A_431 : vector<16xi32>
        %bitcast_convert_type3A_433 = tpu.bitcast %shift_left3A_432 : vector<16xi32> -> vector<16xf32>
        %and3A_434 = vector.broadcast %scan3A_0 : i32 to vector<16xi32>
        %and3A_435 = arith.andi %gather3A_425, %and3A_434 : vector<16xi32>
        %bitcast_convert_type3A_436 = tpu.bitcast %and3A_435 : vector<16xi32> -> vector<16xf32>
        %shift_left3A_437 = arith.constant 16 : i32
        %shift_left3A_438 = vector.broadcast %shift_left3A_437 : i32 to vector<16xi32>
        %shift_left3A_439 = arith.shli %gather3A_429, %shift_left3A_438 : vector<16xi32>
        %bitcast_convert_type3A_440 = tpu.bitcast %shift_left3A_439 : vector<16xi32> -> vector<16xf32>
        %and3A_441 = vector.broadcast %scan3A_0 : i32 to vector<16xi32>
        %and3A_442 = arith.andi %gather3A_429, %and3A_441 : vector<16xi32>
        %bitcast_convert_type3A_443 = tpu.bitcast %and3A_442 : vector<16xi32> -> vector<16xf32>
        %sub3A_444 = arith.subf %bitcast_convert_type3A_433, %bitcast_convert_type3A_440 : vector<16xf32>
        %sub3A_445 = arith.subf %bitcast_convert_type3A_436, %bitcast_convert_type3A_443 : vector<16xf32>
        %max3A_446 = arith.maximumf %max3A_328, %sub3A_444 : vector<16xf32>
        %max3A_447 = arith.maximumf %max3A_329, %sub3A_445 : vector<16xf32>
        %add3A_448 = arith.constant 3 : i32
        %add3A_449 = vector.broadcast %add3A_448 : i32 to vector<16xi32>
        %add3A_450 = arith.addi %mul3A_362, %add3A_449 : vector<16xi32>
        %gather3A_451 = tpu.vector_load_idx %arg6[%add3A_450] : memref<40000xi32, #tpu.memory_space<vmem>>[vector<16xi32>], vector<16xi32>,
        %add3A_452 = arith.constant 3 : i32
        %add3A_453 = vector.broadcast %add3A_452 : i32 to vector<16xi32>
        %add3A_454 = arith.addi %mul3A_369, %add3A_453 : vector<16xi32>
        %gather3A_455 = tpu.vector_load_idx %arg6[%add3A_454] : memref<40000xi32, #tpu.memory_space<vmem>>[vector<16xi32>], vector<16xi32>,
        %shift_left3A_456 = arith.constant 16 : i32
        %shift_left3A_457 = vector.broadcast %shift_left3A_456 : i32 to vector<16xi32>
        %shift_left3A_458 = arith.shli %gather3A_451, %shift_left3A_457 : vector<16xi32>
        %bitcast_convert_type3A_459 = tpu.bitcast %shift_left3A_458 : vector<16xi32> -> vector<16xf32>
        %and3A_460 = vector.broadcast %scan3A_0 : i32 to vector<16xi32>
        %and3A_461 = arith.andi %gather3A_451, %and3A_460 : vector<16xi32>
        %bitcast_convert_type3A_462 = tpu.bitcast %and3A_461 : vector<16xi32> -> vector<16xf32>
        %shift_left3A_463 = arith.constant 16 : i32
        %shift_left3A_464 = vector.broadcast %shift_left3A_463 : i32 to vector<16xi32>
        %shift_left3A_465 = arith.shli %gather3A_455, %shift_left3A_464 : vector<16xi32>
        %bitcast_convert_type3A_466 = tpu.bitcast %shift_left3A_465 : vector<16xi32> -> vector<16xf32>
        %and3A_467 = vector.broadcast %scan3A_0 : i32 to vector<16xi32>
        %and3A_468 = arith.andi %gather3A_455, %and3A_467 : vector<16xi32>
        %bitcast_convert_type3A_469 = tpu.bitcast %and3A_468 : vector<16xi32> -> vector<16xf32>
        %sub3A_470 = arith.subf %bitcast_convert_type3A_459, %bitcast_convert_type3A_466 : vector<16xf32>
        %sub3A_471 = arith.subf %bitcast_convert_type3A_462, %bitcast_convert_type3A_469 : vector<16xf32>
        %max3A_472 = arith.maximumf %max3A_354, %sub3A_470 : vector<16xf32>
        %max3A_473 = arith.maximumf %max3A_355, %sub3A_471 : vector<16xf32>
        %get3A_474 = arith.constant 4 : i32
        %get3A_475 = arith.index_cast %get3A_474 : i32 to index
        %get3A_476 = arith.index_cast %multiple_of3A_17 : i32 to index
        %get3A_477 = tpu.vector_load %arg7[%get3A_475, %get3A_476] {strides = array<i32>} : memref<16x2000xi32, #tpu.memory_space<vmem>>, vector<16xi32>,
        %mul3A_478 = arith.constant 4 : i32
        %mul3A_479 = vector.broadcast %mul3A_478 : i32 to vector<16xi32>
        %mul3A_480 = arith.muli %get3A_477, %mul3A_479 : vector<16xi32>
        %get3A_481 = arith.constant 4 : i32
        %get3A_482 = arith.index_cast %get3A_481 : i32 to index
        %get3A_483 = arith.index_cast %multiple_of3A_17 : i32 to index
        %get3A_484 = tpu.vector_load %arg8[%get3A_482, %get3A_483] {strides = array<i32>} : memref<16x2000xi32, #tpu.memory_space<vmem>>, vector<16xi32>,
        %mul3A_485 = arith.constant 4 : i32
        %mul3A_486 = vector.broadcast %mul3A_485 : i32 to vector<16xi32>
        %mul3A_487 = arith.muli %get3A_484, %mul3A_486 : vector<16xi32>
        %add3A_488 = arith.constant 0 : i32
        %add3A_489 = vector.broadcast %add3A_488 : i32 to vector<16xi32>
        %add3A_490 = arith.addi %mul3A_480, %add3A_489 : vector<16xi32>
        %gather3A_491 = tpu.vector_load_idx %arg6[%add3A_490] : memref<40000xi32, #tpu.memory_space<vmem>>[vector<16xi32>], vector<16xi32>,
        %add3A_492 = arith.constant 0 : i32
        %add3A_493 = vector.broadcast %add3A_492 : i32 to vector<16xi32>
        %add3A_494 = arith.addi %mul3A_487, %add3A_493 : vector<16xi32>
        %gather3A_495 = tpu.vector_load_idx %arg6[%add3A_494] : memref<40000xi32, #tpu.memory_space<vmem>>[vector<16xi32>], vector<16xi32>,
        %shift_left3A_496 = arith.constant 16 : i32
        %shift_left3A_497 = vector.broadcast %shift_left3A_496 : i32 to vector<16xi32>
        %shift_left3A_498 = arith.shli %gather3A_491, %shift_left3A_497 : vector<16xi32>
        %bitcast_convert_type3A_499 = tpu.bitcast %shift_left3A_498 : vector<16xi32> -> vector<16xf32>
        %and3A_500 = vector.broadcast %scan3A_0 : i32 to vector<16xi32>
        %and3A_501 = arith.andi %gather3A_491, %and3A_500 : vector<16xi32>
        %bitcast_convert_type3A_502 = tpu.bitcast %and3A_501 : vector<16xi32> -> vector<16xf32>
        %shift_left3A_503 = arith.constant 16 : i32
        %shift_left3A_504 = vector.broadcast %shift_left3A_503 : i32 to vector<16xi32>
        %shift_left3A_505 = arith.shli %gather3A_495, %shift_left3A_504 : vector<16xi32>
        %bitcast_convert_type3A_506 = tpu.bitcast %shift_left3A_505 : vector<16xi32> -> vector<16xf32>
        %and3A_507 = vector.broadcast %scan3A_0 : i32 to vector<16xi32>
        %and3A_508 = arith.andi %gather3A_495, %and3A_507 : vector<16xi32>
        %bitcast_convert_type3A_509 = tpu.bitcast %and3A_508 : vector<16xi32> -> vector<16xf32>
        %sub3A_510 = arith.subf %bitcast_convert_type3A_499, %bitcast_convert_type3A_506 : vector<16xf32>
        %sub3A_511 = arith.subf %bitcast_convert_type3A_502, %bitcast_convert_type3A_509 : vector<16xf32>
        %max3A_512 = arith.maximumf %max3A_394, %sub3A_510 : vector<16xf32>
        %max3A_513 = arith.maximumf %max3A_395, %sub3A_511 : vector<16xf32>
        %add3A_514 = arith.constant 1 : i32
        %add3A_515 = vector.broadcast %add3A_514 : i32 to vector<16xi32>
        %add3A_516 = arith.addi %mul3A_480, %add3A_515 : vector<16xi32>
        %gather3A_517 = tpu.vector_load_idx %arg6[%add3A_516] : memref<40000xi32, #tpu.memory_space<vmem>>[vector<16xi32>], vector<16xi32>,
        %add3A_518 = arith.constant 1 : i32
        %add3A_519 = vector.broadcast %add3A_518 : i32 to vector<16xi32>
        %add3A_520 = arith.addi %mul3A_487, %add3A_519 : vector<16xi32>
        %gather3A_521 = tpu.vector_load_idx %arg6[%add3A_520] : memref<40000xi32, #tpu.memory_space<vmem>>[vector<16xi32>], vector<16xi32>,
        %shift_left3A_522 = arith.constant 16 : i32
        %shift_left3A_523 = vector.broadcast %shift_left3A_522 : i32 to vector<16xi32>
        %shift_left3A_524 = arith.shli %gather3A_517, %shift_left3A_523 : vector<16xi32>
        %bitcast_convert_type3A_525 = tpu.bitcast %shift_left3A_524 : vector<16xi32> -> vector<16xf32>
        %and3A_526 = vector.broadcast %scan3A_0 : i32 to vector<16xi32>
        %and3A_527 = arith.andi %gather3A_517, %and3A_526 : vector<16xi32>
        %bitcast_convert_type3A_528 = tpu.bitcast %and3A_527 : vector<16xi32> -> vector<16xf32>
        %shift_left3A_529 = arith.constant 16 : i32
        %shift_left3A_530 = vector.broadcast %shift_left3A_529 : i32 to vector<16xi32>
        %shift_left3A_531 = arith.shli %gather3A_521, %shift_left3A_530 : vector<16xi32>
        %bitcast_convert_type3A_532 = tpu.bitcast %shift_left3A_531 : vector<16xi32> -> vector<16xf32>
        %and3A_533 = vector.broadcast %scan3A_0 : i32 to vector<16xi32>
        %and3A_534 = arith.andi %gather3A_521, %and3A_533 : vector<16xi32>
        %bitcast_convert_type3A_535 = tpu.bitcast %and3A_534 : vector<16xi32> -> vector<16xf32>
        %sub3A_536 = arith.subf %bitcast_convert_type3A_525, %bitcast_convert_type3A_532 : vector<16xf32>
        %sub3A_537 = arith.subf %bitcast_convert_type3A_528, %bitcast_convert_type3A_535 : vector<16xf32>
        %max3A_538 = arith.maximumf %max3A_420, %sub3A_536 : vector<16xf32>
        %max3A_539 = arith.maximumf %max3A_421, %sub3A_537 : vector<16xf32>
        %add3A_540 = arith.constant 2 : i32
        %add3A_541 = vector.broadcast %add3A_540 : i32 to vector<16xi32>
        %add3A_542 = arith.addi %mul3A_480, %add3A_541 : vector<16xi32>
        %gather3A_543 = tpu.vector_load_idx %arg6[%add3A_542] : memref<40000xi32, #tpu.memory_space<vmem>>[vector<16xi32>], vector<16xi32>,
        %add3A_544 = arith.constant 2 : i32
        %add3A_545 = vector.broadcast %add3A_544 : i32 to vector<16xi32>
        %add3A_546 = arith.addi %mul3A_487, %add3A_545 : vector<16xi32>
        %gather3A_547 = tpu.vector_load_idx %arg6[%add3A_546] : memref<40000xi32, #tpu.memory_space<vmem>>[vector<16xi32>], vector<16xi32>,
        %shift_left3A_548 = arith.constant 16 : i32
        %shift_left3A_549 = vector.broadcast %shift_left3A_548 : i32 to vector<16xi32>
        %shift_left3A_550 = arith.shli %gather3A_543, %shift_left3A_549 : vector<16xi32>
        %bitcast_convert_type3A_551 = tpu.bitcast %shift_left3A_550 : vector<16xi32> -> vector<16xf32>
        %and3A_552 = vector.broadcast %scan3A_0 : i32 to vector<16xi32>
        %and3A_553 = arith.andi %gather3A_543, %and3A_552 : vector<16xi32>
        %bitcast_convert_type3A_554 = tpu.bitcast %and3A_553 : vector<16xi32> -> vector<16xf32>
        %shift_left3A_555 = arith.constant 16 : i32
        %shift_left3A_556 = vector.broadcast %shift_left3A_555 : i32 to vector<16xi32>
        %shift_left3A_557 = arith.shli %gather3A_547, %shift_left3A_556 : vector<16xi32>
        %bitcast_convert_type3A_558 = tpu.bitcast %shift_left3A_557 : vector<16xi32> -> vector<16xf32>
        %and3A_559 = vector.broadcast %scan3A_0 : i32 to vector<16xi32>
        %and3A_560 = arith.andi %gather3A_547, %and3A_559 : vector<16xi32>
        %bitcast_convert_type3A_561 = tpu.bitcast %and3A_560 : vector<16xi32> -> vector<16xf32>
        %sub3A_562 = arith.subf %bitcast_convert_type3A_551, %bitcast_convert_type3A_558 : vector<16xf32>
        %sub3A_563 = arith.subf %bitcast_convert_type3A_554, %bitcast_convert_type3A_561 : vector<16xf32>
        %max3A_564 = arith.maximumf %max3A_446, %sub3A_562 : vector<16xf32>
        %max3A_565 = arith.maximumf %max3A_447, %sub3A_563 : vector<16xf32>
        %add3A_566 = arith.constant 3 : i32
        %add3A_567 = vector.broadcast %add3A_566 : i32 to vector<16xi32>
        %add3A_568 = arith.addi %mul3A_480, %add3A_567 : vector<16xi32>
        %gather3A_569 = tpu.vector_load_idx %arg6[%add3A_568] : memref<40000xi32, #tpu.memory_space<vmem>>[vector<16xi32>], vector<16xi32>,
        %add3A_570 = arith.constant 3 : i32
        %add3A_571 = vector.broadcast %add3A_570 : i32 to vector<16xi32>
        %add3A_572 = arith.addi %mul3A_487, %add3A_571 : vector<16xi32>
        %gather3A_573 = tpu.vector_load_idx %arg6[%add3A_572] : memref<40000xi32, #tpu.memory_space<vmem>>[vector<16xi32>], vector<16xi32>,
        %shift_left3A_574 = arith.constant 16 : i32
        %shift_left3A_575 = vector.broadcast %shift_left3A_574 : i32 to vector<16xi32>
        %shift_left3A_576 = arith.shli %gather3A_569, %shift_left3A_575 : vector<16xi32>
        %bitcast_convert_type3A_577 = tpu.bitcast %shift_left3A_576 : vector<16xi32> -> vector<16xf32>
        %and3A_578 = vector.broadcast %scan3A_0 : i32 to vector<16xi32>
        %and3A_579 = arith.andi %gather3A_569, %and3A_578 : vector<16xi32>
        %bitcast_convert_type3A_580 = tpu.bitcast %and3A_579 : vector<16xi32> -> vector<16xf32>
        %shift_left3A_581 = arith.constant 16 : i32
        %shift_left3A_582 = vector.broadcast %shift_left3A_581 : i32 to vector<16xi32>
        %shift_left3A_583 = arith.shli %gather3A_573, %shift_left3A_582 : vector<16xi32>
        %bitcast_convert_type3A_584 = tpu.bitcast %shift_left3A_583 : vector<16xi32> -> vector<16xf32>
        %and3A_585 = vector.broadcast %scan3A_0 : i32 to vector<16xi32>
        %and3A_586 = arith.andi %gather3A_573, %and3A_585 : vector<16xi32>
        %bitcast_convert_type3A_587 = tpu.bitcast %and3A_586 : vector<16xi32> -> vector<16xf32>
        %sub3A_588 = arith.subf %bitcast_convert_type3A_577, %bitcast_convert_type3A_584 : vector<16xf32>
        %sub3A_589 = arith.subf %bitcast_convert_type3A_580, %bitcast_convert_type3A_587 : vector<16xf32>
        %max3A_590 = arith.maximumf %max3A_472, %sub3A_588 : vector<16xf32>
        %max3A_591 = arith.maximumf %max3A_473, %sub3A_589 : vector<16xf32>
        %get3A_592 = arith.constant 5 : i32
        %get3A_593 = arith.index_cast %get3A_592 : i32 to index
        %get3A_594 = arith.index_cast %multiple_of3A_17 : i32 to index
        %get3A_595 = tpu.vector_load %arg7[%get3A_593, %get3A_594] {strides = array<i32>} : memref<16x2000xi32, #tpu.memory_space<vmem>>, vector<16xi32>,
        %mul3A_596 = arith.constant 4 : i32
        %mul3A_597 = vector.broadcast %mul3A_596 : i32 to vector<16xi32>
        %mul3A_598 = arith.muli %get3A_595, %mul3A_597 : vector<16xi32>
        %get3A_599 = arith.constant 5 : i32
        %get3A_600 = arith.index_cast %get3A_599 : i32 to index
        %get3A_601 = arith.index_cast %multiple_of3A_17 : i32 to index
        %get3A_602 = tpu.vector_load %arg8[%get3A_600, %get3A_601] {strides = array<i32>} : memref<16x2000xi32, #tpu.memory_space<vmem>>, vector<16xi32>,
        %mul3A_603 = arith.constant 4 : i32
        %mul3A_604 = vector.broadcast %mul3A_603 : i32 to vector<16xi32>
        %mul3A_605 = arith.muli %get3A_602, %mul3A_604 : vector<16xi32>
        %add3A_606 = arith.constant 0 : i32
        %add3A_607 = vector.broadcast %add3A_606 : i32 to vector<16xi32>
        %add3A_608 = arith.addi %mul3A_598, %add3A_607 : vector<16xi32>
        %gather3A_609 = tpu.vector_load_idx %arg6[%add3A_608] : memref<40000xi32, #tpu.memory_space<vmem>>[vector<16xi32>], vector<16xi32>,
        %add3A_610 = arith.constant 0 : i32
        %add3A_611 = vector.broadcast %add3A_610 : i32 to vector<16xi32>
        %add3A_612 = arith.addi %mul3A_605, %add3A_611 : vector<16xi32>
        %gather3A_613 = tpu.vector_load_idx %arg6[%add3A_612] : memref<40000xi32, #tpu.memory_space<vmem>>[vector<16xi32>], vector<16xi32>,
        %shift_left3A_614 = arith.constant 16 : i32
        %shift_left3A_615 = vector.broadcast %shift_left3A_614 : i32 to vector<16xi32>
        %shift_left3A_616 = arith.shli %gather3A_609, %shift_left3A_615 : vector<16xi32>
        %bitcast_convert_type3A_617 = tpu.bitcast %shift_left3A_616 : vector<16xi32> -> vector<16xf32>
        %and3A_618 = vector.broadcast %scan3A_0 : i32 to vector<16xi32>
        %and3A_619 = arith.andi %gather3A_609, %and3A_618 : vector<16xi32>
        %bitcast_convert_type3A_620 = tpu.bitcast %and3A_619 : vector<16xi32> -> vector<16xf32>
        %shift_left3A_621 = arith.constant 16 : i32
        %shift_left3A_622 = vector.broadcast %shift_left3A_621 : i32 to vector<16xi32>
        %shift_left3A_623 = arith.shli %gather3A_613, %shift_left3A_622 : vector<16xi32>
        %bitcast_convert_type3A_624 = tpu.bitcast %shift_left3A_623 : vector<16xi32> -> vector<16xf32>
        %and3A_625 = vector.broadcast %scan3A_0 : i32 to vector<16xi32>
        %and3A_626 = arith.andi %gather3A_613, %and3A_625 : vector<16xi32>
        %bitcast_convert_type3A_627 = tpu.bitcast %and3A_626 : vector<16xi32> -> vector<16xf32>
        %sub3A_628 = arith.subf %bitcast_convert_type3A_617, %bitcast_convert_type3A_624 : vector<16xf32>
        %sub3A_629 = arith.subf %bitcast_convert_type3A_620, %bitcast_convert_type3A_627 : vector<16xf32>
        %max3A_630 = arith.maximumf %max3A_512, %sub3A_628 : vector<16xf32>
        %max3A_631 = arith.maximumf %max3A_513, %sub3A_629 : vector<16xf32>
        %add3A_632 = arith.constant 1 : i32
        %add3A_633 = vector.broadcast %add3A_632 : i32 to vector<16xi32>
        %add3A_634 = arith.addi %mul3A_598, %add3A_633 : vector<16xi32>
        %gather3A_635 = tpu.vector_load_idx %arg6[%add3A_634] : memref<40000xi32, #tpu.memory_space<vmem>>[vector<16xi32>], vector<16xi32>,
        %add3A_636 = arith.constant 1 : i32
        %add3A_637 = vector.broadcast %add3A_636 : i32 to vector<16xi32>
        %add3A_638 = arith.addi %mul3A_605, %add3A_637 : vector<16xi32>
        %gather3A_639 = tpu.vector_load_idx %arg6[%add3A_638] : memref<40000xi32, #tpu.memory_space<vmem>>[vector<16xi32>], vector<16xi32>,
        %shift_left3A_640 = arith.constant 16 : i32
        %shift_left3A_641 = vector.broadcast %shift_left3A_640 : i32 to vector<16xi32>
        %shift_left3A_642 = arith.shli %gather3A_635, %shift_left3A_641 : vector<16xi32>
        %bitcast_convert_type3A_643 = tpu.bitcast %shift_left3A_642 : vector<16xi32> -> vector<16xf32>
        %and3A_644 = vector.broadcast %scan3A_0 : i32 to vector<16xi32>
        %and3A_645 = arith.andi %gather3A_635, %and3A_644 : vector<16xi32>
        %bitcast_convert_type3A_646 = tpu.bitcast %and3A_645 : vector<16xi32> -> vector<16xf32>
        %shift_left3A_647 = arith.constant 16 : i32
        %shift_left3A_648 = vector.broadcast %shift_left3A_647 : i32 to vector<16xi32>
        %shift_left3A_649 = arith.shli %gather3A_639, %shift_left3A_648 : vector<16xi32>
        %bitcast_convert_type3A_650 = tpu.bitcast %shift_left3A_649 : vector<16xi32> -> vector<16xf32>
        %and3A_651 = vector.broadcast %scan3A_0 : i32 to vector<16xi32>
        %and3A_652 = arith.andi %gather3A_639, %and3A_651 : vector<16xi32>
        %bitcast_convert_type3A_653 = tpu.bitcast %and3A_652 : vector<16xi32> -> vector<16xf32>
        %sub3A_654 = arith.subf %bitcast_convert_type3A_643, %bitcast_convert_type3A_650 : vector<16xf32>
        %sub3A_655 = arith.subf %bitcast_convert_type3A_646, %bitcast_convert_type3A_653 : vector<16xf32>
        %max3A_656 = arith.maximumf %max3A_538, %sub3A_654 : vector<16xf32>
        %max3A_657 = arith.maximumf %max3A_539, %sub3A_655 : vector<16xf32>
        %add3A_658 = arith.constant 2 : i32
        %add3A_659 = vector.broadcast %add3A_658 : i32 to vector<16xi32>
        %add3A_660 = arith.addi %mul3A_598, %add3A_659 : vector<16xi32>
        %gather3A_661 = tpu.vector_load_idx %arg6[%add3A_660] : memref<40000xi32, #tpu.memory_space<vmem>>[vector<16xi32>], vector<16xi32>,
        %add3A_662 = arith.constant 2 : i32
        %add3A_663 = vector.broadcast %add3A_662 : i32 to vector<16xi32>
        %add3A_664 = arith.addi %mul3A_605, %add3A_663 : vector<16xi32>
        %gather3A_665 = tpu.vector_load_idx %arg6[%add3A_664] : memref<40000xi32, #tpu.memory_space<vmem>>[vector<16xi32>], vector<16xi32>,
        %shift_left3A_666 = arith.constant 16 : i32
        %shift_left3A_667 = vector.broadcast %shift_left3A_666 : i32 to vector<16xi32>
        %shift_left3A_668 = arith.shli %gather3A_661, %shift_left3A_667 : vector<16xi32>
        %bitcast_convert_type3A_669 = tpu.bitcast %shift_left3A_668 : vector<16xi32> -> vector<16xf32>
        %and3A_670 = vector.broadcast %scan3A_0 : i32 to vector<16xi32>
        %and3A_671 = arith.andi %gather3A_661, %and3A_670 : vector<16xi32>
        %bitcast_convert_type3A_672 = tpu.bitcast %and3A_671 : vector<16xi32> -> vector<16xf32>
        %shift_left3A_673 = arith.constant 16 : i32
        %shift_left3A_674 = vector.broadcast %shift_left3A_673 : i32 to vector<16xi32>
        %shift_left3A_675 = arith.shli %gather3A_665, %shift_left3A_674 : vector<16xi32>
        %bitcast_convert_type3A_676 = tpu.bitcast %shift_left3A_675 : vector<16xi32> -> vector<16xf32>
        %and3A_677 = vector.broadcast %scan3A_0 : i32 to vector<16xi32>
        %and3A_678 = arith.andi %gather3A_665, %and3A_677 : vector<16xi32>
        %bitcast_convert_type3A_679 = tpu.bitcast %and3A_678 : vector<16xi32> -> vector<16xf32>
        %sub3A_680 = arith.subf %bitcast_convert_type3A_669, %bitcast_convert_type3A_676 : vector<16xf32>
        %sub3A_681 = arith.subf %bitcast_convert_type3A_672, %bitcast_convert_type3A_679 : vector<16xf32>
        %max3A_682 = arith.maximumf %max3A_564, %sub3A_680 : vector<16xf32>
        %max3A_683 = arith.maximumf %max3A_565, %sub3A_681 : vector<16xf32>
        %add3A_684 = arith.constant 3 : i32
        %add3A_685 = vector.broadcast %add3A_684 : i32 to vector<16xi32>
        %add3A_686 = arith.addi %mul3A_598, %add3A_685 : vector<16xi32>
        %gather3A_687 = tpu.vector_load_idx %arg6[%add3A_686] : memref<40000xi32, #tpu.memory_space<vmem>>[vector<16xi32>], vector<16xi32>,
        %add3A_688 = arith.constant 3 : i32
        %add3A_689 = vector.broadcast %add3A_688 : i32 to vector<16xi32>
        %add3A_690 = arith.addi %mul3A_605, %add3A_689 : vector<16xi32>
        %gather3A_691 = tpu.vector_load_idx %arg6[%add3A_690] : memref<40000xi32, #tpu.memory_space<vmem>>[vector<16xi32>], vector<16xi32>,
        %shift_left3A_692 = arith.constant 16 : i32
        %shift_left3A_693 = vector.broadcast %shift_left3A_692 : i32 to vector<16xi32>
        %shift_left3A_694 = arith.shli %gather3A_687, %shift_left3A_693 : vector<16xi32>
        %bitcast_convert_type3A_695 = tpu.bitcast %shift_left3A_694 : vector<16xi32> -> vector<16xf32>
        %and3A_696 = vector.broadcast %scan3A_0 : i32 to vector<16xi32>
        %and3A_697 = arith.andi %gather3A_687, %and3A_696 : vector<16xi32>
        %bitcast_convert_type3A_698 = tpu.bitcast %and3A_697 : vector<16xi32> -> vector<16xf32>
        %shift_left3A_699 = arith.constant 16 : i32
        %shift_left3A_700 = vector.broadcast %shift_left3A_699 : i32 to vector<16xi32>
        %shift_left3A_701 = arith.shli %gather3A_691, %shift_left3A_700 : vector<16xi32>
        %bitcast_convert_type3A_702 = tpu.bitcast %shift_left3A_701 : vector<16xi32> -> vector<16xf32>
        %and3A_703 = vector.broadcast %scan3A_0 : i32 to vector<16xi32>
        %and3A_704 = arith.andi %gather3A_691, %and3A_703 : vector<16xi32>
        %bitcast_convert_type3A_705 = tpu.bitcast %and3A_704 : vector<16xi32> -> vector<16xf32>
        %sub3A_706 = arith.subf %bitcast_convert_type3A_695, %bitcast_convert_type3A_702 : vector<16xf32>
        %sub3A_707 = arith.subf %bitcast_convert_type3A_698, %bitcast_convert_type3A_705 : vector<16xf32>
        %max3A_708 = arith.maximumf %max3A_590, %sub3A_706 : vector<16xf32>
        %max3A_709 = arith.maximumf %max3A_591, %sub3A_707 : vector<16xf32>
        %get3A_710 = arith.constant 6 : i32
        %get3A_711 = arith.index_cast %get3A_710 : i32 to index
        %get3A_712 = arith.index_cast %multiple_of3A_17 : i32 to index
        %get3A_713 = tpu.vector_load %arg7[%get3A_711, %get3A_712] {strides = array<i32>} : memref<16x2000xi32, #tpu.memory_space<vmem>>, vector<16xi32>,
        %mul3A_714 = arith.constant 4 : i32
        %mul3A_715 = vector.broadcast %mul3A_714 : i32 to vector<16xi32>
        %mul3A_716 = arith.muli %get3A_713, %mul3A_715 : vector<16xi32>
        %get3A_717 = arith.constant 6 : i32
        %get3A_718 = arith.index_cast %get3A_717 : i32 to index
        %get3A_719 = arith.index_cast %multiple_of3A_17 : i32 to index
        %get3A_720 = tpu.vector_load %arg8[%get3A_718, %get3A_719] {strides = array<i32>} : memref<16x2000xi32, #tpu.memory_space<vmem>>, vector<16xi32>,
        %mul3A_721 = arith.constant 4 : i32
        %mul3A_722 = vector.broadcast %mul3A_721 : i32 to vector<16xi32>
        %mul3A_723 = arith.muli %get3A_720, %mul3A_722 : vector<16xi32>
        %add3A_724 = arith.constant 0 : i32
        %add3A_725 = vector.broadcast %add3A_724 : i32 to vector<16xi32>
        %add3A_726 = arith.addi %mul3A_716, %add3A_725 : vector<16xi32>
        %gather3A_727 = tpu.vector_load_idx %arg6[%add3A_726] : memref<40000xi32, #tpu.memory_space<vmem>>[vector<16xi32>], vector<16xi32>,
        %add3A_728 = arith.constant 0 : i32
        %add3A_729 = vector.broadcast %add3A_728 : i32 to vector<16xi32>
        %add3A_730 = arith.addi %mul3A_723, %add3A_729 : vector<16xi32>
        %gather3A_731 = tpu.vector_load_idx %arg6[%add3A_730] : memref<40000xi32, #tpu.memory_space<vmem>>[vector<16xi32>], vector<16xi32>,
        %shift_left3A_732 = arith.constant 16 : i32
        %shift_left3A_733 = vector.broadcast %shift_left3A_732 : i32 to vector<16xi32>
        %shift_left3A_734 = arith.shli %gather3A_727, %shift_left3A_733 : vector<16xi32>
        %bitcast_convert_type3A_735 = tpu.bitcast %shift_left3A_734 : vector<16xi32> -> vector<16xf32>
        %and3A_736 = vector.broadcast %scan3A_0 : i32 to vector<16xi32>
        %and3A_737 = arith.andi %gather3A_727, %and3A_736 : vector<16xi32>
        %bitcast_convert_type3A_738 = tpu.bitcast %and3A_737 : vector<16xi32> -> vector<16xf32>
        %shift_left3A_739 = arith.constant 16 : i32
        %shift_left3A_740 = vector.broadcast %shift_left3A_739 : i32 to vector<16xi32>
        %shift_left3A_741 = arith.shli %gather3A_731, %shift_left3A_740 : vector<16xi32>
        %bitcast_convert_type3A_742 = tpu.bitcast %shift_left3A_741 : vector<16xi32> -> vector<16xf32>
        %and3A_743 = vector.broadcast %scan3A_0 : i32 to vector<16xi32>
        %and3A_744 = arith.andi %gather3A_731, %and3A_743 : vector<16xi32>
        %bitcast_convert_type3A_745 = tpu.bitcast %and3A_744 : vector<16xi32> -> vector<16xf32>
        %sub3A_746 = arith.subf %bitcast_convert_type3A_735, %bitcast_convert_type3A_742 : vector<16xf32>
        %sub3A_747 = arith.subf %bitcast_convert_type3A_738, %bitcast_convert_type3A_745 : vector<16xf32>
        %max3A_748 = arith.maximumf %max3A_630, %sub3A_746 : vector<16xf32>
        %max3A_749 = arith.maximumf %max3A_631, %sub3A_747 : vector<16xf32>
        %add3A_750 = arith.constant 1 : i32
        %add3A_751 = vector.broadcast %add3A_750 : i32 to vector<16xi32>
        %add3A_752 = arith.addi %mul3A_716, %add3A_751 : vector<16xi32>
        %gather3A_753 = tpu.vector_load_idx %arg6[%add3A_752] : memref<40000xi32, #tpu.memory_space<vmem>>[vector<16xi32>], vector<16xi32>,
        %add3A_754 = arith.constant 1 : i32
        %add3A_755 = vector.broadcast %add3A_754 : i32 to vector<16xi32>
        %add3A_756 = arith.addi %mul3A_723, %add3A_755 : vector<16xi32>
        %gather3A_757 = tpu.vector_load_idx %arg6[%add3A_756] : memref<40000xi32, #tpu.memory_space<vmem>>[vector<16xi32>], vector<16xi32>,
        %shift_left3A_758 = arith.constant 16 : i32
        %shift_left3A_759 = vector.broadcast %shift_left3A_758 : i32 to vector<16xi32>
        %shift_left3A_760 = arith.shli %gather3A_753, %shift_left3A_759 : vector<16xi32>
        %bitcast_convert_type3A_761 = tpu.bitcast %shift_left3A_760 : vector<16xi32> -> vector<16xf32>
        %and3A_762 = vector.broadcast %scan3A_0 : i32 to vector<16xi32>
        %and3A_763 = arith.andi %gather3A_753, %and3A_762 : vector<16xi32>
        %bitcast_convert_type3A_764 = tpu.bitcast %and3A_763 : vector<16xi32> -> vector<16xf32>
        %shift_left3A_765 = arith.constant 16 : i32
        %shift_left3A_766 = vector.broadcast %shift_left3A_765 : i32 to vector<16xi32>
        %shift_left3A_767 = arith.shli %gather3A_757, %shift_left3A_766 : vector<16xi32>
        %bitcast_convert_type3A_768 = tpu.bitcast %shift_left3A_767 : vector<16xi32> -> vector<16xf32>
        %and3A_769 = vector.broadcast %scan3A_0 : i32 to vector<16xi32>
        %and3A_770 = arith.andi %gather3A_757, %and3A_769 : vector<16xi32>
        %bitcast_convert_type3A_771 = tpu.bitcast %and3A_770 : vector<16xi32> -> vector<16xf32>
        %sub3A_772 = arith.subf %bitcast_convert_type3A_761, %bitcast_convert_type3A_768 : vector<16xf32>
        %sub3A_773 = arith.subf %bitcast_convert_type3A_764, %bitcast_convert_type3A_771 : vector<16xf32>
        %max3A_774 = arith.maximumf %max3A_656, %sub3A_772 : vector<16xf32>
        %max3A_775 = arith.maximumf %max3A_657, %sub3A_773 : vector<16xf32>
        %add3A_776 = arith.constant 2 : i32
        %add3A_777 = vector.broadcast %add3A_776 : i32 to vector<16xi32>
        %add3A_778 = arith.addi %mul3A_716, %add3A_777 : vector<16xi32>
        %gather3A_779 = tpu.vector_load_idx %arg6[%add3A_778] : memref<40000xi32, #tpu.memory_space<vmem>>[vector<16xi32>], vector<16xi32>,
        %add3A_780 = arith.constant 2 : i32
        %add3A_781 = vector.broadcast %add3A_780 : i32 to vector<16xi32>
        %add3A_782 = arith.addi %mul3A_723, %add3A_781 : vector<16xi32>
        %gather3A_783 = tpu.vector_load_idx %arg6[%add3A_782] : memref<40000xi32, #tpu.memory_space<vmem>>[vector<16xi32>], vector<16xi32>,
        %shift_left3A_784 = arith.constant 16 : i32
        %shift_left3A_785 = vector.broadcast %shift_left3A_784 : i32 to vector<16xi32>
        %shift_left3A_786 = arith.shli %gather3A_779, %shift_left3A_785 : vector<16xi32>
        %bitcast_convert_type3A_787 = tpu.bitcast %shift_left3A_786 : vector<16xi32> -> vector<16xf32>
        %and3A_788 = vector.broadcast %scan3A_0 : i32 to vector<16xi32>
        %and3A_789 = arith.andi %gather3A_779, %and3A_788 : vector<16xi32>
        %bitcast_convert_type3A_790 = tpu.bitcast %and3A_789 : vector<16xi32> -> vector<16xf32>
        %shift_left3A_791 = arith.constant 16 : i32
        %shift_left3A_792 = vector.broadcast %shift_left3A_791 : i32 to vector<16xi32>
        %shift_left3A_793 = arith.shli %gather3A_783, %shift_left3A_792 : vector<16xi32>
        %bitcast_convert_type3A_794 = tpu.bitcast %shift_left3A_793 : vector<16xi32> -> vector<16xf32>
        %and3A_795 = vector.broadcast %scan3A_0 : i32 to vector<16xi32>
        %and3A_796 = arith.andi %gather3A_783, %and3A_795 : vector<16xi32>
        %bitcast_convert_type3A_797 = tpu.bitcast %and3A_796 : vector<16xi32> -> vector<16xf32>
        %sub3A_798 = arith.subf %bitcast_convert_type3A_787, %bitcast_convert_type3A_794 : vector<16xf32>
        %sub3A_799 = arith.subf %bitcast_convert_type3A_790, %bitcast_convert_type3A_797 : vector<16xf32>
        %max3A_800 = arith.maximumf %max3A_682, %sub3A_798 : vector<16xf32>
        %max3A_801 = arith.maximumf %max3A_683, %sub3A_799 : vector<16xf32>
        %add3A_802 = arith.constant 3 : i32
        %add3A_803 = vector.broadcast %add3A_802 : i32 to vector<16xi32>
        %add3A_804 = arith.addi %mul3A_716, %add3A_803 : vector<16xi32>
        %gather3A_805 = tpu.vector_load_idx %arg6[%add3A_804] : memref<40000xi32, #tpu.memory_space<vmem>>[vector<16xi32>], vector<16xi32>,
        %add3A_806 = arith.constant 3 : i32
        %add3A_807 = vector.broadcast %add3A_806 : i32 to vector<16xi32>
        %add3A_808 = arith.addi %mul3A_723, %add3A_807 : vector<16xi32>
        %gather3A_809 = tpu.vector_load_idx %arg6[%add3A_808] : memref<40000xi32, #tpu.memory_space<vmem>>[vector<16xi32>], vector<16xi32>,
        %shift_left3A_810 = arith.constant 16 : i32
        %shift_left3A_811 = vector.broadcast %shift_left3A_810 : i32 to vector<16xi32>
        %shift_left3A_812 = arith.shli %gather3A_805, %shift_left3A_811 : vector<16xi32>
        %bitcast_convert_type3A_813 = tpu.bitcast %shift_left3A_812 : vector<16xi32> -> vector<16xf32>
        %and3A_814 = vector.broadcast %scan3A_0 : i32 to vector<16xi32>
        %and3A_815 = arith.andi %gather3A_805, %and3A_814 : vector<16xi32>
        %bitcast_convert_type3A_816 = tpu.bitcast %and3A_815 : vector<16xi32> -> vector<16xf32>
        %shift_left3A_817 = arith.constant 16 : i32
        %shift_left3A_818 = vector.broadcast %shift_left3A_817 : i32 to vector<16xi32>
        %shift_left3A_819 = arith.shli %gather3A_809, %shift_left3A_818 : vector<16xi32>
        %bitcast_convert_type3A_820 = tpu.bitcast %shift_left3A_819 : vector<16xi32> -> vector<16xf32>
        %and3A_821 = vector.broadcast %scan3A_0 : i32 to vector<16xi32>
        %and3A_822 = arith.andi %gather3A_809, %and3A_821 : vector<16xi32>
        %bitcast_convert_type3A_823 = tpu.bitcast %and3A_822 : vector<16xi32> -> vector<16xf32>
        %sub3A_824 = arith.subf %bitcast_convert_type3A_813, %bitcast_convert_type3A_820 : vector<16xf32>
        %sub3A_825 = arith.subf %bitcast_convert_type3A_816, %bitcast_convert_type3A_823 : vector<16xf32>
        %max3A_826 = arith.maximumf %max3A_708, %sub3A_824 : vector<16xf32>
        %max3A_827 = arith.maximumf %max3A_709, %sub3A_825 : vector<16xf32>
        %get3A_828 = arith.constant 7 : i32
        %get3A_829 = arith.index_cast %get3A_828 : i32 to index
        %get3A_830 = arith.index_cast %multiple_of3A_17 : i32 to index
        %get3A_831 = tpu.vector_load %arg7[%get3A_829, %get3A_830] {strides = array<i32>} : memref<16x2000xi32, #tpu.memory_space<vmem>>, vector<16xi32>,
        %mul3A_832 = arith.constant 4 : i32
        %mul3A_833 = vector.broadcast %mul3A_832 : i32 to vector<16xi32>
        %mul3A_834 = arith.muli %get3A_831, %mul3A_833 : vector<16xi32>
        %get3A_835 = arith.constant 7 : i32
        %get3A_836 = arith.index_cast %get3A_835 : i32 to index
        %get3A_837 = arith.index_cast %multiple_of3A_17 : i32 to index
        %get3A_838 = tpu.vector_load %arg8[%get3A_836, %get3A_837] {strides = array<i32>} : memref<16x2000xi32, #tpu.memory_space<vmem>>, vector<16xi32>,
        %mul3A_839 = arith.constant 4 : i32
        %mul3A_840 = vector.broadcast %mul3A_839 : i32 to vector<16xi32>
        %mul3A_841 = arith.muli %get3A_838, %mul3A_840 : vector<16xi32>
        %add3A_842 = arith.constant 0 : i32
        %add3A_843 = vector.broadcast %add3A_842 : i32 to vector<16xi32>
        %add3A_844 = arith.addi %mul3A_834, %add3A_843 : vector<16xi32>
        %gather3A_845 = tpu.vector_load_idx %arg6[%add3A_844] : memref<40000xi32, #tpu.memory_space<vmem>>[vector<16xi32>], vector<16xi32>,
        %add3A_846 = arith.constant 0 : i32
        %add3A_847 = vector.broadcast %add3A_846 : i32 to vector<16xi32>
        %add3A_848 = arith.addi %mul3A_841, %add3A_847 : vector<16xi32>
        %gather3A_849 = tpu.vector_load_idx %arg6[%add3A_848] : memref<40000xi32, #tpu.memory_space<vmem>>[vector<16xi32>], vector<16xi32>,
        %shift_left3A_850 = arith.constant 16 : i32
        %shift_left3A_851 = vector.broadcast %shift_left3A_850 : i32 to vector<16xi32>
        %shift_left3A_852 = arith.shli %gather3A_845, %shift_left3A_851 : vector<16xi32>
        %bitcast_convert_type3A_853 = tpu.bitcast %shift_left3A_852 : vector<16xi32> -> vector<16xf32>
        %and3A_854 = vector.broadcast %scan3A_0 : i32 to vector<16xi32>
        %and3A_855 = arith.andi %gather3A_845, %and3A_854 : vector<16xi32>
        %bitcast_convert_type3A_856 = tpu.bitcast %and3A_855 : vector<16xi32> -> vector<16xf32>
        %shift_left3A_857 = arith.constant 16 : i32
        %shift_left3A_858 = vector.broadcast %shift_left3A_857 : i32 to vector<16xi32>
        %shift_left3A_859 = arith.shli %gather3A_849, %shift_left3A_858 : vector<16xi32>
        %bitcast_convert_type3A_860 = tpu.bitcast %shift_left3A_859 : vector<16xi32> -> vector<16xf32>
        %and3A_861 = vector.broadcast %scan3A_0 : i32 to vector<16xi32>
        %and3A_862 = arith.andi %gather3A_849, %and3A_861 : vector<16xi32>
        %bitcast_convert_type3A_863 = tpu.bitcast %and3A_862 : vector<16xi32> -> vector<16xf32>
        %sub3A_864 = arith.subf %bitcast_convert_type3A_853, %bitcast_convert_type3A_860 : vector<16xf32>
        %sub3A_865 = arith.subf %bitcast_convert_type3A_856, %bitcast_convert_type3A_863 : vector<16xf32>
        %max3A_866 = arith.maximumf %max3A_748, %sub3A_864 : vector<16xf32>
        %max3A_867 = arith.maximumf %max3A_749, %sub3A_865 : vector<16xf32>
        %add3A_868 = arith.constant 1 : i32
        %add3A_869 = vector.broadcast %add3A_868 : i32 to vector<16xi32>
        %add3A_870 = arith.addi %mul3A_834, %add3A_869 : vector<16xi32>
        %gather3A_871 = tpu.vector_load_idx %arg6[%add3A_870] : memref<40000xi32, #tpu.memory_space<vmem>>[vector<16xi32>], vector<16xi32>,
        %add3A_872 = arith.constant 1 : i32
        %add3A_873 = vector.broadcast %add3A_872 : i32 to vector<16xi32>
        %add3A_874 = arith.addi %mul3A_841, %add3A_873 : vector<16xi32>
        %gather3A_875 = tpu.vector_load_idx %arg6[%add3A_874] : memref<40000xi32, #tpu.memory_space<vmem>>[vector<16xi32>], vector<16xi32>,
        %shift_left3A_876 = arith.constant 16 : i32
        %shift_left3A_877 = vector.broadcast %shift_left3A_876 : i32 to vector<16xi32>
        %shift_left3A_878 = arith.shli %gather3A_871, %shift_left3A_877 : vector<16xi32>
        %bitcast_convert_type3A_879 = tpu.bitcast %shift_left3A_878 : vector<16xi32> -> vector<16xf32>
        %and3A_880 = vector.broadcast %scan3A_0 : i32 to vector<16xi32>
        %and3A_881 = arith.andi %gather3A_871, %and3A_880 : vector<16xi32>
        %bitcast_convert_type3A_882 = tpu.bitcast %and3A_881 : vector<16xi32> -> vector<16xf32>
        %shift_left3A_883 = arith.constant 16 : i32
        %shift_left3A_884 = vector.broadcast %shift_left3A_883 : i32 to vector<16xi32>
        %shift_left3A_885 = arith.shli %gather3A_875, %shift_left3A_884 : vector<16xi32>
        %bitcast_convert_type3A_886 = tpu.bitcast %shift_left3A_885 : vector<16xi32> -> vector<16xf32>
        %and3A_887 = vector.broadcast %scan3A_0 : i32 to vector<16xi32>
        %and3A_888 = arith.andi %gather3A_875, %and3A_887 : vector<16xi32>
        %bitcast_convert_type3A_889 = tpu.bitcast %and3A_888 : vector<16xi32> -> vector<16xf32>
        %sub3A_890 = arith.subf %bitcast_convert_type3A_879, %bitcast_convert_type3A_886 : vector<16xf32>
        %sub3A_891 = arith.subf %bitcast_convert_type3A_882, %bitcast_convert_type3A_889 : vector<16xf32>
        %max3A_892 = arith.maximumf %max3A_774, %sub3A_890 : vector<16xf32>
        %max3A_893 = arith.maximumf %max3A_775, %sub3A_891 : vector<16xf32>
        %add3A_894 = arith.constant 2 : i32
        %add3A_895 = vector.broadcast %add3A_894 : i32 to vector<16xi32>
        %add3A_896 = arith.addi %mul3A_834, %add3A_895 : vector<16xi32>
        %gather3A_897 = tpu.vector_load_idx %arg6[%add3A_896] : memref<40000xi32, #tpu.memory_space<vmem>>[vector<16xi32>], vector<16xi32>,
        %add3A_898 = arith.constant 2 : i32
        %add3A_899 = vector.broadcast %add3A_898 : i32 to vector<16xi32>
        %add3A_900 = arith.addi %mul3A_841, %add3A_899 : vector<16xi32>
        %gather3A_901 = tpu.vector_load_idx %arg6[%add3A_900] : memref<40000xi32, #tpu.memory_space<vmem>>[vector<16xi32>], vector<16xi32>,
        %shift_left3A_902 = arith.constant 16 : i32
        %shift_left3A_903 = vector.broadcast %shift_left3A_902 : i32 to vector<16xi32>
        %shift_left3A_904 = arith.shli %gather3A_897, %shift_left3A_903 : vector<16xi32>
        %bitcast_convert_type3A_905 = tpu.bitcast %shift_left3A_904 : vector<16xi32> -> vector<16xf32>
        %and3A_906 = vector.broadcast %scan3A_0 : i32 to vector<16xi32>
        %and3A_907 = arith.andi %gather3A_897, %and3A_906 : vector<16xi32>
        %bitcast_convert_type3A_908 = tpu.bitcast %and3A_907 : vector<16xi32> -> vector<16xf32>
        %shift_left3A_909 = arith.constant 16 : i32
        %shift_left3A_910 = vector.broadcast %shift_left3A_909 : i32 to vector<16xi32>
        %shift_left3A_911 = arith.shli %gather3A_901, %shift_left3A_910 : vector<16xi32>
        %bitcast_convert_type3A_912 = tpu.bitcast %shift_left3A_911 : vector<16xi32> -> vector<16xf32>
        %and3A_913 = vector.broadcast %scan3A_0 : i32 to vector<16xi32>
        %and3A_914 = arith.andi %gather3A_901, %and3A_913 : vector<16xi32>
        %bitcast_convert_type3A_915 = tpu.bitcast %and3A_914 : vector<16xi32> -> vector<16xf32>
        %sub3A_916 = arith.subf %bitcast_convert_type3A_905, %bitcast_convert_type3A_912 : vector<16xf32>
        %sub3A_917 = arith.subf %bitcast_convert_type3A_908, %bitcast_convert_type3A_915 : vector<16xf32>
        %max3A_918 = arith.maximumf %max3A_800, %sub3A_916 : vector<16xf32>
        %max3A_919 = arith.maximumf %max3A_801, %sub3A_917 : vector<16xf32>
        %add3A_920 = arith.constant 3 : i32
        %add3A_921 = vector.broadcast %add3A_920 : i32 to vector<16xi32>
        %add3A_922 = arith.addi %mul3A_834, %add3A_921 : vector<16xi32>
        %gather3A_923 = tpu.vector_load_idx %arg6[%add3A_922] : memref<40000xi32, #tpu.memory_space<vmem>>[vector<16xi32>], vector<16xi32>,
        %add3A_924 = arith.constant 3 : i32
        %add3A_925 = vector.broadcast %add3A_924 : i32 to vector<16xi32>
        %add3A_926 = arith.addi %mul3A_841, %add3A_925 : vector<16xi32>
        %gather3A_927 = tpu.vector_load_idx %arg6[%add3A_926] : memref<40000xi32, #tpu.memory_space<vmem>>[vector<16xi32>], vector<16xi32>,
        %shift_left3A_928 = arith.constant 16 : i32
        %shift_left3A_929 = vector.broadcast %shift_left3A_928 : i32 to vector<16xi32>
        %shift_left3A_930 = arith.shli %gather3A_923, %shift_left3A_929 : vector<16xi32>
        %bitcast_convert_type3A_931 = tpu.bitcast %shift_left3A_930 : vector<16xi32> -> vector<16xf32>
        %and3A_932 = vector.broadcast %scan3A_0 : i32 to vector<16xi32>
        %and3A_933 = arith.andi %gather3A_923, %and3A_932 : vector<16xi32>
        %bitcast_convert_type3A_934 = tpu.bitcast %and3A_933 : vector<16xi32> -> vector<16xf32>
        %shift_left3A_935 = arith.constant 16 : i32
        %shift_left3A_936 = vector.broadcast %shift_left3A_935 : i32 to vector<16xi32>
        %shift_left3A_937 = arith.shli %gather3A_927, %shift_left3A_936 : vector<16xi32>
        %bitcast_convert_type3A_938 = tpu.bitcast %shift_left3A_937 : vector<16xi32> -> vector<16xf32>
        %and3A_939 = vector.broadcast %scan3A_0 : i32 to vector<16xi32>
        %and3A_940 = arith.andi %gather3A_927, %and3A_939 : vector<16xi32>
        %bitcast_convert_type3A_941 = tpu.bitcast %and3A_940 : vector<16xi32> -> vector<16xf32>
        %sub3A_942 = arith.subf %bitcast_convert_type3A_931, %bitcast_convert_type3A_938 : vector<16xf32>
        %sub3A_943 = arith.subf %bitcast_convert_type3A_934, %bitcast_convert_type3A_941 : vector<16xf32>
        %max3A_944 = arith.maximumf %max3A_826, %sub3A_942 : vector<16xf32>
        %max3A_945 = arith.maximumf %max3A_827, %sub3A_943 : vector<16xf32>
        %get3A_946 = arith.constant 8 : i32
        %get3A_947 = arith.index_cast %get3A_946 : i32 to index
        %get3A_948 = arith.index_cast %multiple_of3A_17 : i32 to index
        %get3A_949 = tpu.vector_load %arg7[%get3A_947, %get3A_948] {strides = array<i32>} : memref<16x2000xi32, #tpu.memory_space<vmem>>, vector<16xi32>,
        %mul3A_950 = arith.constant 4 : i32
        %mul3A_951 = vector.broadcast %mul3A_950 : i32 to vector<16xi32>
        %mul3A_952 = arith.muli %get3A_949, %mul3A_951 : vector<16xi32>
        %get3A_953 = arith.constant 8 : i32
        %get3A_954 = arith.index_cast %get3A_953 : i32 to index
        %get3A_955 = arith.index_cast %multiple_of3A_17 : i32 to index
        %get3A_956 = tpu.vector_load %arg8[%get3A_954, %get3A_955] {strides = array<i32>} : memref<16x2000xi32, #tpu.memory_space<vmem>>, vector<16xi32>,
        %mul3A_957 = arith.constant 4 : i32
        %mul3A_958 = vector.broadcast %mul3A_957 : i32 to vector<16xi32>
        %mul3A_959 = arith.muli %get3A_956, %mul3A_958 : vector<16xi32>
        %add3A_960 = arith.constant 0 : i32
        %add3A_961 = vector.broadcast %add3A_960 : i32 to vector<16xi32>
        %add3A_962 = arith.addi %mul3A_952, %add3A_961 : vector<16xi32>
        %gather3A_963 = tpu.vector_load_idx %arg6[%add3A_962] : memref<40000xi32, #tpu.memory_space<vmem>>[vector<16xi32>], vector<16xi32>,
        %add3A_964 = arith.constant 0 : i32
        %add3A_965 = vector.broadcast %add3A_964 : i32 to vector<16xi32>
        %add3A_966 = arith.addi %mul3A_959, %add3A_965 : vector<16xi32>
        %gather3A_967 = tpu.vector_load_idx %arg6[%add3A_966] : memref<40000xi32, #tpu.memory_space<vmem>>[vector<16xi32>], vector<16xi32>,
        %shift_left3A_968 = arith.constant 16 : i32
        %shift_left3A_969 = vector.broadcast %shift_left3A_968 : i32 to vector<16xi32>
        %shift_left3A_970 = arith.shli %gather3A_963, %shift_left3A_969 : vector<16xi32>
        %bitcast_convert_type3A_971 = tpu.bitcast %shift_left3A_970 : vector<16xi32> -> vector<16xf32>
        %and3A_972 = vector.broadcast %scan3A_0 : i32 to vector<16xi32>
        %and3A_973 = arith.andi %gather3A_963, %and3A_972 : vector<16xi32>
        %bitcast_convert_type3A_974 = tpu.bitcast %and3A_973 : vector<16xi32> -> vector<16xf32>
        %shift_left3A_975 = arith.constant 16 : i32
        %shift_left3A_976 = vector.broadcast %shift_left3A_975 : i32 to vector<16xi32>
        %shift_left3A_977 = arith.shli %gather3A_967, %shift_left3A_976 : vector<16xi32>
        %bitcast_convert_type3A_978 = tpu.bitcast %shift_left3A_977 : vector<16xi32> -> vector<16xf32>
        %and3A_979 = vector.broadcast %scan3A_0 : i32 to vector<16xi32>
        %and3A_980 = arith.andi %gather3A_967, %and3A_979 : vector<16xi32>
        %bitcast_convert_type3A_981 = tpu.bitcast %and3A_980 : vector<16xi32> -> vector<16xf32>
        %sub3A_982 = arith.subf %bitcast_convert_type3A_971, %bitcast_convert_type3A_978 : vector<16xf32>
        %sub3A_983 = arith.subf %bitcast_convert_type3A_974, %bitcast_convert_type3A_981 : vector<16xf32>
        %max3A_984 = arith.maximumf %max3A_866, %sub3A_982 : vector<16xf32>
        %max3A_985 = arith.maximumf %max3A_867, %sub3A_983 : vector<16xf32>
        %add3A_986 = arith.constant 1 : i32
        %add3A_987 = vector.broadcast %add3A_986 : i32 to vector<16xi32>
        %add3A_988 = arith.addi %mul3A_952, %add3A_987 : vector<16xi32>
        %gather3A_989 = tpu.vector_load_idx %arg6[%add3A_988] : memref<40000xi32, #tpu.memory_space<vmem>>[vector<16xi32>], vector<16xi32>,
        %add3A_990 = arith.constant 1 : i32
        %add3A_991 = vector.broadcast %add3A_990 : i32 to vector<16xi32>
        %add3A_992 = arith.addi %mul3A_959, %add3A_991 : vector<16xi32>
        %gather3A_993 = tpu.vector_load_idx %arg6[%add3A_992] : memref<40000xi32, #tpu.memory_space<vmem>>[vector<16xi32>], vector<16xi32>,
        %shift_left3A_994 = arith.constant 16 : i32
        %shift_left3A_995 = vector.broadcast %shift_left3A_994 : i32 to vector<16xi32>
        %shift_left3A_996 = arith.shli %gather3A_989, %shift_left3A_995 : vector<16xi32>
        %bitcast_convert_type3A_997 = tpu.bitcast %shift_left3A_996 : vector<16xi32> -> vector<16xf32>
        %and3A_998 = vector.broadcast %scan3A_0 : i32 to vector<16xi32>
        %and3A_999 = arith.andi %gather3A_989, %and3A_998 : vector<16xi32>
        %bitcast_convert_type3A_1000 = tpu.bitcast %and3A_999 : vector<16xi32> -> vector<16xf32>
        %shift_left3A_1001 = arith.constant 16 : i32
        %shift_left3A_1002 = vector.broadcast %shift_left3A_1001 : i32 to vector<16xi32>
        %shift_left3A_1003 = arith.shli %gather3A_993, %shift_left3A_1002 : vector<16xi32>
        %bitcast_convert_type3A_1004 = tpu.bitcast %shift_left3A_1003 : vector<16xi32> -> vector<16xf32>
        %and3A_1005 = vector.broadcast %scan3A_0 : i32 to vector<16xi32>
        %and3A_1006 = arith.andi %gather3A_993, %and3A_1005 : vector<16xi32>
        %bitcast_convert_type3A_1007 = tpu.bitcast %and3A_1006 : vector<16xi32> -> vector<16xf32>
        %sub3A_1008 = arith.subf %bitcast_convert_type3A_997, %bitcast_convert_type3A_1004 : vector<16xf32>
        %sub3A_1009 = arith.subf %bitcast_convert_type3A_1000, %bitcast_convert_type3A_1007 : vector<16xf32>
        %max3A_1010 = arith.maximumf %max3A_892, %sub3A_1008 : vector<16xf32>
        %max3A_1011 = arith.maximumf %max3A_893, %sub3A_1009 : vector<16xf32>
        %add3A_1012 = arith.constant 2 : i32
        %add3A_1013 = vector.broadcast %add3A_1012 : i32 to vector<16xi32>
        %add3A_1014 = arith.addi %mul3A_952, %add3A_1013 : vector<16xi32>
        %gather3A_1015 = tpu.vector_load_idx %arg6[%add3A_1014] : memref<40000xi32, #tpu.memory_space<vmem>>[vector<16xi32>], vector<16xi32>,
        %add3A_1016 = arith.constant 2 : i32
        %add3A_1017 = vector.broadcast %add3A_1016 : i32 to vector<16xi32>
        %add3A_1018 = arith.addi %mul3A_959, %add3A_1017 : vector<16xi32>
        %gather3A_1019 = tpu.vector_load_idx %arg6[%add3A_1018] : memref<40000xi32, #tpu.memory_space<vmem>>[vector<16xi32>], vector<16xi32>,
        %shift_left3A_1020 = arith.constant 16 : i32
        %shift_left3A_1021 = vector.broadcast %shift_left3A_1020 : i32 to vector<16xi32>
        %shift_left3A_1022 = arith.shli %gather3A_1015, %shift_left3A_1021 : vector<16xi32>
        %bitcast_convert_type3A_1023 = tpu.bitcast %shift_left3A_1022 : vector<16xi32> -> vector<16xf32>
        %and3A_1024 = vector.broadcast %scan3A_0 : i32 to vector<16xi32>
        %and3A_1025 = arith.andi %gather3A_1015, %and3A_1024 : vector<16xi32>
        %bitcast_convert_type3A_1026 = tpu.bitcast %and3A_1025 : vector<16xi32> -> vector<16xf32>
        %shift_left3A_1027 = arith.constant 16 : i32
        %shift_left3A_1028 = vector.broadcast %shift_left3A_1027 : i32 to vector<16xi32>
        %shift_left3A_1029 = arith.shli %gather3A_1019, %shift_left3A_1028 : vector<16xi32>
        %bitcast_convert_type3A_1030 = tpu.bitcast %shift_left3A_1029 : vector<16xi32> -> vector<16xf32>
        %and3A_1031 = vector.broadcast %scan3A_0 : i32 to vector<16xi32>
        %and3A_1032 = arith.andi %gather3A_1019, %and3A_1031 : vector<16xi32>
        %bitcast_convert_type3A_1033 = tpu.bitcast %and3A_1032 : vector<16xi32> -> vector<16xf32>
        %sub3A_1034 = arith.subf %bitcast_convert_type3A_1023, %bitcast_convert_type3A_1030 : vector<16xf32>
        %sub3A_1035 = arith.subf %bitcast_convert_type3A_1026, %bitcast_convert_type3A_1033 : vector<16xf32>
        %max3A_1036 = arith.maximumf %max3A_918, %sub3A_1034 : vector<16xf32>
        %max3A_1037 = arith.maximumf %max3A_919, %sub3A_1035 : vector<16xf32>
        %add3A_1038 = arith.constant 3 : i32
        %add3A_1039 = vector.broadcast %add3A_1038 : i32 to vector<16xi32>
        %add3A_1040 = arith.addi %mul3A_952, %add3A_1039 : vector<16xi32>
        %gather3A_1041 = tpu.vector_load_idx %arg6[%add3A_1040] : memref<40000xi32, #tpu.memory_space<vmem>>[vector<16xi32>], vector<16xi32>,
        %add3A_1042 = arith.constant 3 : i32
        %add3A_1043 = vector.broadcast %add3A_1042 : i32 to vector<16xi32>
        %add3A_1044 = arith.addi %mul3A_959, %add3A_1043 : vector<16xi32>
        %gather3A_1045 = tpu.vector_load_idx %arg6[%add3A_1044] : memref<40000xi32, #tpu.memory_space<vmem>>[vector<16xi32>], vector<16xi32>,
        %shift_left3A_1046 = arith.constant 16 : i32
        %shift_left3A_1047 = vector.broadcast %shift_left3A_1046 : i32 to vector<16xi32>
        %shift_left3A_1048 = arith.shli %gather3A_1041, %shift_left3A_1047 : vector<16xi32>
        %bitcast_convert_type3A_1049 = tpu.bitcast %shift_left3A_1048 : vector<16xi32> -> vector<16xf32>
        %and3A_1050 = vector.broadcast %scan3A_0 : i32 to vector<16xi32>
        %and3A_1051 = arith.andi %gather3A_1041, %and3A_1050 : vector<16xi32>
        %bitcast_convert_type3A_1052 = tpu.bitcast %and3A_1051 : vector<16xi32> -> vector<16xf32>
        %shift_left3A_1053 = arith.constant 16 : i32
        %shift_left3A_1054 = vector.broadcast %shift_left3A_1053 : i32 to vector<16xi32>
        %shift_left3A_1055 = arith.shli %gather3A_1045, %shift_left3A_1054 : vector<16xi32>
        %bitcast_convert_type3A_1056 = tpu.bitcast %shift_left3A_1055 : vector<16xi32> -> vector<16xf32>
        %and3A_1057 = vector.broadcast %scan3A_0 : i32 to vector<16xi32>
        %and3A_1058 = arith.andi %gather3A_1045, %and3A_1057 : vector<16xi32>
        %bitcast_convert_type3A_1059 = tpu.bitcast %and3A_1058 : vector<16xi32> -> vector<16xf32>
        %sub3A_1060 = arith.subf %bitcast_convert_type3A_1049, %bitcast_convert_type3A_1056 : vector<16xf32>
        %sub3A_1061 = arith.subf %bitcast_convert_type3A_1052, %bitcast_convert_type3A_1059 : vector<16xf32>
        %max3A_1062 = arith.maximumf %max3A_944, %sub3A_1060 : vector<16xf32>
        %max3A_1063 = arith.maximumf %max3A_945, %sub3A_1061 : vector<16xf32>
        %get3A_1064 = arith.constant 9 : i32
        %get3A_1065 = arith.index_cast %get3A_1064 : i32 to index
        %get3A_1066 = arith.index_cast %multiple_of3A_17 : i32 to index
        %get3A_1067 = tpu.vector_load %arg7[%get3A_1065, %get3A_1066] {strides = array<i32>} : memref<16x2000xi32, #tpu.memory_space<vmem>>, vector<16xi32>,
        %mul3A_1068 = arith.constant 4 : i32
        %mul3A_1069 = vector.broadcast %mul3A_1068 : i32 to vector<16xi32>
        %mul3A_1070 = arith.muli %get3A_1067, %mul3A_1069 : vector<16xi32>
        %get3A_1071 = arith.constant 9 : i32
        %get3A_1072 = arith.index_cast %get3A_1071 : i32 to index
        %get3A_1073 = arith.index_cast %multiple_of3A_17 : i32 to index
        %get3A_1074 = tpu.vector_load %arg8[%get3A_1072, %get3A_1073] {strides = array<i32>} : memref<16x2000xi32, #tpu.memory_space<vmem>>, vector<16xi32>,
        %mul3A_1075 = arith.constant 4 : i32
        %mul3A_1076 = vector.broadcast %mul3A_1075 : i32 to vector<16xi32>
        %mul3A_1077 = arith.muli %get3A_1074, %mul3A_1076 : vector<16xi32>
        %add3A_1078 = arith.constant 0 : i32
        %add3A_1079 = vector.broadcast %add3A_1078 : i32 to vector<16xi32>
        %add3A_1080 = arith.addi %mul3A_1070, %add3A_1079 : vector<16xi32>
        %gather3A_1081 = tpu.vector_load_idx %arg6[%add3A_1080] : memref<40000xi32, #tpu.memory_space<vmem>>[vector<16xi32>], vector<16xi32>,
        %add3A_1082 = arith.constant 0 : i32
        %add3A_1083 = vector.broadcast %add3A_1082 : i32 to vector<16xi32>
        %add3A_1084 = arith.addi %mul3A_1077, %add3A_1083 : vector<16xi32>
        %gather3A_1085 = tpu.vector_load_idx %arg6[%add3A_1084] : memref<40000xi32, #tpu.memory_space<vmem>>[vector<16xi32>], vector<16xi32>,
        %shift_left3A_1086 = arith.constant 16 : i32
        %shift_left3A_1087 = vector.broadcast %shift_left3A_1086 : i32 to vector<16xi32>
        %shift_left3A_1088 = arith.shli %gather3A_1081, %shift_left3A_1087 : vector<16xi32>
        %bitcast_convert_type3A_1089 = tpu.bitcast %shift_left3A_1088 : vector<16xi32> -> vector<16xf32>
        %and3A_1090 = vector.broadcast %scan3A_0 : i32 to vector<16xi32>
        %and3A_1091 = arith.andi %gather3A_1081, %and3A_1090 : vector<16xi32>
        %bitcast_convert_type3A_1092 = tpu.bitcast %and3A_1091 : vector<16xi32> -> vector<16xf32>
        %shift_left3A_1093 = arith.constant 16 : i32
        %shift_left3A_1094 = vector.broadcast %shift_left3A_1093 : i32 to vector<16xi32>
        %shift_left3A_1095 = arith.shli %gather3A_1085, %shift_left3A_1094 : vector<16xi32>
        %bitcast_convert_type3A_1096 = tpu.bitcast %shift_left3A_1095 : vector<16xi32> -> vector<16xf32>
        %and3A_1097 = vector.broadcast %scan3A_0 : i32 to vector<16xi32>
        %and3A_1098 = arith.andi %gather3A_1085, %and3A_1097 : vector<16xi32>
        %bitcast_convert_type3A_1099 = tpu.bitcast %and3A_1098 : vector<16xi32> -> vector<16xf32>
        %sub3A_1100 = arith.subf %bitcast_convert_type3A_1089, %bitcast_convert_type3A_1096 : vector<16xf32>
        %sub3A_1101 = arith.subf %bitcast_convert_type3A_1092, %bitcast_convert_type3A_1099 : vector<16xf32>
        %max3A_1102 = arith.maximumf %max3A_984, %sub3A_1100 : vector<16xf32>
        %max3A_1103 = arith.maximumf %max3A_985, %sub3A_1101 : vector<16xf32>
        %add3A_1104 = arith.constant 1 : i32
        %add3A_1105 = vector.broadcast %add3A_1104 : i32 to vector<16xi32>
        %add3A_1106 = arith.addi %mul3A_1070, %add3A_1105 : vector<16xi32>
        %gather3A_1107 = tpu.vector_load_idx %arg6[%add3A_1106] : memref<40000xi32, #tpu.memory_space<vmem>>[vector<16xi32>], vector<16xi32>,
        %add3A_1108 = arith.constant 1 : i32
        %add3A_1109 = vector.broadcast %add3A_1108 : i32 to vector<16xi32>
        %add3A_1110 = arith.addi %mul3A_1077, %add3A_1109 : vector<16xi32>
        %gather3A_1111 = tpu.vector_load_idx %arg6[%add3A_1110] : memref<40000xi32, #tpu.memory_space<vmem>>[vector<16xi32>], vector<16xi32>,
        %shift_left3A_1112 = arith.constant 16 : i32
        %shift_left3A_1113 = vector.broadcast %shift_left3A_1112 : i32 to vector<16xi32>
        %shift_left3A_1114 = arith.shli %gather3A_1107, %shift_left3A_1113 : vector<16xi32>
        %bitcast_convert_type3A_1115 = tpu.bitcast %shift_left3A_1114 : vector<16xi32> -> vector<16xf32>
        %and3A_1116 = vector.broadcast %scan3A_0 : i32 to vector<16xi32>
        %and3A_1117 = arith.andi %gather3A_1107, %and3A_1116 : vector<16xi32>
        %bitcast_convert_type3A_1118 = tpu.bitcast %and3A_1117 : vector<16xi32> -> vector<16xf32>
        %shift_left3A_1119 = arith.constant 16 : i32
        %shift_left3A_1120 = vector.broadcast %shift_left3A_1119 : i32 to vector<16xi32>
        %shift_left3A_1121 = arith.shli %gather3A_1111, %shift_left3A_1120 : vector<16xi32>
        %bitcast_convert_type3A_1122 = tpu.bitcast %shift_left3A_1121 : vector<16xi32> -> vector<16xf32>
        %and3A_1123 = vector.broadcast %scan3A_0 : i32 to vector<16xi32>
        %and3A_1124 = arith.andi %gather3A_1111, %and3A_1123 : vector<16xi32>
        %bitcast_convert_type3A_1125 = tpu.bitcast %and3A_1124 : vector<16xi32> -> vector<16xf32>
        %sub3A_1126 = arith.subf %bitcast_convert_type3A_1115, %bitcast_convert_type3A_1122 : vector<16xf32>
        %sub3A_1127 = arith.subf %bitcast_convert_type3A_1118, %bitcast_convert_type3A_1125 : vector<16xf32>
        %max3A_1128 = arith.maximumf %max3A_1010, %sub3A_1126 : vector<16xf32>
        %max3A_1129 = arith.maximumf %max3A_1011, %sub3A_1127 : vector<16xf32>
        %add3A_1130 = arith.constant 2 : i32
        %add3A_1131 = vector.broadcast %add3A_1130 : i32 to vector<16xi32>
        %add3A_1132 = arith.addi %mul3A_1070, %add3A_1131 : vector<16xi32>
        %gather3A_1133 = tpu.vector_load_idx %arg6[%add3A_1132] : memref<40000xi32, #tpu.memory_space<vmem>>[vector<16xi32>], vector<16xi32>,
        %add3A_1134 = arith.constant 2 : i32
        %add3A_1135 = vector.broadcast %add3A_1134 : i32 to vector<16xi32>
        %add3A_1136 = arith.addi %mul3A_1077, %add3A_1135 : vector<16xi32>
        %gather3A_1137 = tpu.vector_load_idx %arg6[%add3A_1136] : memref<40000xi32, #tpu.memory_space<vmem>>[vector<16xi32>], vector<16xi32>,
        %shift_left3A_1138 = arith.constant 16 : i32
        %shift_left3A_1139 = vector.broadcast %shift_left3A_1138 : i32 to vector<16xi32>
        %shift_left3A_1140 = arith.shli %gather3A_1133, %shift_left3A_1139 : vector<16xi32>
        %bitcast_convert_type3A_1141 = tpu.bitcast %shift_left3A_1140 : vector<16xi32> -> vector<16xf32>
        %and3A_1142 = vector.broadcast %scan3A_0 : i32 to vector<16xi32>
        %and3A_1143 = arith.andi %gather3A_1133, %and3A_1142 : vector<16xi32>
        %bitcast_convert_type3A_1144 = tpu.bitcast %and3A_1143 : vector<16xi32> -> vector<16xf32>
        %shift_left3A_1145 = arith.constant 16 : i32
        %shift_left3A_1146 = vector.broadcast %shift_left3A_1145 : i32 to vector<16xi32>
        %shift_left3A_1147 = arith.shli %gather3A_1137, %shift_left3A_1146 : vector<16xi32>
        %bitcast_convert_type3A_1148 = tpu.bitcast %shift_left3A_1147 : vector<16xi32> -> vector<16xf32>
        %and3A_1149 = vector.broadcast %scan3A_0 : i32 to vector<16xi32>
        %and3A_1150 = arith.andi %gather3A_1137, %and3A_1149 : vector<16xi32>
        %bitcast_convert_type3A_1151 = tpu.bitcast %and3A_1150 : vector<16xi32> -> vector<16xf32>
        %sub3A_1152 = arith.subf %bitcast_convert_type3A_1141, %bitcast_convert_type3A_1148 : vector<16xf32>
        %sub3A_1153 = arith.subf %bitcast_convert_type3A_1144, %bitcast_convert_type3A_1151 : vector<16xf32>
        %max3A_1154 = arith.maximumf %max3A_1036, %sub3A_1152 : vector<16xf32>
        %max3A_1155 = arith.maximumf %max3A_1037, %sub3A_1153 : vector<16xf32>
        %add3A_1156 = arith.constant 3 : i32
        %add3A_1157 = vector.broadcast %add3A_1156 : i32 to vector<16xi32>
        %add3A_1158 = arith.addi %mul3A_1070, %add3A_1157 : vector<16xi32>
        %gather3A_1159 = tpu.vector_load_idx %arg6[%add3A_1158] : memref<40000xi32, #tpu.memory_space<vmem>>[vector<16xi32>], vector<16xi32>,
        %add3A_1160 = arith.constant 3 : i32
        %add3A_1161 = vector.broadcast %add3A_1160 : i32 to vector<16xi32>
        %add3A_1162 = arith.addi %mul3A_1077, %add3A_1161 : vector<16xi32>
        %gather3A_1163 = tpu.vector_load_idx %arg6[%add3A_1162] : memref<40000xi32, #tpu.memory_space<vmem>>[vector<16xi32>], vector<16xi32>,
        %shift_left3A_1164 = arith.constant 16 : i32
        %shift_left3A_1165 = vector.broadcast %shift_left3A_1164 : i32 to vector<16xi32>
        %shift_left3A_1166 = arith.shli %gather3A_1159, %shift_left3A_1165 : vector<16xi32>
        %bitcast_convert_type3A_1167 = tpu.bitcast %shift_left3A_1166 : vector<16xi32> -> vector<16xf32>
        %and3A_1168 = vector.broadcast %scan3A_0 : i32 to vector<16xi32>
        %and3A_1169 = arith.andi %gather3A_1159, %and3A_1168 : vector<16xi32>
        %bitcast_convert_type3A_1170 = tpu.bitcast %and3A_1169 : vector<16xi32> -> vector<16xf32>
        %shift_left3A_1171 = arith.constant 16 : i32
        %shift_left3A_1172 = vector.broadcast %shift_left3A_1171 : i32 to vector<16xi32>
        %shift_left3A_1173 = arith.shli %gather3A_1163, %shift_left3A_1172 : vector<16xi32>
        %bitcast_convert_type3A_1174 = tpu.bitcast %shift_left3A_1173 : vector<16xi32> -> vector<16xf32>
        %and3A_1175 = vector.broadcast %scan3A_0 : i32 to vector<16xi32>
        %and3A_1176 = arith.andi %gather3A_1163, %and3A_1175 : vector<16xi32>
        %bitcast_convert_type3A_1177 = tpu.bitcast %and3A_1176 : vector<16xi32> -> vector<16xf32>
        %sub3A_1178 = arith.subf %bitcast_convert_type3A_1167, %bitcast_convert_type3A_1174 : vector<16xf32>
        %sub3A_1179 = arith.subf %bitcast_convert_type3A_1170, %bitcast_convert_type3A_1177 : vector<16xf32>
        %max3A_1180 = arith.maximumf %max3A_1062, %sub3A_1178 : vector<16xf32>
        %max3A_1181 = arith.maximumf %max3A_1063, %sub3A_1179 : vector<16xf32>
        %get3A_1182 = arith.constant 10 : i32
        %get3A_1183 = arith.index_cast %get3A_1182 : i32 to index
        %get3A_1184 = arith.index_cast %multiple_of3A_17 : i32 to index
        %get3A_1185 = tpu.vector_load %arg7[%get3A_1183, %get3A_1184] {strides = array<i32>} : memref<16x2000xi32, #tpu.memory_space<vmem>>, vector<16xi32>,
        %mul3A_1186 = arith.constant 4 : i32
        %mul3A_1187 = vector.broadcast %mul3A_1186 : i32 to vector<16xi32>
        %mul3A_1188 = arith.muli %get3A_1185, %mul3A_1187 : vector<16xi32>
        %get3A_1189 = arith.constant 10 : i32
        %get3A_1190 = arith.index_cast %get3A_1189 : i32 to index
        %get3A_1191 = arith.index_cast %multiple_of3A_17 : i32 to index
        %get3A_1192 = tpu.vector_load %arg8[%get3A_1190, %get3A_1191] {strides = array<i32>} : memref<16x2000xi32, #tpu.memory_space<vmem>>, vector<16xi32>,
        %mul3A_1193 = arith.constant 4 : i32
        %mul3A_1194 = vector.broadcast %mul3A_1193 : i32 to vector<16xi32>
        %mul3A_1195 = arith.muli %get3A_1192, %mul3A_1194 : vector<16xi32>
        %add3A_1196 = arith.constant 0 : i32
        %add3A_1197 = vector.broadcast %add3A_1196 : i32 to vector<16xi32>
        %add3A_1198 = arith.addi %mul3A_1188, %add3A_1197 : vector<16xi32>
        %gather3A_1199 = tpu.vector_load_idx %arg6[%add3A_1198] : memref<40000xi32, #tpu.memory_space<vmem>>[vector<16xi32>], vector<16xi32>,
        %add3A_1200 = arith.constant 0 : i32
        %add3A_1201 = vector.broadcast %add3A_1200 : i32 to vector<16xi32>
        %add3A_1202 = arith.addi %mul3A_1195, %add3A_1201 : vector<16xi32>
        %gather3A_1203 = tpu.vector_load_idx %arg6[%add3A_1202] : memref<40000xi32, #tpu.memory_space<vmem>>[vector<16xi32>], vector<16xi32>,
        %shift_left3A_1204 = arith.constant 16 : i32
        %shift_left3A_1205 = vector.broadcast %shift_left3A_1204 : i32 to vector<16xi32>
        %shift_left3A_1206 = arith.shli %gather3A_1199, %shift_left3A_1205 : vector<16xi32>
        %bitcast_convert_type3A_1207 = tpu.bitcast %shift_left3A_1206 : vector<16xi32> -> vector<16xf32>
        %and3A_1208 = vector.broadcast %scan3A_0 : i32 to vector<16xi32>
        %and3A_1209 = arith.andi %gather3A_1199, %and3A_1208 : vector<16xi32>
        %bitcast_convert_type3A_1210 = tpu.bitcast %and3A_1209 : vector<16xi32> -> vector<16xf32>
        %shift_left3A_1211 = arith.constant 16 : i32
        %shift_left3A_1212 = vector.broadcast %shift_left3A_1211 : i32 to vector<16xi32>
        %shift_left3A_1213 = arith.shli %gather3A_1203, %shift_left3A_1212 : vector<16xi32>
        %bitcast_convert_type3A_1214 = tpu.bitcast %shift_left3A_1213 : vector<16xi32> -> vector<16xf32>
        %and3A_1215 = vector.broadcast %scan3A_0 : i32 to vector<16xi32>
        %and3A_1216 = arith.andi %gather3A_1203, %and3A_1215 : vector<16xi32>
        %bitcast_convert_type3A_1217 = tpu.bitcast %and3A_1216 : vector<16xi32> -> vector<16xf32>
        %sub3A_1218 = arith.subf %bitcast_convert_type3A_1207, %bitcast_convert_type3A_1214 : vector<16xf32>
        %sub3A_1219 = arith.subf %bitcast_convert_type3A_1210, %bitcast_convert_type3A_1217 : vector<16xf32>
        %max3A_1220 = arith.maximumf %max3A_1102, %sub3A_1218 : vector<16xf32>
        %max3A_1221 = arith.maximumf %max3A_1103, %sub3A_1219 : vector<16xf32>
        %add3A_1222 = arith.constant 1 : i32
        %add3A_1223 = vector.broadcast %add3A_1222 : i32 to vector<16xi32>
        %add3A_1224 = arith.addi %mul3A_1188, %add3A_1223 : vector<16xi32>
        %gather3A_1225 = tpu.vector_load_idx %arg6[%add3A_1224] : memref<40000xi32, #tpu.memory_space<vmem>>[vector<16xi32>], vector<16xi32>,
        %add3A_1226 = arith.constant 1 : i32
        %add3A_1227 = vector.broadcast %add3A_1226 : i32 to vector<16xi32>
        %add3A_1228 = arith.addi %mul3A_1195, %add3A_1227 : vector<16xi32>
        %gather3A_1229 = tpu.vector_load_idx %arg6[%add3A_1228] : memref<40000xi32, #tpu.memory_space<vmem>>[vector<16xi32>], vector<16xi32>,
        %shift_left3A_1230 = arith.constant 16 : i32
        %shift_left3A_1231 = vector.broadcast %shift_left3A_1230 : i32 to vector<16xi32>
        %shift_left3A_1232 = arith.shli %gather3A_1225, %shift_left3A_1231 : vector<16xi32>
        %bitcast_convert_type3A_1233 = tpu.bitcast %shift_left3A_1232 : vector<16xi32> -> vector<16xf32>
        %and3A_1234 = vector.broadcast %scan3A_0 : i32 to vector<16xi32>
        %and3A_1235 = arith.andi %gather3A_1225, %and3A_1234 : vector<16xi32>
        %bitcast_convert_type3A_1236 = tpu.bitcast %and3A_1235 : vector<16xi32> -> vector<16xf32>
        %shift_left3A_1237 = arith.constant 16 : i32
        %shift_left3A_1238 = vector.broadcast %shift_left3A_1237 : i32 to vector<16xi32>
        %shift_left3A_1239 = arith.shli %gather3A_1229, %shift_left3A_1238 : vector<16xi32>
        %bitcast_convert_type3A_1240 = tpu.bitcast %shift_left3A_1239 : vector<16xi32> -> vector<16xf32>
        %and3A_1241 = vector.broadcast %scan3A_0 : i32 to vector<16xi32>
        %and3A_1242 = arith.andi %gather3A_1229, %and3A_1241 : vector<16xi32>
        %bitcast_convert_type3A_1243 = tpu.bitcast %and3A_1242 : vector<16xi32> -> vector<16xf32>
        %sub3A_1244 = arith.subf %bitcast_convert_type3A_1233, %bitcast_convert_type3A_1240 : vector<16xf32>
        %sub3A_1245 = arith.subf %bitcast_convert_type3A_1236, %bitcast_convert_type3A_1243 : vector<16xf32>
        %max3A_1246 = arith.maximumf %max3A_1128, %sub3A_1244 : vector<16xf32>
        %max3A_1247 = arith.maximumf %max3A_1129, %sub3A_1245 : vector<16xf32>
        %add3A_1248 = arith.constant 2 : i32
        %add3A_1249 = vector.broadcast %add3A_1248 : i32 to vector<16xi32>
        %add3A_1250 = arith.addi %mul3A_1188, %add3A_1249 : vector<16xi32>
        %gather3A_1251 = tpu.vector_load_idx %arg6[%add3A_1250] : memref<40000xi32, #tpu.memory_space<vmem>>[vector<16xi32>], vector<16xi32>,
        %add3A_1252 = arith.constant 2 : i32
        %add3A_1253 = vector.broadcast %add3A_1252 : i32 to vector<16xi32>
        %add3A_1254 = arith.addi %mul3A_1195, %add3A_1253 : vector<16xi32>
        %gather3A_1255 = tpu.vector_load_idx %arg6[%add3A_1254] : memref<40000xi32, #tpu.memory_space<vmem>>[vector<16xi32>], vector<16xi32>,
        %shift_left3A_1256 = arith.constant 16 : i32
        %shift_left3A_1257 = vector.broadcast %shift_left3A_1256 : i32 to vector<16xi32>
        %shift_left3A_1258 = arith.shli %gather3A_1251, %shift_left3A_1257 : vector<16xi32>
        %bitcast_convert_type3A_1259 = tpu.bitcast %shift_left3A_1258 : vector<16xi32> -> vector<16xf32>
        %and3A_1260 = vector.broadcast %scan3A_0 : i32 to vector<16xi32>
        %and3A_1261 = arith.andi %gather3A_1251, %and3A_1260 : vector<16xi32>
        %bitcast_convert_type3A_1262 = tpu.bitcast %and3A_1261 : vector<16xi32> -> vector<16xf32>
        %shift_left3A_1263 = arith.constant 16 : i32
        %shift_left3A_1264 = vector.broadcast %shift_left3A_1263 : i32 to vector<16xi32>
        %shift_left3A_1265 = arith.shli %gather3A_1255, %shift_left3A_1264 : vector<16xi32>
        %bitcast_convert_type3A_1266 = tpu.bitcast %shift_left3A_1265 : vector<16xi32> -> vector<16xf32>
        %and3A_1267 = vector.broadcast %scan3A_0 : i32 to vector<16xi32>
        %and3A_1268 = arith.andi %gather3A_1255, %and3A_1267 : vector<16xi32>
        %bitcast_convert_type3A_1269 = tpu.bitcast %and3A_1268 : vector<16xi32> -> vector<16xf32>
        %sub3A_1270 = arith.subf %bitcast_convert_type3A_1259, %bitcast_convert_type3A_1266 : vector<16xf32>
        %sub3A_1271 = arith.subf %bitcast_convert_type3A_1262, %bitcast_convert_type3A_1269 : vector<16xf32>
        %max3A_1272 = arith.maximumf %max3A_1154, %sub3A_1270 : vector<16xf32>
        %max3A_1273 = arith.maximumf %max3A_1155, %sub3A_1271 : vector<16xf32>
        %add3A_1274 = arith.constant 3 : i32
        %add3A_1275 = vector.broadcast %add3A_1274 : i32 to vector<16xi32>
        %add3A_1276 = arith.addi %mul3A_1188, %add3A_1275 : vector<16xi32>
        %gather3A_1277 = tpu.vector_load_idx %arg6[%add3A_1276] : memref<40000xi32, #tpu.memory_space<vmem>>[vector<16xi32>], vector<16xi32>,
        %add3A_1278 = arith.constant 3 : i32
        %add3A_1279 = vector.broadcast %add3A_1278 : i32 to vector<16xi32>
        %add3A_1280 = arith.addi %mul3A_1195, %add3A_1279 : vector<16xi32>
        %gather3A_1281 = tpu.vector_load_idx %arg6[%add3A_1280] : memref<40000xi32, #tpu.memory_space<vmem>>[vector<16xi32>], vector<16xi32>,
        %shift_left3A_1282 = arith.constant 16 : i32
        %shift_left3A_1283 = vector.broadcast %shift_left3A_1282 : i32 to vector<16xi32>
        %shift_left3A_1284 = arith.shli %gather3A_1277, %shift_left3A_1283 : vector<16xi32>
        %bitcast_convert_type3A_1285 = tpu.bitcast %shift_left3A_1284 : vector<16xi32> -> vector<16xf32>
        %and3A_1286 = vector.broadcast %scan3A_0 : i32 to vector<16xi32>
        %and3A_1287 = arith.andi %gather3A_1277, %and3A_1286 : vector<16xi32>
        %bitcast_convert_type3A_1288 = tpu.bitcast %and3A_1287 : vector<16xi32> -> vector<16xf32>
        %shift_left3A_1289 = arith.constant 16 : i32
        %shift_left3A_1290 = vector.broadcast %shift_left3A_1289 : i32 to vector<16xi32>
        %shift_left3A_1291 = arith.shli %gather3A_1281, %shift_left3A_1290 : vector<16xi32>
        %bitcast_convert_type3A_1292 = tpu.bitcast %shift_left3A_1291 : vector<16xi32> -> vector<16xf32>
        %and3A_1293 = vector.broadcast %scan3A_0 : i32 to vector<16xi32>
        %and3A_1294 = arith.andi %gather3A_1281, %and3A_1293 : vector<16xi32>
        %bitcast_convert_type3A_1295 = tpu.bitcast %and3A_1294 : vector<16xi32> -> vector<16xf32>
        %sub3A_1296 = arith.subf %bitcast_convert_type3A_1285, %bitcast_convert_type3A_1292 : vector<16xf32>
        %sub3A_1297 = arith.subf %bitcast_convert_type3A_1288, %bitcast_convert_type3A_1295 : vector<16xf32>
        %max3A_1298 = arith.maximumf %max3A_1180, %sub3A_1296 : vector<16xf32>
        %max3A_1299 = arith.maximumf %max3A_1181, %sub3A_1297 : vector<16xf32>
        %get3A_1300 = arith.constant 11 : i32
        %get3A_1301 = arith.index_cast %get3A_1300 : i32 to index
        %get3A_1302 = arith.index_cast %multiple_of3A_17 : i32 to index
        %get3A_1303 = tpu.vector_load %arg7[%get3A_1301, %get3A_1302] {strides = array<i32>} : memref<16x2000xi32, #tpu.memory_space<vmem>>, vector<16xi32>,
        %mul3A_1304 = arith.constant 4 : i32
        %mul3A_1305 = vector.broadcast %mul3A_1304 : i32 to vector<16xi32>
        %mul3A_1306 = arith.muli %get3A_1303, %mul3A_1305 : vector<16xi32>
        %get3A_1307 = arith.constant 11 : i32
        %get3A_1308 = arith.index_cast %get3A_1307 : i32 to index
        %get3A_1309 = arith.index_cast %multiple_of3A_17 : i32 to index
        %get3A_1310 = tpu.vector_load %arg8[%get3A_1308, %get3A_1309] {strides = array<i32>} : memref<16x2000xi32, #tpu.memory_space<vmem>>, vector<16xi32>,
        %mul3A_1311 = arith.constant 4 : i32
        %mul3A_1312 = vector.broadcast %mul3A_1311 : i32 to vector<16xi32>
        %mul3A_1313 = arith.muli %get3A_1310, %mul3A_1312 : vector<16xi32>
        %add3A_1314 = arith.constant 0 : i32
        %add3A_1315 = vector.broadcast %add3A_1314 : i32 to vector<16xi32>
        %add3A_1316 = arith.addi %mul3A_1306, %add3A_1315 : vector<16xi32>
        %gather3A_1317 = tpu.vector_load_idx %arg6[%add3A_1316] : memref<40000xi32, #tpu.memory_space<vmem>>[vector<16xi32>], vector<16xi32>,
        %add3A_1318 = arith.constant 0 : i32
        %add3A_1319 = vector.broadcast %add3A_1318 : i32 to vector<16xi32>
        %add3A_1320 = arith.addi %mul3A_1313, %add3A_1319 : vector<16xi32>
        %gather3A_1321 = tpu.vector_load_idx %arg6[%add3A_1320] : memref<40000xi32, #tpu.memory_space<vmem>>[vector<16xi32>], vector<16xi32>,
        %shift_left3A_1322 = arith.constant 16 : i32
        %shift_left3A_1323 = vector.broadcast %shift_left3A_1322 : i32 to vector<16xi32>
        %shift_left3A_1324 = arith.shli %gather3A_1317, %shift_left3A_1323 : vector<16xi32>
        %bitcast_convert_type3A_1325 = tpu.bitcast %shift_left3A_1324 : vector<16xi32> -> vector<16xf32>
        %and3A_1326 = vector.broadcast %scan3A_0 : i32 to vector<16xi32>
        %and3A_1327 = arith.andi %gather3A_1317, %and3A_1326 : vector<16xi32>
        %bitcast_convert_type3A_1328 = tpu.bitcast %and3A_1327 : vector<16xi32> -> vector<16xf32>
        %shift_left3A_1329 = arith.constant 16 : i32
        %shift_left3A_1330 = vector.broadcast %shift_left3A_1329 : i32 to vector<16xi32>
        %shift_left3A_1331 = arith.shli %gather3A_1321, %shift_left3A_1330 : vector<16xi32>
        %bitcast_convert_type3A_1332 = tpu.bitcast %shift_left3A_1331 : vector<16xi32> -> vector<16xf32>
        %and3A_1333 = vector.broadcast %scan3A_0 : i32 to vector<16xi32>
        %and3A_1334 = arith.andi %gather3A_1321, %and3A_1333 : vector<16xi32>
        %bitcast_convert_type3A_1335 = tpu.bitcast %and3A_1334 : vector<16xi32> -> vector<16xf32>
        %sub3A_1336 = arith.subf %bitcast_convert_type3A_1325, %bitcast_convert_type3A_1332 : vector<16xf32>
        %sub3A_1337 = arith.subf %bitcast_convert_type3A_1328, %bitcast_convert_type3A_1335 : vector<16xf32>
        %max3A_1338 = arith.maximumf %max3A_1220, %sub3A_1336 : vector<16xf32>
        %max3A_1339 = arith.maximumf %max3A_1221, %sub3A_1337 : vector<16xf32>
        %add3A_1340 = arith.constant 1 : i32
        %add3A_1341 = vector.broadcast %add3A_1340 : i32 to vector<16xi32>
        %add3A_1342 = arith.addi %mul3A_1306, %add3A_1341 : vector<16xi32>
        %gather3A_1343 = tpu.vector_load_idx %arg6[%add3A_1342] : memref<40000xi32, #tpu.memory_space<vmem>>[vector<16xi32>], vector<16xi32>,
        %add3A_1344 = arith.constant 1 : i32
        %add3A_1345 = vector.broadcast %add3A_1344 : i32 to vector<16xi32>
        %add3A_1346 = arith.addi %mul3A_1313, %add3A_1345 : vector<16xi32>
        %gather3A_1347 = tpu.vector_load_idx %arg6[%add3A_1346] : memref<40000xi32, #tpu.memory_space<vmem>>[vector<16xi32>], vector<16xi32>,
        %shift_left3A_1348 = arith.constant 16 : i32
        %shift_left3A_1349 = vector.broadcast %shift_left3A_1348 : i32 to vector<16xi32>
        %shift_left3A_1350 = arith.shli %gather3A_1343, %shift_left3A_1349 : vector<16xi32>
        %bitcast_convert_type3A_1351 = tpu.bitcast %shift_left3A_1350 : vector<16xi32> -> vector<16xf32>
        %and3A_1352 = vector.broadcast %scan3A_0 : i32 to vector<16xi32>
        %and3A_1353 = arith.andi %gather3A_1343, %and3A_1352 : vector<16xi32>
        %bitcast_convert_type3A_1354 = tpu.bitcast %and3A_1353 : vector<16xi32> -> vector<16xf32>
        %shift_left3A_1355 = arith.constant 16 : i32
        %shift_left3A_1356 = vector.broadcast %shift_left3A_1355 : i32 to vector<16xi32>
        %shift_left3A_1357 = arith.shli %gather3A_1347, %shift_left3A_1356 : vector<16xi32>
        %bitcast_convert_type3A_1358 = tpu.bitcast %shift_left3A_1357 : vector<16xi32> -> vector<16xf32>
        %and3A_1359 = vector.broadcast %scan3A_0 : i32 to vector<16xi32>
        %and3A_1360 = arith.andi %gather3A_1347, %and3A_1359 : vector<16xi32>
        %bitcast_convert_type3A_1361 = tpu.bitcast %and3A_1360 : vector<16xi32> -> vector<16xf32>
        %sub3A_1362 = arith.subf %bitcast_convert_type3A_1351, %bitcast_convert_type3A_1358 : vector<16xf32>
        %sub3A_1363 = arith.subf %bitcast_convert_type3A_1354, %bitcast_convert_type3A_1361 : vector<16xf32>
        %max3A_1364 = arith.maximumf %max3A_1246, %sub3A_1362 : vector<16xf32>
        %max3A_1365 = arith.maximumf %max3A_1247, %sub3A_1363 : vector<16xf32>
        %add3A_1366 = arith.constant 2 : i32
        %add3A_1367 = vector.broadcast %add3A_1366 : i32 to vector<16xi32>
        %add3A_1368 = arith.addi %mul3A_1306, %add3A_1367 : vector<16xi32>
        %gather3A_1369 = tpu.vector_load_idx %arg6[%add3A_1368] : memref<40000xi32, #tpu.memory_space<vmem>>[vector<16xi32>], vector<16xi32>,
        %add3A_1370 = arith.constant 2 : i32
        %add3A_1371 = vector.broadcast %add3A_1370 : i32 to vector<16xi32>
        %add3A_1372 = arith.addi %mul3A_1313, %add3A_1371 : vector<16xi32>
        %gather3A_1373 = tpu.vector_load_idx %arg6[%add3A_1372] : memref<40000xi32, #tpu.memory_space<vmem>>[vector<16xi32>], vector<16xi32>,
        %shift_left3A_1374 = arith.constant 16 : i32
        %shift_left3A_1375 = vector.broadcast %shift_left3A_1374 : i32 to vector<16xi32>
        %shift_left3A_1376 = arith.shli %gather3A_1369, %shift_left3A_1375 : vector<16xi32>
        %bitcast_convert_type3A_1377 = tpu.bitcast %shift_left3A_1376 : vector<16xi32> -> vector<16xf32>
        %and3A_1378 = vector.broadcast %scan3A_0 : i32 to vector<16xi32>
        %and3A_1379 = arith.andi %gather3A_1369, %and3A_1378 : vector<16xi32>
        %bitcast_convert_type3A_1380 = tpu.bitcast %and3A_1379 : vector<16xi32> -> vector<16xf32>
        %shift_left3A_1381 = arith.constant 16 : i32
        %shift_left3A_1382 = vector.broadcast %shift_left3A_1381 : i32 to vector<16xi32>
        %shift_left3A_1383 = arith.shli %gather3A_1373, %shift_left3A_1382 : vector<16xi32>
        %bitcast_convert_type3A_1384 = tpu.bitcast %shift_left3A_1383 : vector<16xi32> -> vector<16xf32>
        %and3A_1385 = vector.broadcast %scan3A_0 : i32 to vector<16xi32>
        %and3A_1386 = arith.andi %gather3A_1373, %and3A_1385 : vector<16xi32>
        %bitcast_convert_type3A_1387 = tpu.bitcast %and3A_1386 : vector<16xi32> -> vector<16xf32>
        %sub3A_1388 = arith.subf %bitcast_convert_type3A_1377, %bitcast_convert_type3A_1384 : vector<16xf32>
        %sub3A_1389 = arith.subf %bitcast_convert_type3A_1380, %bitcast_convert_type3A_1387 : vector<16xf32>
        %max3A_1390 = arith.maximumf %max3A_1272, %sub3A_1388 : vector<16xf32>
        %max3A_1391 = arith.maximumf %max3A_1273, %sub3A_1389 : vector<16xf32>
        %add3A_1392 = arith.constant 3 : i32
        %add3A_1393 = vector.broadcast %add3A_1392 : i32 to vector<16xi32>
        %add3A_1394 = arith.addi %mul3A_1306, %add3A_1393 : vector<16xi32>
        %gather3A_1395 = tpu.vector_load_idx %arg6[%add3A_1394] : memref<40000xi32, #tpu.memory_space<vmem>>[vector<16xi32>], vector<16xi32>,
        %add3A_1396 = arith.constant 3 : i32
        %add3A_1397 = vector.broadcast %add3A_1396 : i32 to vector<16xi32>
        %add3A_1398 = arith.addi %mul3A_1313, %add3A_1397 : vector<16xi32>
        %gather3A_1399 = tpu.vector_load_idx %arg6[%add3A_1398] : memref<40000xi32, #tpu.memory_space<vmem>>[vector<16xi32>], vector<16xi32>,
        %shift_left3A_1400 = arith.constant 16 : i32
        %shift_left3A_1401 = vector.broadcast %shift_left3A_1400 : i32 to vector<16xi32>
        %shift_left3A_1402 = arith.shli %gather3A_1395, %shift_left3A_1401 : vector<16xi32>
        %bitcast_convert_type3A_1403 = tpu.bitcast %shift_left3A_1402 : vector<16xi32> -> vector<16xf32>
        %and3A_1404 = vector.broadcast %scan3A_0 : i32 to vector<16xi32>
        %and3A_1405 = arith.andi %gather3A_1395, %and3A_1404 : vector<16xi32>
        %bitcast_convert_type3A_1406 = tpu.bitcast %and3A_1405 : vector<16xi32> -> vector<16xf32>
        %shift_left3A_1407 = arith.constant 16 : i32
        %shift_left3A_1408 = vector.broadcast %shift_left3A_1407 : i32 to vector<16xi32>
        %shift_left3A_1409 = arith.shli %gather3A_1399, %shift_left3A_1408 : vector<16xi32>
        %bitcast_convert_type3A_1410 = tpu.bitcast %shift_left3A_1409 : vector<16xi32> -> vector<16xf32>
        %and3A_1411 = vector.broadcast %scan3A_0 : i32 to vector<16xi32>
        %and3A_1412 = arith.andi %gather3A_1399, %and3A_1411 : vector<16xi32>
        %bitcast_convert_type3A_1413 = tpu.bitcast %and3A_1412 : vector<16xi32> -> vector<16xf32>
        %sub3A_1414 = arith.subf %bitcast_convert_type3A_1403, %bitcast_convert_type3A_1410 : vector<16xf32>
        %sub3A_1415 = arith.subf %bitcast_convert_type3A_1406, %bitcast_convert_type3A_1413 : vector<16xf32>
        %max3A_1416 = arith.maximumf %max3A_1298, %sub3A_1414 : vector<16xf32>
        %max3A_1417 = arith.maximumf %max3A_1299, %sub3A_1415 : vector<16xf32>
        %get3A_1418 = arith.constant 12 : i32
        %get3A_1419 = arith.index_cast %get3A_1418 : i32 to index
        %get3A_1420 = arith.index_cast %multiple_of3A_17 : i32 to index
        %get3A_1421 = tpu.vector_load %arg7[%get3A_1419, %get3A_1420] {strides = array<i32>} : memref<16x2000xi32, #tpu.memory_space<vmem>>, vector<16xi32>,
        %mul3A_1422 = arith.constant 4 : i32
        %mul3A_1423 = vector.broadcast %mul3A_1422 : i32 to vector<16xi32>
        %mul3A_1424 = arith.muli %get3A_1421, %mul3A_1423 : vector<16xi32>
        %get3A_1425 = arith.constant 12 : i32
        %get3A_1426 = arith.index_cast %get3A_1425 : i32 to index
        %get3A_1427 = arith.index_cast %multiple_of3A_17 : i32 to index
        %get3A_1428 = tpu.vector_load %arg8[%get3A_1426, %get3A_1427] {strides = array<i32>} : memref<16x2000xi32, #tpu.memory_space<vmem>>, vector<16xi32>,
        %mul3A_1429 = arith.constant 4 : i32
        %mul3A_1430 = vector.broadcast %mul3A_1429 : i32 to vector<16xi32>
        %mul3A_1431 = arith.muli %get3A_1428, %mul3A_1430 : vector<16xi32>
        %add3A_1432 = arith.constant 0 : i32
        %add3A_1433 = vector.broadcast %add3A_1432 : i32 to vector<16xi32>
        %add3A_1434 = arith.addi %mul3A_1424, %add3A_1433 : vector<16xi32>
        %gather3A_1435 = tpu.vector_load_idx %arg6[%add3A_1434] : memref<40000xi32, #tpu.memory_space<vmem>>[vector<16xi32>], vector<16xi32>,
        %add3A_1436 = arith.constant 0 : i32
        %add3A_1437 = vector.broadcast %add3A_1436 : i32 to vector<16xi32>
        %add3A_1438 = arith.addi %mul3A_1431, %add3A_1437 : vector<16xi32>
        %gather3A_1439 = tpu.vector_load_idx %arg6[%add3A_1438] : memref<40000xi32, #tpu.memory_space<vmem>>[vector<16xi32>], vector<16xi32>,
        %shift_left3A_1440 = arith.constant 16 : i32
        %shift_left3A_1441 = vector.broadcast %shift_left3A_1440 : i32 to vector<16xi32>
        %shift_left3A_1442 = arith.shli %gather3A_1435, %shift_left3A_1441 : vector<16xi32>
        %bitcast_convert_type3A_1443 = tpu.bitcast %shift_left3A_1442 : vector<16xi32> -> vector<16xf32>
        %and3A_1444 = vector.broadcast %scan3A_0 : i32 to vector<16xi32>
        %and3A_1445 = arith.andi %gather3A_1435, %and3A_1444 : vector<16xi32>
        %bitcast_convert_type3A_1446 = tpu.bitcast %and3A_1445 : vector<16xi32> -> vector<16xf32>
        %shift_left3A_1447 = arith.constant 16 : i32
        %shift_left3A_1448 = vector.broadcast %shift_left3A_1447 : i32 to vector<16xi32>
        %shift_left3A_1449 = arith.shli %gather3A_1439, %shift_left3A_1448 : vector<16xi32>
        %bitcast_convert_type3A_1450 = tpu.bitcast %shift_left3A_1449 : vector<16xi32> -> vector<16xf32>
        %and3A_1451 = vector.broadcast %scan3A_0 : i32 to vector<16xi32>
        %and3A_1452 = arith.andi %gather3A_1439, %and3A_1451 : vector<16xi32>
        %bitcast_convert_type3A_1453 = tpu.bitcast %and3A_1452 : vector<16xi32> -> vector<16xf32>
        %sub3A_1454 = arith.subf %bitcast_convert_type3A_1443, %bitcast_convert_type3A_1450 : vector<16xf32>
        %sub3A_1455 = arith.subf %bitcast_convert_type3A_1446, %bitcast_convert_type3A_1453 : vector<16xf32>
        %max3A_1456 = arith.maximumf %max3A_1338, %sub3A_1454 : vector<16xf32>
        %max3A_1457 = arith.maximumf %max3A_1339, %sub3A_1455 : vector<16xf32>
        %add3A_1458 = arith.constant 1 : i32
        %add3A_1459 = vector.broadcast %add3A_1458 : i32 to vector<16xi32>
        %add3A_1460 = arith.addi %mul3A_1424, %add3A_1459 : vector<16xi32>
        %gather3A_1461 = tpu.vector_load_idx %arg6[%add3A_1460] : memref<40000xi32, #tpu.memory_space<vmem>>[vector<16xi32>], vector<16xi32>,
        %add3A_1462 = arith.constant 1 : i32
        %add3A_1463 = vector.broadcast %add3A_1462 : i32 to vector<16xi32>
        %add3A_1464 = arith.addi %mul3A_1431, %add3A_1463 : vector<16xi32>
        %gather3A_1465 = tpu.vector_load_idx %arg6[%add3A_1464] : memref<40000xi32, #tpu.memory_space<vmem>>[vector<16xi32>], vector<16xi32>,
        %shift_left3A_1466 = arith.constant 16 : i32
        %shift_left3A_1467 = vector.broadcast %shift_left3A_1466 : i32 to vector<16xi32>
        %shift_left3A_1468 = arith.shli %gather3A_1461, %shift_left3A_1467 : vector<16xi32>
        %bitcast_convert_type3A_1469 = tpu.bitcast %shift_left3A_1468 : vector<16xi32> -> vector<16xf32>
        %and3A_1470 = vector.broadcast %scan3A_0 : i32 to vector<16xi32>
        %and3A_1471 = arith.andi %gather3A_1461, %and3A_1470 : vector<16xi32>
        %bitcast_convert_type3A_1472 = tpu.bitcast %and3A_1471 : vector<16xi32> -> vector<16xf32>
        %shift_left3A_1473 = arith.constant 16 : i32
        %shift_left3A_1474 = vector.broadcast %shift_left3A_1473 : i32 to vector<16xi32>
        %shift_left3A_1475 = arith.shli %gather3A_1465, %shift_left3A_1474 : vector<16xi32>
        %bitcast_convert_type3A_1476 = tpu.bitcast %shift_left3A_1475 : vector<16xi32> -> vector<16xf32>
        %and3A_1477 = vector.broadcast %scan3A_0 : i32 to vector<16xi32>
        %and3A_1478 = arith.andi %gather3A_1465, %and3A_1477 : vector<16xi32>
        %bitcast_convert_type3A_1479 = tpu.bitcast %and3A_1478 : vector<16xi32> -> vector<16xf32>
        %sub3A_1480 = arith.subf %bitcast_convert_type3A_1469, %bitcast_convert_type3A_1476 : vector<16xf32>
        %sub3A_1481 = arith.subf %bitcast_convert_type3A_1472, %bitcast_convert_type3A_1479 : vector<16xf32>
        %max3A_1482 = arith.maximumf %max3A_1364, %sub3A_1480 : vector<16xf32>
        %max3A_1483 = arith.maximumf %max3A_1365, %sub3A_1481 : vector<16xf32>
        %add3A_1484 = arith.constant 2 : i32
        %add3A_1485 = vector.broadcast %add3A_1484 : i32 to vector<16xi32>
        %add3A_1486 = arith.addi %mul3A_1424, %add3A_1485 : vector<16xi32>
        %gather3A_1487 = tpu.vector_load_idx %arg6[%add3A_1486] : memref<40000xi32, #tpu.memory_space<vmem>>[vector<16xi32>], vector<16xi32>,
        %add3A_1488 = arith.constant 2 : i32
        %add3A_1489 = vector.broadcast %add3A_1488 : i32 to vector<16xi32>
        %add3A_1490 = arith.addi %mul3A_1431, %add3A_1489 : vector<16xi32>
        %gather3A_1491 = tpu.vector_load_idx %arg6[%add3A_1490] : memref<40000xi32, #tpu.memory_space<vmem>>[vector<16xi32>], vector<16xi32>,
        %shift_left3A_1492 = arith.constant 16 : i32
        %shift_left3A_1493 = vector.broadcast %shift_left3A_1492 : i32 to vector<16xi32>
        %shift_left3A_1494 = arith.shli %gather3A_1487, %shift_left3A_1493 : vector<16xi32>
        %bitcast_convert_type3A_1495 = tpu.bitcast %shift_left3A_1494 : vector<16xi32> -> vector<16xf32>
        %and3A_1496 = vector.broadcast %scan3A_0 : i32 to vector<16xi32>
        %and3A_1497 = arith.andi %gather3A_1487, %and3A_1496 : vector<16xi32>
        %bitcast_convert_type3A_1498 = tpu.bitcast %and3A_1497 : vector<16xi32> -> vector<16xf32>
        %shift_left3A_1499 = arith.constant 16 : i32
        %shift_left3A_1500 = vector.broadcast %shift_left3A_1499 : i32 to vector<16xi32>
        %shift_left3A_1501 = arith.shli %gather3A_1491, %shift_left3A_1500 : vector<16xi32>
        %bitcast_convert_type3A_1502 = tpu.bitcast %shift_left3A_1501 : vector<16xi32> -> vector<16xf32>
        %and3A_1503 = vector.broadcast %scan3A_0 : i32 to vector<16xi32>
        %and3A_1504 = arith.andi %gather3A_1491, %and3A_1503 : vector<16xi32>
        %bitcast_convert_type3A_1505 = tpu.bitcast %and3A_1504 : vector<16xi32> -> vector<16xf32>
        %sub3A_1506 = arith.subf %bitcast_convert_type3A_1495, %bitcast_convert_type3A_1502 : vector<16xf32>
        %sub3A_1507 = arith.subf %bitcast_convert_type3A_1498, %bitcast_convert_type3A_1505 : vector<16xf32>
        %max3A_1508 = arith.maximumf %max3A_1390, %sub3A_1506 : vector<16xf32>
        %max3A_1509 = arith.maximumf %max3A_1391, %sub3A_1507 : vector<16xf32>
        %add3A_1510 = arith.constant 3 : i32
        %add3A_1511 = vector.broadcast %add3A_1510 : i32 to vector<16xi32>
        %add3A_1512 = arith.addi %mul3A_1424, %add3A_1511 : vector<16xi32>
        %gather3A_1513 = tpu.vector_load_idx %arg6[%add3A_1512] : memref<40000xi32, #tpu.memory_space<vmem>>[vector<16xi32>], vector<16xi32>,
        %add3A_1514 = arith.constant 3 : i32
        %add3A_1515 = vector.broadcast %add3A_1514 : i32 to vector<16xi32>
        %add3A_1516 = arith.addi %mul3A_1431, %add3A_1515 : vector<16xi32>
        %gather3A_1517 = tpu.vector_load_idx %arg6[%add3A_1516] : memref<40000xi32, #tpu.memory_space<vmem>>[vector<16xi32>], vector<16xi32>,
        %shift_left3A_1518 = arith.constant 16 : i32
        %shift_left3A_1519 = vector.broadcast %shift_left3A_1518 : i32 to vector<16xi32>
        %shift_left3A_1520 = arith.shli %gather3A_1513, %shift_left3A_1519 : vector<16xi32>
        %bitcast_convert_type3A_1521 = tpu.bitcast %shift_left3A_1520 : vector<16xi32> -> vector<16xf32>
        %and3A_1522 = vector.broadcast %scan3A_0 : i32 to vector<16xi32>
        %and3A_1523 = arith.andi %gather3A_1513, %and3A_1522 : vector<16xi32>
        %bitcast_convert_type3A_1524 = tpu.bitcast %and3A_1523 : vector<16xi32> -> vector<16xf32>
        %shift_left3A_1525 = arith.constant 16 : i32
        %shift_left3A_1526 = vector.broadcast %shift_left3A_1525 : i32 to vector<16xi32>
        %shift_left3A_1527 = arith.shli %gather3A_1517, %shift_left3A_1526 : vector<16xi32>
        %bitcast_convert_type3A_1528 = tpu.bitcast %shift_left3A_1527 : vector<16xi32> -> vector<16xf32>
        %and3A_1529 = vector.broadcast %scan3A_0 : i32 to vector<16xi32>
        %and3A_1530 = arith.andi %gather3A_1517, %and3A_1529 : vector<16xi32>
        %bitcast_convert_type3A_1531 = tpu.bitcast %and3A_1530 : vector<16xi32> -> vector<16xf32>
        %sub3A_1532 = arith.subf %bitcast_convert_type3A_1521, %bitcast_convert_type3A_1528 : vector<16xf32>
        %sub3A_1533 = arith.subf %bitcast_convert_type3A_1524, %bitcast_convert_type3A_1531 : vector<16xf32>
        %max3A_1534 = arith.maximumf %max3A_1416, %sub3A_1532 : vector<16xf32>
        %max3A_1535 = arith.maximumf %max3A_1417, %sub3A_1533 : vector<16xf32>
        %get3A_1536 = arith.constant 13 : i32
        %get3A_1537 = arith.index_cast %get3A_1536 : i32 to index
        %get3A_1538 = arith.index_cast %multiple_of3A_17 : i32 to index
        %get3A_1539 = tpu.vector_load %arg7[%get3A_1537, %get3A_1538] {strides = array<i32>} : memref<16x2000xi32, #tpu.memory_space<vmem>>, vector<16xi32>,
        %mul3A_1540 = arith.constant 4 : i32
        %mul3A_1541 = vector.broadcast %mul3A_1540 : i32 to vector<16xi32>
        %mul3A_1542 = arith.muli %get3A_1539, %mul3A_1541 : vector<16xi32>
        %get3A_1543 = arith.constant 13 : i32
        %get3A_1544 = arith.index_cast %get3A_1543 : i32 to index
        %get3A_1545 = arith.index_cast %multiple_of3A_17 : i32 to index
        %get3A_1546 = tpu.vector_load %arg8[%get3A_1544, %get3A_1545] {strides = array<i32>} : memref<16x2000xi32, #tpu.memory_space<vmem>>, vector<16xi32>,
        %mul3A_1547 = arith.constant 4 : i32
        %mul3A_1548 = vector.broadcast %mul3A_1547 : i32 to vector<16xi32>
        %mul3A_1549 = arith.muli %get3A_1546, %mul3A_1548 : vector<16xi32>
        %add3A_1550 = arith.constant 0 : i32
        %add3A_1551 = vector.broadcast %add3A_1550 : i32 to vector<16xi32>
        %add3A_1552 = arith.addi %mul3A_1542, %add3A_1551 : vector<16xi32>
        %gather3A_1553 = tpu.vector_load_idx %arg6[%add3A_1552] : memref<40000xi32, #tpu.memory_space<vmem>>[vector<16xi32>], vector<16xi32>,
        %add3A_1554 = arith.constant 0 : i32
        %add3A_1555 = vector.broadcast %add3A_1554 : i32 to vector<16xi32>
        %add3A_1556 = arith.addi %mul3A_1549, %add3A_1555 : vector<16xi32>
        %gather3A_1557 = tpu.vector_load_idx %arg6[%add3A_1556] : memref<40000xi32, #tpu.memory_space<vmem>>[vector<16xi32>], vector<16xi32>,
        %shift_left3A_1558 = arith.constant 16 : i32
        %shift_left3A_1559 = vector.broadcast %shift_left3A_1558 : i32 to vector<16xi32>
        %shift_left3A_1560 = arith.shli %gather3A_1553, %shift_left3A_1559 : vector<16xi32>
        %bitcast_convert_type3A_1561 = tpu.bitcast %shift_left3A_1560 : vector<16xi32> -> vector<16xf32>
        %and3A_1562 = vector.broadcast %scan3A_0 : i32 to vector<16xi32>
        %and3A_1563 = arith.andi %gather3A_1553, %and3A_1562 : vector<16xi32>
        %bitcast_convert_type3A_1564 = tpu.bitcast %and3A_1563 : vector<16xi32> -> vector<16xf32>
        %shift_left3A_1565 = arith.constant 16 : i32
        %shift_left3A_1566 = vector.broadcast %shift_left3A_1565 : i32 to vector<16xi32>
        %shift_left3A_1567 = arith.shli %gather3A_1557, %shift_left3A_1566 : vector<16xi32>
        %bitcast_convert_type3A_1568 = tpu.bitcast %shift_left3A_1567 : vector<16xi32> -> vector<16xf32>
        %and3A_1569 = vector.broadcast %scan3A_0 : i32 to vector<16xi32>
        %and3A_1570 = arith.andi %gather3A_1557, %and3A_1569 : vector<16xi32>
        %bitcast_convert_type3A_1571 = tpu.bitcast %and3A_1570 : vector<16xi32> -> vector<16xf32>
        %sub3A_1572 = arith.subf %bitcast_convert_type3A_1561, %bitcast_convert_type3A_1568 : vector<16xf32>
        %sub3A_1573 = arith.subf %bitcast_convert_type3A_1564, %bitcast_convert_type3A_1571 : vector<16xf32>
        %max3A_1574 = arith.maximumf %max3A_1456, %sub3A_1572 : vector<16xf32>
        %max3A_1575 = arith.maximumf %max3A_1457, %sub3A_1573 : vector<16xf32>
        %add3A_1576 = arith.constant 1 : i32
        %add3A_1577 = vector.broadcast %add3A_1576 : i32 to vector<16xi32>
        %add3A_1578 = arith.addi %mul3A_1542, %add3A_1577 : vector<16xi32>
        %gather3A_1579 = tpu.vector_load_idx %arg6[%add3A_1578] : memref<40000xi32, #tpu.memory_space<vmem>>[vector<16xi32>], vector<16xi32>,
        %add3A_1580 = arith.constant 1 : i32
        %add3A_1581 = vector.broadcast %add3A_1580 : i32 to vector<16xi32>
        %add3A_1582 = arith.addi %mul3A_1549, %add3A_1581 : vector<16xi32>
        %gather3A_1583 = tpu.vector_load_idx %arg6[%add3A_1582] : memref<40000xi32, #tpu.memory_space<vmem>>[vector<16xi32>], vector<16xi32>,
        %shift_left3A_1584 = arith.constant 16 : i32
        %shift_left3A_1585 = vector.broadcast %shift_left3A_1584 : i32 to vector<16xi32>
        %shift_left3A_1586 = arith.shli %gather3A_1579, %shift_left3A_1585 : vector<16xi32>
        %bitcast_convert_type3A_1587 = tpu.bitcast %shift_left3A_1586 : vector<16xi32> -> vector<16xf32>
        %and3A_1588 = vector.broadcast %scan3A_0 : i32 to vector<16xi32>
        %and3A_1589 = arith.andi %gather3A_1579, %and3A_1588 : vector<16xi32>
        %bitcast_convert_type3A_1590 = tpu.bitcast %and3A_1589 : vector<16xi32> -> vector<16xf32>
        %shift_left3A_1591 = arith.constant 16 : i32
        %shift_left3A_1592 = vector.broadcast %shift_left3A_1591 : i32 to vector<16xi32>
        %shift_left3A_1593 = arith.shli %gather3A_1583, %shift_left3A_1592 : vector<16xi32>
        %bitcast_convert_type3A_1594 = tpu.bitcast %shift_left3A_1593 : vector<16xi32> -> vector<16xf32>
        %and3A_1595 = vector.broadcast %scan3A_0 : i32 to vector<16xi32>
        %and3A_1596 = arith.andi %gather3A_1583, %and3A_1595 : vector<16xi32>
        %bitcast_convert_type3A_1597 = tpu.bitcast %and3A_1596 : vector<16xi32> -> vector<16xf32>
        %sub3A_1598 = arith.subf %bitcast_convert_type3A_1587, %bitcast_convert_type3A_1594 : vector<16xf32>
        %sub3A_1599 = arith.subf %bitcast_convert_type3A_1590, %bitcast_convert_type3A_1597 : vector<16xf32>
        %max3A_1600 = arith.maximumf %max3A_1482, %sub3A_1598 : vector<16xf32>
        %max3A_1601 = arith.maximumf %max3A_1483, %sub3A_1599 : vector<16xf32>
        %add3A_1602 = arith.constant 2 : i32
        %add3A_1603 = vector.broadcast %add3A_1602 : i32 to vector<16xi32>
        %add3A_1604 = arith.addi %mul3A_1542, %add3A_1603 : vector<16xi32>
        %gather3A_1605 = tpu.vector_load_idx %arg6[%add3A_1604] : memref<40000xi32, #tpu.memory_space<vmem>>[vector<16xi32>], vector<16xi32>,
        %add3A_1606 = arith.constant 2 : i32
        %add3A_1607 = vector.broadcast %add3A_1606 : i32 to vector<16xi32>
        %add3A_1608 = arith.addi %mul3A_1549, %add3A_1607 : vector<16xi32>
        %gather3A_1609 = tpu.vector_load_idx %arg6[%add3A_1608] : memref<40000xi32, #tpu.memory_space<vmem>>[vector<16xi32>], vector<16xi32>,
        %shift_left3A_1610 = arith.constant 16 : i32
        %shift_left3A_1611 = vector.broadcast %shift_left3A_1610 : i32 to vector<16xi32>
        %shift_left3A_1612 = arith.shli %gather3A_1605, %shift_left3A_1611 : vector<16xi32>
        %bitcast_convert_type3A_1613 = tpu.bitcast %shift_left3A_1612 : vector<16xi32> -> vector<16xf32>
        %and3A_1614 = vector.broadcast %scan3A_0 : i32 to vector<16xi32>
        %and3A_1615 = arith.andi %gather3A_1605, %and3A_1614 : vector<16xi32>
        %bitcast_convert_type3A_1616 = tpu.bitcast %and3A_1615 : vector<16xi32> -> vector<16xf32>
        %shift_left3A_1617 = arith.constant 16 : i32
        %shift_left3A_1618 = vector.broadcast %shift_left3A_1617 : i32 to vector<16xi32>
        %shift_left3A_1619 = arith.shli %gather3A_1609, %shift_left3A_1618 : vector<16xi32>
        %bitcast_convert_type3A_1620 = tpu.bitcast %shift_left3A_1619 : vector<16xi32> -> vector<16xf32>
        %and3A_1621 = vector.broadcast %scan3A_0 : i32 to vector<16xi32>
        %and3A_1622 = arith.andi %gather3A_1609, %and3A_1621 : vector<16xi32>
        %bitcast_convert_type3A_1623 = tpu.bitcast %and3A_1622 : vector<16xi32> -> vector<16xf32>
        %sub3A_1624 = arith.subf %bitcast_convert_type3A_1613, %bitcast_convert_type3A_1620 : vector<16xf32>
        %sub3A_1625 = arith.subf %bitcast_convert_type3A_1616, %bitcast_convert_type3A_1623 : vector<16xf32>
        %max3A_1626 = arith.maximumf %max3A_1508, %sub3A_1624 : vector<16xf32>
        %max3A_1627 = arith.maximumf %max3A_1509, %sub3A_1625 : vector<16xf32>
        %add3A_1628 = arith.constant 3 : i32
        %add3A_1629 = vector.broadcast %add3A_1628 : i32 to vector<16xi32>
        %add3A_1630 = arith.addi %mul3A_1542, %add3A_1629 : vector<16xi32>
        %gather3A_1631 = tpu.vector_load_idx %arg6[%add3A_1630] : memref<40000xi32, #tpu.memory_space<vmem>>[vector<16xi32>], vector<16xi32>,
        %add3A_1632 = arith.constant 3 : i32
        %add3A_1633 = vector.broadcast %add3A_1632 : i32 to vector<16xi32>
        %add3A_1634 = arith.addi %mul3A_1549, %add3A_1633 : vector<16xi32>
        %gather3A_1635 = tpu.vector_load_idx %arg6[%add3A_1634] : memref<40000xi32, #tpu.memory_space<vmem>>[vector<16xi32>], vector<16xi32>,
        %shift_left3A_1636 = arith.constant 16 : i32
        %shift_left3A_1637 = vector.broadcast %shift_left3A_1636 : i32 to vector<16xi32>
        %shift_left3A_1638 = arith.shli %gather3A_1631, %shift_left3A_1637 : vector<16xi32>
        %bitcast_convert_type3A_1639 = tpu.bitcast %shift_left3A_1638 : vector<16xi32> -> vector<16xf32>
        %and3A_1640 = vector.broadcast %scan3A_0 : i32 to vector<16xi32>
        %and3A_1641 = arith.andi %gather3A_1631, %and3A_1640 : vector<16xi32>
        %bitcast_convert_type3A_1642 = tpu.bitcast %and3A_1641 : vector<16xi32> -> vector<16xf32>
        %shift_left3A_1643 = arith.constant 16 : i32
        %shift_left3A_1644 = vector.broadcast %shift_left3A_1643 : i32 to vector<16xi32>
        %shift_left3A_1645 = arith.shli %gather3A_1635, %shift_left3A_1644 : vector<16xi32>
        %bitcast_convert_type3A_1646 = tpu.bitcast %shift_left3A_1645 : vector<16xi32> -> vector<16xf32>
        %and3A_1647 = vector.broadcast %scan3A_0 : i32 to vector<16xi32>
        %and3A_1648 = arith.andi %gather3A_1635, %and3A_1647 : vector<16xi32>
        %bitcast_convert_type3A_1649 = tpu.bitcast %and3A_1648 : vector<16xi32> -> vector<16xf32>
        %sub3A_1650 = arith.subf %bitcast_convert_type3A_1639, %bitcast_convert_type3A_1646 : vector<16xf32>
        %sub3A_1651 = arith.subf %bitcast_convert_type3A_1642, %bitcast_convert_type3A_1649 : vector<16xf32>
        %max3A_1652 = arith.maximumf %max3A_1534, %sub3A_1650 : vector<16xf32>
        %max3A_1653 = arith.maximumf %max3A_1535, %sub3A_1651 : vector<16xf32>
        %get3A_1654 = arith.constant 14 : i32
        %get3A_1655 = arith.index_cast %get3A_1654 : i32 to index
        %get3A_1656 = arith.index_cast %multiple_of3A_17 : i32 to index
        %get3A_1657 = tpu.vector_load %arg7[%get3A_1655, %get3A_1656] {strides = array<i32>} : memref<16x2000xi32, #tpu.memory_space<vmem>>, vector<16xi32>,
        %mul3A_1658 = arith.constant 4 : i32
        %mul3A_1659 = vector.broadcast %mul3A_1658 : i32 to vector<16xi32>
        %mul3A_1660 = arith.muli %get3A_1657, %mul3A_1659 : vector<16xi32>
        %get3A_1661 = arith.constant 14 : i32
        %get3A_1662 = arith.index_cast %get3A_1661 : i32 to index
        %get3A_1663 = arith.index_cast %multiple_of3A_17 : i32 to index
        %get3A_1664 = tpu.vector_load %arg8[%get3A_1662, %get3A_1663] {strides = array<i32>} : memref<16x2000xi32, #tpu.memory_space<vmem>>, vector<16xi32>,
        %mul3A_1665 = arith.constant 4 : i32
        %mul3A_1666 = vector.broadcast %mul3A_1665 : i32 to vector<16xi32>
        %mul3A_1667 = arith.muli %get3A_1664, %mul3A_1666 : vector<16xi32>
        %add3A_1668 = arith.constant 0 : i32
        %add3A_1669 = vector.broadcast %add3A_1668 : i32 to vector<16xi32>
        %add3A_1670 = arith.addi %mul3A_1660, %add3A_1669 : vector<16xi32>
        %gather3A_1671 = tpu.vector_load_idx %arg6[%add3A_1670] : memref<40000xi32, #tpu.memory_space<vmem>>[vector<16xi32>], vector<16xi32>,
        %add3A_1672 = arith.constant 0 : i32
        %add3A_1673 = vector.broadcast %add3A_1672 : i32 to vector<16xi32>
        %add3A_1674 = arith.addi %mul3A_1667, %add3A_1673 : vector<16xi32>
        %gather3A_1675 = tpu.vector_load_idx %arg6[%add3A_1674] : memref<40000xi32, #tpu.memory_space<vmem>>[vector<16xi32>], vector<16xi32>,
        %shift_left3A_1676 = arith.constant 16 : i32
        %shift_left3A_1677 = vector.broadcast %shift_left3A_1676 : i32 to vector<16xi32>
        %shift_left3A_1678 = arith.shli %gather3A_1671, %shift_left3A_1677 : vector<16xi32>
        %bitcast_convert_type3A_1679 = tpu.bitcast %shift_left3A_1678 : vector<16xi32> -> vector<16xf32>
        %and3A_1680 = vector.broadcast %scan3A_0 : i32 to vector<16xi32>
        %and3A_1681 = arith.andi %gather3A_1671, %and3A_1680 : vector<16xi32>
        %bitcast_convert_type3A_1682 = tpu.bitcast %and3A_1681 : vector<16xi32> -> vector<16xf32>
        %shift_left3A_1683 = arith.constant 16 : i32
        %shift_left3A_1684 = vector.broadcast %shift_left3A_1683 : i32 to vector<16xi32>
        %shift_left3A_1685 = arith.shli %gather3A_1675, %shift_left3A_1684 : vector<16xi32>
        %bitcast_convert_type3A_1686 = tpu.bitcast %shift_left3A_1685 : vector<16xi32> -> vector<16xf32>
        %and3A_1687 = vector.broadcast %scan3A_0 : i32 to vector<16xi32>
        %and3A_1688 = arith.andi %gather3A_1675, %and3A_1687 : vector<16xi32>
        %bitcast_convert_type3A_1689 = tpu.bitcast %and3A_1688 : vector<16xi32> -> vector<16xf32>
        %sub3A_1690 = arith.subf %bitcast_convert_type3A_1679, %bitcast_convert_type3A_1686 : vector<16xf32>
        %sub3A_1691 = arith.subf %bitcast_convert_type3A_1682, %bitcast_convert_type3A_1689 : vector<16xf32>
        %max3A_1692 = arith.maximumf %max3A_1574, %sub3A_1690 : vector<16xf32>
        %max3A_1693 = arith.maximumf %max3A_1575, %sub3A_1691 : vector<16xf32>
        %add3A_1694 = arith.constant 1 : i32
        %add3A_1695 = vector.broadcast %add3A_1694 : i32 to vector<16xi32>
        %add3A_1696 = arith.addi %mul3A_1660, %add3A_1695 : vector<16xi32>
        %gather3A_1697 = tpu.vector_load_idx %arg6[%add3A_1696] : memref<40000xi32, #tpu.memory_space<vmem>>[vector<16xi32>], vector<16xi32>,
        %add3A_1698 = arith.constant 1 : i32
        %add3A_1699 = vector.broadcast %add3A_1698 : i32 to vector<16xi32>
        %add3A_1700 = arith.addi %mul3A_1667, %add3A_1699 : vector<16xi32>
        %gather3A_1701 = tpu.vector_load_idx %arg6[%add3A_1700] : memref<40000xi32, #tpu.memory_space<vmem>>[vector<16xi32>], vector<16xi32>,
        %shift_left3A_1702 = arith.constant 16 : i32
        %shift_left3A_1703 = vector.broadcast %shift_left3A_1702 : i32 to vector<16xi32>
        %shift_left3A_1704 = arith.shli %gather3A_1697, %shift_left3A_1703 : vector<16xi32>
        %bitcast_convert_type3A_1705 = tpu.bitcast %shift_left3A_1704 : vector<16xi32> -> vector<16xf32>
        %and3A_1706 = vector.broadcast %scan3A_0 : i32 to vector<16xi32>
        %and3A_1707 = arith.andi %gather3A_1697, %and3A_1706 : vector<16xi32>
        %bitcast_convert_type3A_1708 = tpu.bitcast %and3A_1707 : vector<16xi32> -> vector<16xf32>
        %shift_left3A_1709 = arith.constant 16 : i32
        %shift_left3A_1710 = vector.broadcast %shift_left3A_1709 : i32 to vector<16xi32>
        %shift_left3A_1711 = arith.shli %gather3A_1701, %shift_left3A_1710 : vector<16xi32>
        %bitcast_convert_type3A_1712 = tpu.bitcast %shift_left3A_1711 : vector<16xi32> -> vector<16xf32>
        %and3A_1713 = vector.broadcast %scan3A_0 : i32 to vector<16xi32>
        %and3A_1714 = arith.andi %gather3A_1701, %and3A_1713 : vector<16xi32>
        %bitcast_convert_type3A_1715 = tpu.bitcast %and3A_1714 : vector<16xi32> -> vector<16xf32>
        %sub3A_1716 = arith.subf %bitcast_convert_type3A_1705, %bitcast_convert_type3A_1712 : vector<16xf32>
        %sub3A_1717 = arith.subf %bitcast_convert_type3A_1708, %bitcast_convert_type3A_1715 : vector<16xf32>
        %max3A_1718 = arith.maximumf %max3A_1600, %sub3A_1716 : vector<16xf32>
        %max3A_1719 = arith.maximumf %max3A_1601, %sub3A_1717 : vector<16xf32>
        %add3A_1720 = arith.constant 2 : i32
        %add3A_1721 = vector.broadcast %add3A_1720 : i32 to vector<16xi32>
        %add3A_1722 = arith.addi %mul3A_1660, %add3A_1721 : vector<16xi32>
        %gather3A_1723 = tpu.vector_load_idx %arg6[%add3A_1722] : memref<40000xi32, #tpu.memory_space<vmem>>[vector<16xi32>], vector<16xi32>,
        %add3A_1724 = arith.constant 2 : i32
        %add3A_1725 = vector.broadcast %add3A_1724 : i32 to vector<16xi32>
        %add3A_1726 = arith.addi %mul3A_1667, %add3A_1725 : vector<16xi32>
        %gather3A_1727 = tpu.vector_load_idx %arg6[%add3A_1726] : memref<40000xi32, #tpu.memory_space<vmem>>[vector<16xi32>], vector<16xi32>,
        %shift_left3A_1728 = arith.constant 16 : i32
        %shift_left3A_1729 = vector.broadcast %shift_left3A_1728 : i32 to vector<16xi32>
        %shift_left3A_1730 = arith.shli %gather3A_1723, %shift_left3A_1729 : vector<16xi32>
        %bitcast_convert_type3A_1731 = tpu.bitcast %shift_left3A_1730 : vector<16xi32> -> vector<16xf32>
        %and3A_1732 = vector.broadcast %scan3A_0 : i32 to vector<16xi32>
        %and3A_1733 = arith.andi %gather3A_1723, %and3A_1732 : vector<16xi32>
        %bitcast_convert_type3A_1734 = tpu.bitcast %and3A_1733 : vector<16xi32> -> vector<16xf32>
        %shift_left3A_1735 = arith.constant 16 : i32
        %shift_left3A_1736 = vector.broadcast %shift_left3A_1735 : i32 to vector<16xi32>
        %shift_left3A_1737 = arith.shli %gather3A_1727, %shift_left3A_1736 : vector<16xi32>
        %bitcast_convert_type3A_1738 = tpu.bitcast %shift_left3A_1737 : vector<16xi32> -> vector<16xf32>
        %and3A_1739 = vector.broadcast %scan3A_0 : i32 to vector<16xi32>
        %and3A_1740 = arith.andi %gather3A_1727, %and3A_1739 : vector<16xi32>
        %bitcast_convert_type3A_1741 = tpu.bitcast %and3A_1740 : vector<16xi32> -> vector<16xf32>
        %sub3A_1742 = arith.subf %bitcast_convert_type3A_1731, %bitcast_convert_type3A_1738 : vector<16xf32>
        %sub3A_1743 = arith.subf %bitcast_convert_type3A_1734, %bitcast_convert_type3A_1741 : vector<16xf32>
        %max3A_1744 = arith.maximumf %max3A_1626, %sub3A_1742 : vector<16xf32>
        %max3A_1745 = arith.maximumf %max3A_1627, %sub3A_1743 : vector<16xf32>
        %add3A_1746 = arith.constant 3 : i32
        %add3A_1747 = vector.broadcast %add3A_1746 : i32 to vector<16xi32>
        %add3A_1748 = arith.addi %mul3A_1660, %add3A_1747 : vector<16xi32>
        %gather3A_1749 = tpu.vector_load_idx %arg6[%add3A_1748] : memref<40000xi32, #tpu.memory_space<vmem>>[vector<16xi32>], vector<16xi32>,
        %add3A_1750 = arith.constant 3 : i32
        %add3A_1751 = vector.broadcast %add3A_1750 : i32 to vector<16xi32>
        %add3A_1752 = arith.addi %mul3A_1667, %add3A_1751 : vector<16xi32>
        %gather3A_1753 = tpu.vector_load_idx %arg6[%add3A_1752] : memref<40000xi32, #tpu.memory_space<vmem>>[vector<16xi32>], vector<16xi32>,
        %shift_left3A_1754 = arith.constant 16 : i32
        %shift_left3A_1755 = vector.broadcast %shift_left3A_1754 : i32 to vector<16xi32>
        %shift_left3A_1756 = arith.shli %gather3A_1749, %shift_left3A_1755 : vector<16xi32>
        %bitcast_convert_type3A_1757 = tpu.bitcast %shift_left3A_1756 : vector<16xi32> -> vector<16xf32>
        %and3A_1758 = vector.broadcast %scan3A_0 : i32 to vector<16xi32>
        %and3A_1759 = arith.andi %gather3A_1749, %and3A_1758 : vector<16xi32>
        %bitcast_convert_type3A_1760 = tpu.bitcast %and3A_1759 : vector<16xi32> -> vector<16xf32>
        %shift_left3A_1761 = arith.constant 16 : i32
        %shift_left3A_1762 = vector.broadcast %shift_left3A_1761 : i32 to vector<16xi32>
        %shift_left3A_1763 = arith.shli %gather3A_1753, %shift_left3A_1762 : vector<16xi32>
        %bitcast_convert_type3A_1764 = tpu.bitcast %shift_left3A_1763 : vector<16xi32> -> vector<16xf32>
        %and3A_1765 = vector.broadcast %scan3A_0 : i32 to vector<16xi32>
        %and3A_1766 = arith.andi %gather3A_1753, %and3A_1765 : vector<16xi32>
        %bitcast_convert_type3A_1767 = tpu.bitcast %and3A_1766 : vector<16xi32> -> vector<16xf32>
        %sub3A_1768 = arith.subf %bitcast_convert_type3A_1757, %bitcast_convert_type3A_1764 : vector<16xf32>
        %sub3A_1769 = arith.subf %bitcast_convert_type3A_1760, %bitcast_convert_type3A_1767 : vector<16xf32>
        %max3A_1770 = arith.maximumf %max3A_1652, %sub3A_1768 : vector<16xf32>
        %max3A_1771 = arith.maximumf %max3A_1653, %sub3A_1769 : vector<16xf32>
        %get3A_1772 = arith.constant 15 : i32
        %get3A_1773 = arith.index_cast %get3A_1772 : i32 to index
        %get3A_1774 = arith.index_cast %multiple_of3A_17 : i32 to index
        %get3A_1775 = tpu.vector_load %arg7[%get3A_1773, %get3A_1774] {strides = array<i32>} : memref<16x2000xi32, #tpu.memory_space<vmem>>, vector<16xi32>,
        %mul3A_1776 = arith.constant 4 : i32
        %mul3A_1777 = vector.broadcast %mul3A_1776 : i32 to vector<16xi32>
        %mul3A_1778 = arith.muli %get3A_1775, %mul3A_1777 : vector<16xi32>
        %get3A_1779 = arith.constant 15 : i32
        %get3A_1780 = arith.index_cast %get3A_1779 : i32 to index
        %get3A_1781 = arith.index_cast %multiple_of3A_17 : i32 to index
        %get3A_1782 = tpu.vector_load %arg8[%get3A_1780, %get3A_1781] {strides = array<i32>} : memref<16x2000xi32, #tpu.memory_space<vmem>>, vector<16xi32>,
        %mul3A_1783 = arith.constant 4 : i32
        %mul3A_1784 = vector.broadcast %mul3A_1783 : i32 to vector<16xi32>
        %mul3A_1785 = arith.muli %get3A_1782, %mul3A_1784 : vector<16xi32>
        %add3A_1786 = arith.constant 0 : i32
        %add3A_1787 = vector.broadcast %add3A_1786 : i32 to vector<16xi32>
        %add3A_1788 = arith.addi %mul3A_1778, %add3A_1787 : vector<16xi32>
        %gather3A_1789 = tpu.vector_load_idx %arg6[%add3A_1788] : memref<40000xi32, #tpu.memory_space<vmem>>[vector<16xi32>], vector<16xi32>,
        %add3A_1790 = arith.constant 0 : i32
        %add3A_1791 = vector.broadcast %add3A_1790 : i32 to vector<16xi32>
        %add3A_1792 = arith.addi %mul3A_1785, %add3A_1791 : vector<16xi32>
        %gather3A_1793 = tpu.vector_load_idx %arg6[%add3A_1792] : memref<40000xi32, #tpu.memory_space<vmem>>[vector<16xi32>], vector<16xi32>,
        %shift_left3A_1794 = arith.constant 16 : i32
        %shift_left3A_1795 = vector.broadcast %shift_left3A_1794 : i32 to vector<16xi32>
        %shift_left3A_1796 = arith.shli %gather3A_1789, %shift_left3A_1795 : vector<16xi32>
        %bitcast_convert_type3A_1797 = tpu.bitcast %shift_left3A_1796 : vector<16xi32> -> vector<16xf32>
        %and3A_1798 = vector.broadcast %scan3A_0 : i32 to vector<16xi32>
        %and3A_1799 = arith.andi %gather3A_1789, %and3A_1798 : vector<16xi32>
        %bitcast_convert_type3A_1800 = tpu.bitcast %and3A_1799 : vector<16xi32> -> vector<16xf32>
        %shift_left3A_1801 = arith.constant 16 : i32
        %shift_left3A_1802 = vector.broadcast %shift_left3A_1801 : i32 to vector<16xi32>
        %shift_left3A_1803 = arith.shli %gather3A_1793, %shift_left3A_1802 : vector<16xi32>
        %bitcast_convert_type3A_1804 = tpu.bitcast %shift_left3A_1803 : vector<16xi32> -> vector<16xf32>
        %and3A_1805 = vector.broadcast %scan3A_0 : i32 to vector<16xi32>
        %and3A_1806 = arith.andi %gather3A_1793, %and3A_1805 : vector<16xi32>
        %bitcast_convert_type3A_1807 = tpu.bitcast %and3A_1806 : vector<16xi32> -> vector<16xf32>
        %sub3A_1808 = arith.subf %bitcast_convert_type3A_1797, %bitcast_convert_type3A_1804 : vector<16xf32>
        %sub3A_1809 = arith.subf %bitcast_convert_type3A_1800, %bitcast_convert_type3A_1807 : vector<16xf32>
        %max3A_1810 = arith.maximumf %max3A_1692, %sub3A_1808 : vector<16xf32>
        %max3A_1811 = arith.maximumf %max3A_1693, %sub3A_1809 : vector<16xf32>
        %add3A_1812 = arith.constant 1 : i32
        %add3A_1813 = vector.broadcast %add3A_1812 : i32 to vector<16xi32>
        %add3A_1814 = arith.addi %mul3A_1778, %add3A_1813 : vector<16xi32>
        %gather3A_1815 = tpu.vector_load_idx %arg6[%add3A_1814] : memref<40000xi32, #tpu.memory_space<vmem>>[vector<16xi32>], vector<16xi32>,
        %add3A_1816 = arith.constant 1 : i32
        %add3A_1817 = vector.broadcast %add3A_1816 : i32 to vector<16xi32>
        %add3A_1818 = arith.addi %mul3A_1785, %add3A_1817 : vector<16xi32>
        %gather3A_1819 = tpu.vector_load_idx %arg6[%add3A_1818] : memref<40000xi32, #tpu.memory_space<vmem>>[vector<16xi32>], vector<16xi32>,
        %shift_left3A_1820 = arith.constant 16 : i32
        %shift_left3A_1821 = vector.broadcast %shift_left3A_1820 : i32 to vector<16xi32>
        %shift_left3A_1822 = arith.shli %gather3A_1815, %shift_left3A_1821 : vector<16xi32>
        %bitcast_convert_type3A_1823 = tpu.bitcast %shift_left3A_1822 : vector<16xi32> -> vector<16xf32>
        %and3A_1824 = vector.broadcast %scan3A_0 : i32 to vector<16xi32>
        %and3A_1825 = arith.andi %gather3A_1815, %and3A_1824 : vector<16xi32>
        %bitcast_convert_type3A_1826 = tpu.bitcast %and3A_1825 : vector<16xi32> -> vector<16xf32>
        %shift_left3A_1827 = arith.constant 16 : i32
        %shift_left3A_1828 = vector.broadcast %shift_left3A_1827 : i32 to vector<16xi32>
        %shift_left3A_1829 = arith.shli %gather3A_1819, %shift_left3A_1828 : vector<16xi32>
        %bitcast_convert_type3A_1830 = tpu.bitcast %shift_left3A_1829 : vector<16xi32> -> vector<16xf32>
        %and3A_1831 = vector.broadcast %scan3A_0 : i32 to vector<16xi32>
        %and3A_1832 = arith.andi %gather3A_1819, %and3A_1831 : vector<16xi32>
        %bitcast_convert_type3A_1833 = tpu.bitcast %and3A_1832 : vector<16xi32> -> vector<16xf32>
        %sub3A_1834 = arith.subf %bitcast_convert_type3A_1823, %bitcast_convert_type3A_1830 : vector<16xf32>
        %sub3A_1835 = arith.subf %bitcast_convert_type3A_1826, %bitcast_convert_type3A_1833 : vector<16xf32>
        %max3A_1836 = arith.maximumf %max3A_1718, %sub3A_1834 : vector<16xf32>
        %max3A_1837 = arith.maximumf %max3A_1719, %sub3A_1835 : vector<16xf32>
        %add3A_1838 = arith.constant 2 : i32
        %add3A_1839 = vector.broadcast %add3A_1838 : i32 to vector<16xi32>
        %add3A_1840 = arith.addi %mul3A_1778, %add3A_1839 : vector<16xi32>
        %gather3A_1841 = tpu.vector_load_idx %arg6[%add3A_1840] : memref<40000xi32, #tpu.memory_space<vmem>>[vector<16xi32>], vector<16xi32>,
        %add3A_1842 = arith.constant 2 : i32
        %add3A_1843 = vector.broadcast %add3A_1842 : i32 to vector<16xi32>
        %add3A_1844 = arith.addi %mul3A_1785, %add3A_1843 : vector<16xi32>
        %gather3A_1845 = tpu.vector_load_idx %arg6[%add3A_1844] : memref<40000xi32, #tpu.memory_space<vmem>>[vector<16xi32>], vector<16xi32>,
        %shift_left3A_1846 = arith.constant 16 : i32
        %shift_left3A_1847 = vector.broadcast %shift_left3A_1846 : i32 to vector<16xi32>
        %shift_left3A_1848 = arith.shli %gather3A_1841, %shift_left3A_1847 : vector<16xi32>
        %bitcast_convert_type3A_1849 = tpu.bitcast %shift_left3A_1848 : vector<16xi32> -> vector<16xf32>
        %and3A_1850 = vector.broadcast %scan3A_0 : i32 to vector<16xi32>
        %and3A_1851 = arith.andi %gather3A_1841, %and3A_1850 : vector<16xi32>
        %bitcast_convert_type3A_1852 = tpu.bitcast %and3A_1851 : vector<16xi32> -> vector<16xf32>
        %shift_left3A_1853 = arith.constant 16 : i32
        %shift_left3A_1854 = vector.broadcast %shift_left3A_1853 : i32 to vector<16xi32>
        %shift_left3A_1855 = arith.shli %gather3A_1845, %shift_left3A_1854 : vector<16xi32>
        %bitcast_convert_type3A_1856 = tpu.bitcast %shift_left3A_1855 : vector<16xi32> -> vector<16xf32>
        %and3A_1857 = vector.broadcast %scan3A_0 : i32 to vector<16xi32>
        %and3A_1858 = arith.andi %gather3A_1845, %and3A_1857 : vector<16xi32>
        %bitcast_convert_type3A_1859 = tpu.bitcast %and3A_1858 : vector<16xi32> -> vector<16xf32>
        %sub3A_1860 = arith.subf %bitcast_convert_type3A_1849, %bitcast_convert_type3A_1856 : vector<16xf32>
        %sub3A_1861 = arith.subf %bitcast_convert_type3A_1852, %bitcast_convert_type3A_1859 : vector<16xf32>
        %max3A_1862 = arith.maximumf %max3A_1744, %sub3A_1860 : vector<16xf32>
        %max3A_1863 = arith.maximumf %max3A_1745, %sub3A_1861 : vector<16xf32>
        %add3A_1864 = arith.constant 3 : i32
        %add3A_1865 = vector.broadcast %add3A_1864 : i32 to vector<16xi32>
        %add3A_1866 = arith.addi %mul3A_1778, %add3A_1865 : vector<16xi32>
        %gather3A_1867 = tpu.vector_load_idx %arg6[%add3A_1866] : memref<40000xi32, #tpu.memory_space<vmem>>[vector<16xi32>], vector<16xi32>,
        %add3A_1868 = arith.constant 3 : i32
        %add3A_1869 = vector.broadcast %add3A_1868 : i32 to vector<16xi32>
        %add3A_1870 = arith.addi %mul3A_1785, %add3A_1869 : vector<16xi32>
        %gather3A_1871 = tpu.vector_load_idx %arg6[%add3A_1870] : memref<40000xi32, #tpu.memory_space<vmem>>[vector<16xi32>], vector<16xi32>,
        %shift_left3A_1872 = arith.constant 16 : i32
        %shift_left3A_1873 = vector.broadcast %shift_left3A_1872 : i32 to vector<16xi32>
        %shift_left3A_1874 = arith.shli %gather3A_1867, %shift_left3A_1873 : vector<16xi32>
        %bitcast_convert_type3A_1875 = tpu.bitcast %shift_left3A_1874 : vector<16xi32> -> vector<16xf32>
        %and3A_1876 = vector.broadcast %scan3A_0 : i32 to vector<16xi32>
        %and3A_1877 = arith.andi %gather3A_1867, %and3A_1876 : vector<16xi32>
        %bitcast_convert_type3A_1878 = tpu.bitcast %and3A_1877 : vector<16xi32> -> vector<16xf32>
        %shift_left3A_1879 = arith.constant 16 : i32
        %shift_left3A_1880 = vector.broadcast %shift_left3A_1879 : i32 to vector<16xi32>
        %shift_left3A_1881 = arith.shli %gather3A_1871, %shift_left3A_1880 : vector<16xi32>
        %bitcast_convert_type3A_1882 = tpu.bitcast %shift_left3A_1881 : vector<16xi32> -> vector<16xf32>
        %and3A_1883 = vector.broadcast %scan3A_0 : i32 to vector<16xi32>
        %and3A_1884 = arith.andi %gather3A_1871, %and3A_1883 : vector<16xi32>
        %bitcast_convert_type3A_1885 = tpu.bitcast %and3A_1884 : vector<16xi32> -> vector<16xf32>
        %sub3A_1886 = arith.subf %bitcast_convert_type3A_1875, %bitcast_convert_type3A_1882 : vector<16xf32>
        %sub3A_1887 = arith.subf %bitcast_convert_type3A_1878, %bitcast_convert_type3A_1885 : vector<16xf32>
        %max3A_1888 = arith.maximumf %max3A_1770, %sub3A_1886 : vector<16xf32>
        %max3A_1889 = arith.maximumf %max3A_1771, %sub3A_1887 : vector<16xf32>
        %swap3A = arith.constant 0 : i32
        %swap3A_1890 = arith.index_cast %swap3A : i32 to index
        %swap3A_1891 = arith.index_cast %multiple_of3A_17 : i32 to index
        %swap3A_1892 = tpu.vector_load %arg9[%swap3A_1890, %swap3A_1891] {strides = array<i32>} : memref<8x2000xf32, #tpu.memory_space<vmem>>, vector<16xf32>,
        tpu.vector_store %arg9[%swap3A_1890, %swap3A_1891], %max3A_1810 {strides = array<i32>} : memref<8x2000xf32, #tpu.memory_space<vmem>>, vector<16xf32>,
        %swap3A_1893 = arith.constant 4 : i32
        %swap3A_1894 = arith.index_cast %swap3A_1893 : i32 to index
        %swap3A_1895 = arith.index_cast %multiple_of3A_17 : i32 to index
        %swap3A_1896 = tpu.vector_load %arg9[%swap3A_1894, %swap3A_1895] {strides = array<i32>} : memref<8x2000xf32, #tpu.memory_space<vmem>>, vector<16xf32>,
        tpu.vector_store %arg9[%swap3A_1894, %swap3A_1895], %max3A_1811 {strides = array<i32>} : memref<8x2000xf32, #tpu.memory_space<vmem>>, vector<16xf32>,
        %swap3A_1897 = arith.constant 1 : i32
        %swap3A_1898 = arith.index_cast %swap3A_1897 : i32 to index
        %swap3A_1899 = arith.index_cast %multiple_of3A_17 : i32 to index
        %swap3A_1900 = tpu.vector_load %arg9[%swap3A_1898, %swap3A_1899] {strides = array<i32>} : memref<8x2000xf32, #tpu.memory_space<vmem>>, vector<16xf32>,
        tpu.vector_store %arg9[%swap3A_1898, %swap3A_1899], %max3A_1836 {strides = array<i32>} : memref<8x2000xf32, #tpu.memory_space<vmem>>, vector<16xf32>,
        %swap3A_1901 = arith.constant 5 : i32
        %swap3A_1902 = arith.index_cast %swap3A_1901 : i32 to index
        %swap3A_1903 = arith.index_cast %multiple_of3A_17 : i32 to index
        %swap3A_1904 = tpu.vector_load %arg9[%swap3A_1902, %swap3A_1903] {strides = array<i32>} : memref<8x2000xf32, #tpu.memory_space<vmem>>, vector<16xf32>,
        tpu.vector_store %arg9[%swap3A_1902, %swap3A_1903], %max3A_1837 {strides = array<i32>} : memref<8x2000xf32, #tpu.memory_space<vmem>>, vector<16xf32>,
        %swap3A_1905 = arith.constant 2 : i32
        %swap3A_1906 = arith.index_cast %swap3A_1905 : i32 to index
        %swap3A_1907 = arith.index_cast %multiple_of3A_17 : i32 to index
        %swap3A_1908 = tpu.vector_load %arg9[%swap3A_1906, %swap3A_1907] {strides = array<i32>} : memref<8x2000xf32, #tpu.memory_space<vmem>>, vector<16xf32>,
        tpu.vector_store %arg9[%swap3A_1906, %swap3A_1907], %max3A_1862 {strides = array<i32>} : memref<8x2000xf32, #tpu.memory_space<vmem>>, vector<16xf32>,
        %swap3A_1909 = arith.constant 6 : i32
        %swap3A_1910 = arith.index_cast %swap3A_1909 : i32 to index
        %swap3A_1911 = arith.index_cast %multiple_of3A_17 : i32 to index
        %swap3A_1912 = tpu.vector_load %arg9[%swap3A_1910, %swap3A_1911] {strides = array<i32>} : memref<8x2000xf32, #tpu.memory_space<vmem>>, vector<16xf32>,
        tpu.vector_store %arg9[%swap3A_1910, %swap3A_1911], %max3A_1863 {strides = array<i32>} : memref<8x2000xf32, #tpu.memory_space<vmem>>, vector<16xf32>,
        %swap3A_1913 = arith.constant 3 : i32
        %swap3A_1914 = arith.index_cast %swap3A_1913 : i32 to index
        %swap3A_1915 = arith.index_cast %multiple_of3A_17 : i32 to index
        %swap3A_1916 = tpu.vector_load %arg9[%swap3A_1914, %swap3A_1915] {strides = array<i32>} : memref<8x2000xf32, #tpu.memory_space<vmem>>, vector<16xf32>,
        tpu.vector_store %arg9[%swap3A_1914, %swap3A_1915], %max3A_1888 {strides = array<i32>} : memref<8x2000xf32, #tpu.memory_space<vmem>>, vector<16xf32>,
        %swap3A_1917 = arith.constant 7 : i32
        %swap3A_1918 = arith.index_cast %swap3A_1917 : i32 to index
        %swap3A_1919 = arith.index_cast %multiple_of3A_17 : i32 to index
        %swap3A_1920 = tpu.vector_load %arg9[%swap3A_1918, %swap3A_1919] {strides = array<i32>} : memref<8x2000xf32, #tpu.memory_space<vmem>>, vector<16xf32>,
        tpu.vector_store %arg9[%swap3A_1918, %swap3A_1919], %max3A_1889 {strides = array<i32>} : memref<8x2000xf32, #tpu.memory_space<vmem>>, vector<16xf32>,
      }
      %scan3A_13 = arith.constant 125 : i32
      "tpu.region"() ({
        %run_scoped3A = tpu.sem_alloc : memref<!tpu.dma_semaphore, #tpu.memory_space<semaphore_mem>>
        %dma_start3A = arith.constant 0 : i32
        %dma_start3A_14 = tpu.memref_slice %arg5[%arg0, %arg1, %dma_start3A, %multiple_of3A] : memref<2x16x8x10000xf32, #tpu.memory_space<hbm>> -> memref<1x1x8x2000xf32, #tpu.memory_space<hbm>>
        %dma_start3A_15 = tpu.memref_squeeze %dma_start3A_14 : memref<1x1x8x2000xf32, #tpu.memory_space<hbm>> -> memref<8x2000xf32, #tpu.memory_space<hbm>>
        %dma_start3A_16 = arith.constant 0 : i32
        %dma_start3A_17 = tpu.memref_slice %arg5[%arg0, %arg1, %dma_start3A_16, %multiple_of3A] : memref<2x16x8x10000xf32, #tpu.memory_space<hbm>> -> memref<1x1x8x2000xf32, #tpu.memory_space<hbm>>
        %dma_start3A_18 = tpu.memref_squeeze %dma_start3A_17 : memref<1x1x8x2000xf32, #tpu.memory_space<hbm>> -> memref<8x2000xf32, #tpu.memory_space<hbm>>
        tpu.enqueue_dma source(%arg9 : memref<8x2000xf32, #tpu.memory_space<vmem>>) target(%dma_start3A_18 : memref<8x2000xf32, #tpu.memory_space<hbm>>) target_semaphore(%run_scoped3A : memref<!tpu.dma_semaphore, #tpu.memory_space<semaphore_mem>>)
        %dma_wait3A = arith.constant 0 : i32
        %dma_wait3A_19 = tpu.memref_slice %arg5[%arg0, %arg1, %dma_wait3A, %multiple_of3A] : memref<2x16x8x10000xf32, #tpu.memory_space<hbm>> -> memref<1x1x8x2000xf32, #tpu.memory_space<hbm>>
        %dma_wait3A_20 = tpu.memref_squeeze %dma_wait3A_19 : memref<1x1x8x2000xf32, #tpu.memory_space<hbm>> -> memref<8x2000xf32, #tpu.memory_space<hbm>>
        %dma_wait3A_21 = arith.constant 0 : i32
        %dma_wait3A_22 = tpu.memref_slice %arg5[%arg0, %arg1, %dma_wait3A_21, %multiple_of3A] : memref<2x16x8x10000xf32, #tpu.memory_space<hbm>> -> memref<1x1x8x2000xf32, #tpu.memory_space<hbm>>
        %dma_wait3A_23 = tpu.memref_squeeze %dma_wait3A_22 : memref<1x1x8x2000xf32, #tpu.memory_space<hbm>> -> memref<8x2000xf32, #tpu.memory_space<hbm>>
        tpu.wait_dma2 semaphore(%run_scoped3A : memref<!tpu.dma_semaphore, #tpu.memory_space<semaphore_mem>>) src(%arg9 : memref<8x2000xf32, #tpu.memory_space<vmem>>) dst(%dma_wait3A_23 : memref<8x2000xf32, #tpu.memory_space<hbm>>)
        tpu.yield
      }) : () -> ()
    }
    %scan3A_5 = arith.constant 5 : i32
    return
  }
}

module attributes {stable_mosaic.version = 14 : i64} {
  func.func @_tc_body(%arg0: i32, %arg1: memref<128x128xf32, #tpu.memory_space<vmem>>, %arg2: memref<128x128xf32, #tpu.memory_space<vmem>>, %arg3: memref<128x1xf32, #tpu.memory_space<vmem>>, %arg4: memref<1x128x10000xf32, #tpu.memory_space<vmem>>, %arg5: memref<1x128x10000xf32, #tpu.memory_space<vmem>>, %arg6: memref<1x128x10000xf32, #tpu.memory_space<vmem>>) attributes {dimension_semantics = [#tpu.dimension_semantics<arbitrary>], iteration_bounds = array<i64: 2>, scalar_prefetch = 0 : i64, scratch_operands = 0 : i64, tpu.core_type = #tpu.core_type<tc>, window_params = [{pipeline_mode = #tpu.pipeline_mode<synchronous>, transform_indices = @transform_0, window_bounds = array<i64: 128, 128>}, {pipeline_mode = #tpu.pipeline_mode<synchronous>, transform_indices = @transform_1, window_bounds = array<i64: 128, 128>}, {pipeline_mode = #tpu.pipeline_mode<synchronous>, transform_indices = @transform_2, window_bounds = array<i64: 128, 1>}, {transform_indices = @transform_3, window_bounds = array<i64: 1, 128, 10000>}, {transform_indices = @transform_4, window_bounds = array<i64: 1, 128, 10000>}, {transform_indices = @transform_5, window_bounds = array<i64: 1, 128, 10000>}]} {
    %get3A = arith.constant 0 : index
    %get3A_0 = arith.constant 0 : index
    %get3A_1 = arith.constant 0 : index
    %get3A_2 = vector.load %arg4[%get3A, %get3A_0, %get3A_1] : memref<1x128x10000xf32, #tpu.memory_space<vmem>>, vector<1x128x10000xf32>
    %get3A_3 = vector.shape_cast %get3A_2 : vector<1x128x10000xf32> to vector<128x10000xf32>
    %get3A_4 = arith.constant 0 : index
    %get3A_5 = arith.constant 0 : index
    %get3A_6 = arith.constant 0 : index
    %get3A_7 = vector.load %arg5[%get3A_4, %get3A_5, %get3A_6] : memref<1x128x10000xf32, #tpu.memory_space<vmem>>, vector<1x128x10000xf32>
    %get3A_8 = vector.shape_cast %get3A_7 : vector<1x128x10000xf32> to vector<128x10000xf32>
    %get3A_9 = arith.constant 0 : index
    %get3A_10 = arith.constant 0 : index
    %get3A_11 = vector.load %arg1[%get3A_9, %get3A_10] : memref<128x128xf32, #tpu.memory_space<vmem>>, vector<128x128xf32>
    %dot_general3A = arith.constant dense<0.000000e+00> : vector<128x10000xf32>
    %dot_general3A_12 = tpu.matmul %get3A_11, %get3A_3, %dot_general3A {dimension_numbers = #tpu.dot_dimension_numbers<[1], [0], [0], [1], [0, 0, 1, 1], [], []>, transpose_lhs_hint = false} : vector<128x128xf32>, vector<128x10000xf32>, vector<128x10000xf32> -> vector<128x10000xf32>
    %get3A_13 = arith.constant 0 : index
    %get3A_14 = arith.constant 0 : index
    %get3A_15 = vector.load %arg2[%get3A_13, %get3A_14] : memref<128x128xf32, #tpu.memory_space<vmem>>, vector<128x128xf32>
    %dot_general3A_16 = arith.constant dense<0.000000e+00> : vector<128x10000xf32>
    %dot_general3A_17 = tpu.matmul %get3A_15, %get3A_8, %dot_general3A_16 {dimension_numbers = #tpu.dot_dimension_numbers<[1], [0], [0], [1], [0, 0, 1, 1], [], []>, transpose_lhs_hint = false} : vector<128x128xf32>, vector<128x10000xf32>, vector<128x10000xf32> -> vector<128x10000xf32>
    %add3A = arith.addf %dot_general3A_12, %dot_general3A_17 : vector<128x10000xf32>
    %get3A_18 = arith.constant 0 : index
    %get3A_19 = arith.constant 0 : index
    %get3A_20 = vector.load %arg3[%get3A_18, %get3A_19] : memref<128x1xf32, #tpu.memory_space<vmem>>, vector<128x1xf32>
    %add3A_21 = vector.broadcast %get3A_20 : vector<128x1xf32> to vector<128x10000xf32>
    %add3A_22 = arith.addf %add3A, %add3A_21 : vector<128x10000xf32>
    %max3A = arith.constant 0.000000e+00 : f32
    %max3A_23 = vector.broadcast %max3A : f32 to vector<128x10000xf32>
    %max3A_24 = arith.maximumf %add3A_22, %max3A_23 : vector<128x10000xf32>
    %swap3A = arith.constant 0 : index
    %swap3A_25 = arith.constant 0 : index
    %swap3A_26 = arith.constant 0 : index
    %swap3A_27 = vector.load %arg6[%swap3A, %swap3A_25, %swap3A_26] : memref<1x128x10000xf32, #tpu.memory_space<vmem>>, vector<1x128x10000xf32>
    %swap3A_28 = vector.shape_cast %swap3A_27 : vector<1x128x10000xf32> to vector<128x10000xf32>
    %swap3A_29 = vector.shape_cast %max3A_24 : vector<128x10000xf32> to vector<1x128x10000xf32>
    tpu.vector_store %arg6[%swap3A, %swap3A_25, %swap3A_26], %swap3A_29 {strides = array<i32>} : memref<1x128x10000xf32, #tpu.memory_space<vmem>>, vector<1x128x10000xf32>,
    return
  }
  func.func @transform_0(%arg0: i32) -> (i32, i32) {
    %c0_i32 = arith.constant 0 : i32
    %c0_i32_0 = arith.constant 0 : i32
    %c0_i32_1 = arith.constant 0 : i32
    return %c0_i32, %c0_i32_0 : i32, i32
  }
  func.func @transform_1(%arg0: i32) -> (i32, i32) {
    %c0_i32 = arith.constant 0 : i32
    %c0_i32_0 = arith.constant 0 : i32
    %c0_i32_1 = arith.constant 0 : i32
    return %c0_i32, %c0_i32_0 : i32, i32
  }
  func.func @transform_2(%arg0: i32) -> (i32, i32) {
    %c0_i32 = arith.constant 0 : i32
    %c0_i32_0 = arith.constant 0 : i32
    %c0_i32_1 = arith.constant 0 : i32
    return %c0_i32, %c0_i32_0 : i32, i32
  }
  func.func @transform_3(%arg0: i32) -> (i32, i32, i32) {
    %c0_i32 = arith.constant 0 : i32
    %c0_i32_0 = arith.constant 0 : i32
    %c0_i32_1 = arith.constant 0 : i32
    return %arg0, %c0_i32, %c0_i32_0 : i32, i32, i32
  }
  func.func @transform_4(%arg0: i32) -> (i32, i32, i32) {
    %c0_i32 = arith.constant 0 : i32
    %c0_i32_0 = arith.constant 0 : i32
    %c0_i32_1 = arith.constant 0 : i32
    return %arg0, %c0_i32, %c0_i32_0 : i32, i32, i32
  }
  func.func @transform_5(%arg0: i32) -> (i32, i32, i32) {
    %c0_i32 = arith.constant 0 : i32
    %c0_i32_0 = arith.constant 0 : i32
    %c0_i32_1 = arith.constant 0 : i32
    return %arg0, %c0_i32, %c0_i32_0 : i32, i32, i32
  }
}

</mosaic_0001>

<sc_bundles>
// kernel: kernel.4.cloned.1.call-start
scs
__scs_entry_jumppad:
0x0: {  	(pc) =	sbr.rel $0x88, $3  }
0x1: {  	(tag) =	ssettag $0x0;
	lr =	simm.s32 $0x1  }
0x2: {  	[smem:$0x3F9D] =	sst lr;
	_ =	strace $0xD0000000  }
0x3: {  	_ = 	snop  }
0x4: {  	_ = 	snop  }
0x5: {  	_ = 	snop  }
0x6: {  	_ = 	snop  }
0x7: {  	_ = 	snop  }
__scs_overlays_trampoline_lowered:
0x8: {  	[smem:$0x3FAC] =	sst s0  }
0x9: {  	[smem:$0x3FAD] =	sst s1  }
0xa: {  	[smem:$0x3FAE] =	sst s2  }
0xb: {  	[smem:$0x3FAF] =	sst s3  }
0xc: {  	[smem:$0x3FB0] =	sst s4  }
0xd: {  	[smem:$0x3FB1] =	sst s5  }
0xe: {  	[smem:$0x3FB2] =	sst s6  }
0xf: {  	[smem:$0x3FB3] =	sst s7  }
0x10: {  	[smem:$0x3FB4] =	sst s8  }
0x11: {  	[smem:$0x3FB5] =	sst s9;
	s0 =	simm.s32 @!p0 $0x0  }
0x12: {  	s1 =	sld [smem:$0x3F9B];
	s0 =	simm.s32 @p0 $0x1  }
0x13: {  	[smem:$0x3FB6] =	sst s0;
	s0 =	simm.s32 @!p1 $0x0  }
0x14: {  	s2 =	sld [smem:$0x3F9A];
	s0 =	simm.s32 @p1 $0x1  }
0x15: {  	[smem:$0x3FB7] =	sst s0;
	s0 =	simm.s32 @!p2 $0x0  }
0x16: {  	s3 =	sld [smem:$0x3FDB];
	s0 =	simm.s32 @p2 $0x1  }
0x17: {  	s4 =	simm.s32 $0x1BF5;
	[smem:$0x3FB9] =	sst s0  }
0x18: {  	s0 =	sld [smem:$0x3F9C];
	_ =	swait.ge [sflag:s4], $0x0  }
0x19: {  	s7 =	sld [smem:$0x3F9D]  }
0x1a: {  	s8 =	sadd.s32 $0xFFFFE003, lr  }
0x1b: {  	s9 =	sadd.s32 $0xFFFFFEF7, lr;
	s5 =	simm.s32 $0xFFFFFFFF;
	p2 =	slt.u32 s8, $0xFFFFF086  }
0x1c: {  	p1 =	slt.u32 s9, $0xF7A;
	s5 =	simm.s32 @!p2 $0x0  }
0x1d: {  	s5 =	simm.s32 @p1 $0x1;
	p0 =	seq.s32 s7, s2  }
0x1e: {  	s7 =	smul.u32 @!p0 $0xF7A, s2;
	p2 =	seq.s32 @!p0 s5, $0x0  }
0x1f: {  	s9 =	smul.u32 $0xF7A, s1;
	s8 =	simm.s32 @!p0 $0x1BF5;
	p2 =	por !p2, p0  }
0x20: {  	[sflag:s8] =	ssyncset.s32 @!p0 $0xFFFFF086;
	s6 =	sadd.s32 @!p0 s3, s7;
	s7 =	simm.s32 @!p0 $0x108  }
0x21: {  	s3 =	sadd.s32 s3, s9;
	s6 =	sadd.s32 @!p0 $0x88, s6;
	s7 =	simm.s32 @p2 $0x1082  }
0x22: {  	[simem:s7], [sflag:s8] =	dma.local @!p0 [hbm:s6], $0xF7A  }
0x23: {  	s9 =	sor.u32 $0xD0000000, s2;
	s6 =	simm.s32 $0x108;
	_ =	swait.ge @!p0 [sflag:s8], $0x0  }
0x24: {  	s3 =	sadd.s32 $0x88, s3;
	s6 =	simm.s32 @!p1 $0x1082;
	[sflag:s4] =	ssyncset.s32 $0xFFFFF086  }
0x25: {  	[simem:s6], [sflag:s4] =	dma.local [hbm:s3], $0xF7A  }
0x26: {  	[smem:$0x3F9D] =	sst s1;
	(tag) =	ssettag s2;
	_ =	strace s9  }
0x27: {  	s1 =	sld [smem:$0x3FAD]  }
0x28: {  	s2 =	sld [smem:$0x3FAE]  }
0x29: {  	s4 =	sld [smem:$0x3FB0]  }
0x2a: {  	p0 =	seq.s32 s5, $0x0;
	s5 =	sld [smem:$0x3FB1]  }
0x2b: {  	s6 =	sld [smem:$0x3FB2]  }
0x2c: {  	s7 =	sld [smem:$0x3FB3]  }
0x2d: {  	s3 =	simm.s32 $0x108;
	s8 =	sld [smem:$0x3FB4]  }
0x2e: {  	s3 =	simm.s32 @!p0 $0x1082;
	s9 =	sld [smem:$0x3FB5]  }
0x2f: {  	lr =	sadd.s32 s0, s3;
	s0 =	sld [smem:$0x3FAC]  }
0x30: {  	s3 =	sld [smem:$0x3FAF]  }
0x31: {  	[smem:$0x3FB8] =	sst s10  }
0x32: {  	s10 =	sld [smem:$0x3FB6];
	_ =	sdelay $0x3  }
0x33: {  	p0 =	seq.s32 s10, $0x1;
	s10 =	sld [smem:$0x3FB8];
	_ =	sdelay $0x3  }
0x34: {  	[smem:$0x3FB8] =	sst s10  }
0x35: {  	s10 =	sld [smem:$0x3FB7];
	_ =	sdelay $0x3  }
0x36: {  	p1 =	seq.s32 s10, $0x1;
	s10 =	sld [smem:$0x3FB8];
	_ =	sdelay $0x3  }
0x37: {  	[smem:$0x3FB8] =	sst s10  }
0x38: {  	s10 =	sld [smem:$0x3FB9]  }
0x39: {  	_ = 	snop;
	(pc) =	sbr.ind lr, $3  }
0x3a: {  	_ = 	snop  }
0x3b: {  	_ = 	snop  }
0x3c: {  	p2 =	seq.s32 s10, $0x1;
	s10 =	sld [smem:$0x3FB8]  }
0x3d: {  	_ =	shalt  }
0x3e: {  	_ =	shalt  }
0x3f: {  	_ =	shalt  }
0x40: {  	_ =	shalt  }
0x41: {  	_ =	shalt  }
0x42: {  	_ =	shalt  }
0x43: {  	_ =	shalt  }
0x44: {  	_ =	shalt  }
0x45: {  	_ =	shalt  }
0x46: {  	_ =	shalt  }
0x47: {  	_ =	shalt  }
0x48: {  	_ =	shalt  }
0x49: {  	_ =	shalt  }
0x4a: {  	_ =	shalt  }
0x4b: {  	_ =	shalt  }
0x4c: {  	_ =	shalt  }
0x4d: {  	_ =	shalt  }
0x4e: {  	_ =	shalt  }
0x4f: {  	_ =	shalt  }
0x50: {  	_ =	shalt  }
0x51: {  	_ =	shalt  }
0x52: {  	_ =	shalt  }
0x53: {  	_ =	shalt  }
0x54: {  	_ =	shalt  }
0x55: {  	_ =	shalt  }
0x56: {  	_ =	shalt  }
0x57: {  	_ =	shalt  }
0x58: {  	_ =	shalt  }
0x59: {  	_ =	shalt  }
0x5a: {  	_ =	shalt  }
0x5b: {  	_ =	shalt  }
0x5c: {  	_ =	shalt  }
0x5d: {  	_ =	shalt  }
0x5e: {  	_ =	shalt  }
0x5f: {  	_ =	shalt  }
0x60: {  	_ =	shalt  }
0x61: {  	_ =	shalt  }
0x62: {  	_ =	shalt  }
0x63: {  	_ =	shalt  }
0x64: {  	_ =	shalt  }
0x65: {  	_ =	shalt  }
0x66: {  	_ =	shalt  }
0x67: {  	_ =	shalt  }
0x68: {  	_ =	shalt  }
0x69: {  	_ =	shalt  }
0x6a: {  	_ =	shalt  }
0x6b: {  	_ =	shalt  }
0x6c: {  	_ =	shalt  }
0x6d: {  	_ =	shalt  }
0x6e: {  	_ =	shalt  }
0x6f: {  	_ =	shalt  }
0x70: {  	_ =	shalt  }
0x71: {  	_ =	shalt  }
0x72: {  	_ =	shalt  }
0x73: {  	_ =	shalt  }
0x74: {  	_ =	shalt  }
0x75: {  	_ =	shalt  }
0x76: {  	_ =	shalt  }
0x77: {  	_ =	shalt  }
0x78: {  	_ =	shalt  }
0x79: {  	_ =	shalt  }
0x7a: {  	_ =	shalt  }
0x7b: {  	_ =	shalt  }
0x7c: {  	_ =	shalt  }
0x7d: {  	_ =	shalt  }
0x7e: {  	_ =	shalt  }
0x7f: {  	_ =	shalt  }
0x80: {  	_ =	shalt  }
0x81: {  	_ =	shalt  }
0x82: {  	_ =	shalt  }
0x83: {  	_ =	shalt  }
0x84: {  	_ =	shalt  }
0x85: {  	_ =	shalt  }
0x86: {  	_ =	shalt  }
0x87: {  	_ =	shalt  }
.Lfunc_end0:
.L_simem_size_0:
called_computation_lowered:
.L_overlay_start_0:
0x88: {  	s2 =	sld [smem:$0x3FD9]  }
0x89: {  	s3 =	sld [smem:$0x3FFE];
	_ =	sdelay $0x1  }
0x8a: {  	s1 =	srdreg.scid  }
0x8b: {  	s0 =	sand.u32 $0x1, s1  }
0x8c: {  	s17 =	sshll.u32 s0, $0xA;
	s2 =	sadd.s32 s3, s2  }
0x8d: {  	s2 =	sadd.s32 s2, s17  }
0x8e: {  	[smem:$0x3FC4] =	sst s2  }
0x8f: {  	_ = 	snop  }
0x90: {  	s2 =	sld [smem:$0x3FD0];
	(tm) =	ssettm $0x1  }
0x91: {  	s18 =	sld [smem:$0x3FFB];
	_ =	sdelay $0x3  }
0x92: {  	_ =	strace s18  }
0x93: {  	s3 =	sld [smem:$0x3FFC];
	_ =	sdelay $0x3  }
0x94: {  	_ =	strace s3  }
0x95: {  	s3 =	sld [smem:$0x3FFD];
	_ =	sdelay $0x3  }
0x96: {  	_ =	strace s3  }
0x97: {  	_ =	strace $0x8FFFFFFF  }
0x98: {  	s19 =	sld [smem:$0x3FDB];
	_ =	sdelay $0x1  }
0x99: {  	s4 =	simm.s32 $_scs_section_size  }
0x9a: {  	s5 =	simm.s32 $_size__tile_overlayer_lowered;
	s6 =	simm.s32 $_tile_overlayer_lowered  }
0x9b: {  	s22 =	simm.s32 $0x1BFF;
	s21 =	sshll.u32 s6, $0x1;
	s3 =	sadd.s32 s4, s19  }
0x9c: {  	s7 =	simm.s32 $0x0;
	s20 =	sshll.u32 s5, $0x1;
	s5 =	sadd.s32 s21, s3  }
0x9d: {  	[timem:s7], [sflag:s22] =	dma.local [hbm:s5], s20  }
0x9e: {  	_ =	swait.ge [sflag:s22], s20  }
0x9f: {  	s4 =	ssub.s32 $0x0, s20;
	[sflag:s22] =	ssyncset.done $0x0  }
0xa0: {  	[sflag:s22] =	ssyncadd.s32 s4;
	_ =	sdelay $0x1  }
0xa1: {  	s23 =	simm.s32 $0x1B8B  }
0xa2: {  	_ =	swait.ge [sflag:s23], $0x1  }
0xa3: {  	[sflag:s23] =	ssyncset.done $0x0  }
0xa4: {  	s25 =	simm.s32 $0x1B8E;
	s24 =	sld [smem:$0x3FFE];
	[sflag:s23] =	ssyncadd.s32 $0xFFFFFFFF  }
0xa5: {  	s26 =	simm.s32 $execute0_lowered;
	[smem:$0x3FD2] =	sst s25  }
0xa6: {  	s5 =	sshll.u32 s26, $0x1;
	_ =	strace $0x80000046;
	[dreg:$0x1] =	wrdreg $0xFFFFFFFF  }
0xa7: {  	s28 =	simm.s32 $_size_execute0_lowered;
	s3 =	sadd.s32 s3, s5;
	[dreg:$0x0] =	wrdreg $0x0  }
0xa8: {  	s5 =	sshll.u32 s28, $0x1;
	[dreg:$0x2] =	wrdreg s3  }
0xa9: {  	[dreg:$0x3] =	wrdreg s5  }
0xaa: {  	[dreg:$0x4] =	wrdreg $0xC0  }
0xab: {  	_ =	task [dreg:s7], $0x5FFFF  }
0xac: {  	[dreg:$0x1] =	wrdreg $0xFFFFFFFF  }
0xad: {  	[dreg:$0x0] =	wrdreg $0x60  }
0xae: {  	[dreg:$0x2] =	wrdreg s24  }
0xaf: {  	[dreg:$0x3] =	wrdreg s2  }
0xb0: {  	[dreg:$0x4] =	wrdreg $0x9  }
0xb1: {  	_ =	task.clear_ibuf [dreg:s7], $0x5FFFF;
	_ =	strace $0x90000046  }
0xb2: {  	s29 =	simm.s32 $0x9;
	_ =	strace $0x80000048  }
0xb3: {  	_ =	swait.ge [sflag:s29], $0x1  }
0xb4: {  	[sflag:s29] =	ssyncadd.s32 $0xFFFFFFFF  }
0xb5: {  	_ =	strace $0x90000048  }
0xb6: {  	_ =	sfence  }
0xb7: {  	s30 =	sld [smem:$0x0];
	_ =	sdelay $0x2  }
0xb8: {  	s31 =	sshll.u32 s1, $0xD;
	s1 =	sshrl.u32 s1, $0x2  }
0xb9: {  	s3 =	sand.u32 $0x4000, s31;
	s1 =	sadd.s32 s1, s30  }
0xba: {  	s0 =	sor.u32 s3, s0;
	s1 =	sshll.u32 s1, $0x11  }
0xbb: {  	s0 =	sor.u32 s1, s0  }
0xbc: {  	s0 =	sadd.s32 $0x8F2B, s0  }
0xbd: {  	[sflag:s0] =	ssyncadd.remote.s32 $0x1  }
0xbe: {  	_ =	sfence.sel $0xFFFF  }
0xbf: {  	[dreg:$0x0] =	wrdreg $0xFFFFFFFF;
	(pc) =	sbr.abs _section_cstart, $3  }
0xc0: {  	[dreg:$0x1] =	wrdreg $0xFFFFFFFF  }
0xc1: {  	_ =	task.clear_ibuf [dreg:s7], $0x2FFFF;
	_ =	strace $0x9FFFFFFF  }
0xc2: {  	(tm) =	ssettm $0x7FFFFFFF  }
0xc3: {  	_ =	shalt  }
tec
execute0_lowered:
.L_overlay_start_1:
0x0: {  	(tag) =	ssettag $0x1  }
0x1: {  	s5 =	rddreg [dreg:$0x0]  }
0x2: {  	s2 =	rddreg [dreg:$0x1]  }
0x3: {  	s0 =	srdreg.scid;
	s1 =	rddreg [dreg:$0x2];
	s3 =	simm.s32 $0x0  }
0x4: {  	s12 =	simm.s32 $0x2710;
	s13 =	simm.s32 $0x9C40;
	s7 =	sand.u32 $0x1, s0  }
0x5: {  	s14 =	simm.s32 $0x11940;
	s0 =	stileid.u32;
	s4 =	smul.u32 $0x9C400, s7  }
0x6: {  	s15 =	simm.s32 $0x19640;
	s16 =	simm.s32 $0x0;
	s6 =	smul.u32 $0x9C40, s0  }
0x7: {  	[smem:$0x7FF] =	sst s3;
	s8 =	ssub.s32 $0x2, s7;
	s9 =	smul.u32 $0x138800, s7  }
0x8: {  	_ =	strace $0x80000047;
	s11 =	smul.u32 $0x13880, s0;
	s10 =	sshrl.u32 s8, $0x1  }
0x9: {  	s7 =	smul.u32 $0x27100, s7;
	s4 =	sadd.s32 s6, s4;
	s10 =	ssub.s32 s8, s10  }
0xa: {  	s8 =	sadd.s32 s11, s9;
	s11 =	simm.s32 $0x7D0;
	s4 =	sshrl.u32 s4, $0x3  }
0xb: {  	s9 =	smax.u32 s10, $0x1;
	s10 =	simm.s32 $0x1;
	s31 =	sadd.s32 s4, s5  }
0xc: {  	s4 =	sadd.s32 $0x31E00, s5;
	s5 =	sadd.s32 $0x28000, s5;
	s6 =	sadd.s32 $0xE00, s31  }
.LBB2_1:
0xd: {  	[tilespmem:s3], [sflag:$0x1] =	stream.linear.gather [hbm4b:s6+s3], $0x9C40, $0x38;
	[tilespmem:$0x1D4C0] =	vst v63  }
0xe: {  	_ =	swait.ge [sflag:s10], $0x9C40  }
0xf: {  	[sflag:s10] =	ssyncset.done $0x0  }
0x10: {  	s17 =	simm.s32 $0x0;
	[sflag:s10] =	ssyncadd.s32 $0xFFFF63C0  }
.LBB2_2:
0x11: {  	s18 =	smul.u32 $0x7D0, s17;
	_ =	sdelay $0x1  }
0x12: {  	s19 =	sadd.s32 s7, s18  }
0x13: {  	s19 =	sshrl.u32 s19, $0x3  }
0x14: {  	s20 =	sadd.s32 s4, s19  }
0x15: {  	[tilespmem:s13], [sflag:$0x1] =	stream.strided.gather [hbm4b:s20+s11], $0x7D00, s12, s11, $0x38;
	[tilespmem:$0x1D4C0] =	vst v63  }
0x16: {  	_ =	swait.ge [sflag:s10], $0x7D00  }
0x17: {  	[sflag:s10] =	ssyncset.done $0x0  }
0x18: {  	s19 =	sadd.s32 s5, s19;
	[sflag:s10] =	ssyncadd.s32 $0xFFFF8300  }
0x19: {  	[tilespmem:s14], [sflag:$0x1] =	stream.strided.gather [hbm4b:s19+s11], $0x7D00, s12, s11, $0x38;
	[tilespmem:$0x1D4C0] =	vst v63  }
0x1a: {  	_ =	swait.ge [sflag:s10], $0x7D00  }
0x1b: {  	[sflag:s10] =	ssyncset.done $0x0  }
0x1c: {  	s19 =	simm.s32 $0x0;
	[sflag:s10] =	ssyncadd.s32 $0xFFFF8300  }
.LBB2_3:
0x1d: {  	s20 =	sshra.s32 s19, $0x2  }
0x1e: {  	v0 =	vld [tilespmem:s20+$0x9C40]  }
0x1f: {  	v1 =	vld [tilespmem:s20+$0x11940]  }
0x20: {  	v5 =	vld [tilespmem:s20+$0xA410]  }
0x21: {  	v7 =	vld [tilespmem:s20+$0x12110]  }
0x22: {  	v17 =	vld [tilespmem:s20+$0xABE0]  }
0x23: {  	v57 =	vld [tilespmem:s20+$0x128E0];
	v0 =	vshll.u32 v0, $0x2  }
0x24: {  	v1 =	vshll.u32 v1, $0x2  }
0x25: {  	v5 =	vshll.u32 v5, $0x2  }
0x26: {  	v23 =	vld [tilespmem:s20+$0xB3B0];
	v7 =	vshll.u32 v7, $0x2  }
0x27: {  	v17 =	vshll.u32 v17, $0x2  }
0x28: {  	v58 =	vshll.u32 v57, $0x2;
	v3 =	vld.idx.msk [tilespmem:v0+s3+$0x0], $0xffff  }
0x29: {  	v2 =	vor.u32 $0x1, v0;
	v8 =	vld.idx.msk [tilespmem:v1+s3+$0x0], $0xffff  }
0x2a: {  	v4 =	vor.u32 $0x1, v1;
	v54 =	vld.idx.msk [tilespmem:v5+s3+$0x0], $0xffff  }
0x2b: {  	v40 =	vshll.u32 v23, $0x2;
	v6 =	vor.u32 $0x2, v0;
	v9 =	vor.u32 $0x2, v1;
	v13 =	vld.idx.msk [tilespmem:v7+s3+$0x0], $0xffff  }
0x2c: {  	v55 =	vor.u32 $0x1, v5;
	v14 =	vor.u32 $0x1, v7;
	v16 =	vor.u32 $0x2, v5;
	v24 =	vld.idx.msk [tilespmem:v17+s3+$0x0], $0xffff  }
0x2d: {  	v56 =	vor.u32 $0x2, v7;
	v60 =	vor.u32 $0x1, v17;
	v29 =	vor.u32 $0x2, v17;
	v26 =	vld.idx.msk [tilespmem:v58+s3+$0x0], $0xffff  }
0x2e: {  	v22 =	vor.u32 $0x2, v58;
	v33 =	vor.u32 $0x3, v17;
	v34 =	vor.u32 $0x3, v58;
	v2 =	vld.idx.msk [tilespmem:v2+s3+$0x0], $0xffff  }
0x2f: {  	v44 =	vor.u32 $0x1, v40;
	v0 =	vor.u32 $0x3, v0;
	v1 =	vor.u32 $0x3, v1;
	v4 =	vld.idx.msk [tilespmem:v4+s3+$0x0], $0xffff  }
0x30: {  	v5 =	vor.u32 $0x3, v5;
	v7 =	vor.u32 $0x3, v7;
	v6 =	vld.idx.msk [tilespmem:v6+s3+$0x0], $0xffff;
	v10 =	vshll.u32 v3, $0x10  }
0x31: {  	v9 =	vld.idx.msk [tilespmem:v9+s3+$0x0], $0xffff;
	v3 =	vand.u32 $0xFFFF0000, v3;
	v11 =	vshll.u32 v8, $0x10;
	v8 =	vand.u32 $0xFFFF0000, v8  }
0x32: {  	v14 =	vld.idx.msk [tilespmem:v14+s3+$0x0], $0xffff;
	v20 =	vshll.u32 v54, $0x10;
	v21 =	vshll.u32 v13, $0x10;
	v13 =	vand.u32 $0xFFFF0000, v13  }
0x33: {  	v16 =	vld.idx.msk [tilespmem:v16+s3+$0x0], $0xffff;
	v35 =	vshll.u32 v24, $0x10;
	v36 =	vand.u32 $0xFFFF0000, v24;
	v37 =	vshll.u32 v26, $0x10  }
0x34: {  	v38 =	vand.u32 $0xFFFF0000, v26;
	v10 =	vsub.f32 v10, v11;
	v3 =	vsub.f32 v3, v8  }
0x35: {  	v39 =	vld.idx.msk [tilespmem:v22+s3+$0x0], $0xffff;
	v52 =	vshll.u32 v2, $0x10;
	v2 =	vand.u32 $0xFFFF0000, v2;
	v53 =	vshll.u32 v4, $0x10  }
0x36: {  	v32 =	vld [tilespmem:s20+$0x130B0];
	v4 =	vand.u32 $0xFFFF0000, v4;
	v12 =	vshll.u32 v6, $0x10;
	v6 =	vand.u32 $0xFFFF0000, v6  }
0x37: {  	v48 =	vld.idx.msk [tilespmem:v40+s3+$0x0], $0xffff;
	v15 =	vshll.u32 v9, $0x10;
	v9 =	vand.u32 $0xFFFF0000, v9;
	v20 =	vsub.f32 v20, v21  }
0x38: {  	v0 =	vld.idx.msk [tilespmem:v0+s3+$0x0], $0xffff;
	v62 =	vshll.u32 v14, $0x10;
	v14 =	vand.u32 $0xFFFF0000, v14;
	v63 =	vshll.u32 v16, $0x10  }
0x39: {  	v1 =	vld.idx.msk [tilespmem:v1+s3+$0x0], $0xffff;
	v16 =	vand.u32 $0xFFFF0000, v16;
	v8 =	vsub.f32 v52, v53;
	v2 =	vsub.f32 v2, v4  }
0x3a: {  	v5 =	vld.idx.msk [tilespmem:v5+s3+$0x0], $0xffff;
	v47 =	vshll.u32 v39, $0x10;
	v12 =	vsub.f32 v12, v15;
	v6 =	vsub.f32 v6, v9  }
0x3b: {  	v7 =	vld.idx.msk [tilespmem:v7+s3+$0x0], $0xffff;
	v4 =	vand.u32 $0xFFFF0000, v54;
	v15 =	vor.u32 $0x1, v58;
	v53 =	vor.u32 $0x2, v40  }
0x3c: {  	v11 =	vld.idx.msk [tilespmem:v55+s3+$0x0], $0xffff;
	v58 =	vor.u32 $0x3, v40;
	v4 =	vsub.f32 v4, v13;
	v59 =	vmax.f32 v10, v20  }
0x3d: {  	v10 =	vld.idx.msk [tilespmem:v60+s3+$0x0], $0xffff;
	v13 =	vsub.f32 v36, v38;
	v60 =	vand.u32 $0xFFFF0000, v48;
	v18 =	vshll.u32 v0, $0x10  }
0x3e: {  	v0 =	vand.u32 $0xFFFF0000, v0;
	v19 =	vshll.u32 v1, $0x10;
	v1 =	vand.u32 $0xFFFF0000, v1  }
0x3f: {  	v9 =	vld.idx.msk [tilespmem:v56+s3+$0x0], $0xffff;
	v3 =	vmax.f32 v3, v4;
	v28 =	vshll.u32 v5, $0x10;
	v5 =	vand.u32 $0xFFFF0000, v5  }
0x40: {  	v56 =	vld [tilespmem:s20+$0x13880];
	v30 =	vshll.u32 v7, $0x10;
	v7 =	vand.u32 $0xFFFF0000, v7;
	v18 =	vsub.f32 v18, v19  }
0x41: {  	v0 =	vsub.f32 v0, v1;
	v61 =	vshll.u32 v11, $0x10;
	v11 =	vand.u32 $0xFFFF0000, v11  }
0x42: {  	v54 =	vld [tilespmem:s20+$0xBB80];
	v31 =	vsub.f32 v28, v30;
	v5 =	vsub.f32 v5, v7;
	v7 =	vshll.u32 v32, $0x2  }
0x43: {  	v3 =	vmax.f32 v3, v13;
	v4 =	vsub.f32 v61, v62;
	v11 =	vsub.f32 v11, v14  }
0x44: {  	v25 =	vshll.u32 v9, $0x10;
	v9 =	vand.u32 $0xFFFF0000, v9;
	v49 =	vor.u32 $0x1, v7  }
0x45: {  	v14 =	vand.u32 $0xFFFF0000, v39;
	v55 =	vor.u32 $0x2, v7;
	v24 =	vshll.u32 v56, $0x2  }
0x46: {  	v19 =	vld.idx.msk [tilespmem:v44+s3+$0x0], $0xffff;
	v27 =	vsub.f32 v63, v25;
	v9 =	vsub.f32 v16, v9;
	v0 =	vmax.f32 v0, v5  }
0x47: {  	v15 =	vld.idx.msk [tilespmem:v15+s3+$0x0], $0xffff;
	v41 =	vshll.u32 v10, $0x10;
	v10 =	vand.u32 $0xFFFF0000, v10;
	v63 =	vshll.u32 v54, $0x2  }
0x48: {  	v16 =	vld.idx.msk [tilespmem:v29+s3+$0x0], $0xffff;
	v29 =	vor.u32 $0x1, v24;
	v40 =	vor.u32 $0x2, v24;
	v44 =	vor.u32 $0x3, v24  }
0x49: {  	v62 =	vld.idx.msk [tilespmem:v53+s3+$0x0], $0xffff;
	v4 =	vmax.f32 v8, v4;
	v2 =	vmax.f32 v2, v11;
	v11 =	vmax.f32 v18, v31  }
0x4a: {  	v5 =	vld.idx.msk [tilespmem:v34+s3+$0x0], $0xffff;
	v38 =	vor.u32 $0x2, v63;
	v8 =	vmax.f32 v12, v27;
	v6 =	vmax.f32 v6, v9  }
0x4b: {  	v12 =	vsub.f32 v35, v37;
	v27 =	vor.u32 $0x1, v63;
	v50 =	vld.idx.msk [tilespmem:v7+s3+$0x0], $0xffff;
	v7 =	vor.u32 $0x3, v7  }
0x4c: {  	v9 =	vld.idx.msk [tilespmem:v33+s3+$0x0], $0xffff;
	v25 =	vshll.u32 v19, $0x10;
	v30 =	vand.u32 $0xFFFF0000, v19;
	v42 =	vshll.u32 v15, $0x10  }
0x4d: {  	v1 =	vmax.f32 v59, v12;
	v45 =	vand.u32 $0xFFFF0000, v15;
	v59 =	vshll.u32 v48, $0x10  }
0x4e: {  	v31 =	vshll.u32 v62, $0x10;
	v43 =	vsub.f32 v41, v42;
	v10 =	vsub.f32 v10, v45  }
0x4f: {  	v57 =	vld.idx.msk [tilespmem:v49+s3+$0x0], $0xffff;
	v46 =	vshll.u32 v16, $0x10;
	v16 =	vand.u32 $0xFFFF0000, v16;
	v52 =	vshll.u32 v5, $0x10  }
0x50: {  	v34 =	vld.idx.msk [tilespmem:v24+s3+$0x0], $0xffff;
	v5 =	vand.u32 $0xFFFF0000, v5;
	v42 =	vor.u32 $0x3, v63;
	v12 =	vsub.f32 v46, v47  }
0x51: {  	v32 =	vld.idx.msk [tilespmem:v63+s3+$0x0], $0xffff;
	v14 =	vsub.f32 v16, v14;
	v4 =	vmax.f32 v4, v43;
	v51 =	vshll.u32 v9, $0x10  }
0x52: {  	v15 =	vld.idx.msk [tilespmem:v29+s3+$0x0], $0xffff;
	v9 =	vand.u32 $0xFFFF0000, v9;
	v2 =	vmax.f32 v2, v10;
	v16 =	vsub.f32 v51, v52  }
0x53: {  	v41 =	vld [tilespmem:s20+$0xC350];
	v5 =	vsub.f32 v9, v5;
	v8 =	vmax.f32 v8, v12;
	v61 =	vshll.u32 v50, $0x10  }
0x54: {  	v36 =	vld.idx.msk [tilespmem:v27+s3+$0x0], $0xffff;
	v6 =	vmax.f32 v6, v14;
	v13 =	vand.u32 $0xFFFF0000, v50;
	v12 =	vsub.f32 v59, v61  }
0x55: {  	v43 =	vld [tilespmem:s20+$0x14050];
	v13 =	vsub.f32 v60, v13;
	v26 =	vshll.u32 v57, $0x10;
	v10 =	vand.u32 $0xFFFF0000, v57  }
0x56: {  	v9 =	vld.idx.msk [tilespmem:v55+s3+$0x0], $0xffff;
	v48 =	vshll.u32 v34, $0x10;
	v49 =	vand.u32 $0xFFFF0000, v34;
	v11 =	vmax.f32 v11, v16  }
0x57: {  	v7 =	vld.idx.msk [tilespmem:v7+s3+$0x0], $0xffff;
	v0 =	vmax.f32 v0, v5;
	v28 =	vsub.f32 v25, v26;
	v10 =	vsub.f32 v30, v10  }
0x58: {  	v50 =	vld.idx.msk [tilespmem:v38+s3+$0x0], $0xffff;
	v16 =	vand.u32 $0xFFFF0000, v62;
	v46 =	vshll.u32 v32, $0x10;
	v47 =	vand.u32 $0xFFFF0000, v32  }
0x59: {  	v5 =	vld.idx.msk [tilespmem:v58+s3+$0x0], $0xffff;
	v52 =	vshll.u32 v41, $0x2;
	v54 =	vshll.u32 v15, $0x10;
	v58 =	vand.u32 $0xFFFF0000, v15  }
0x5a: {  	v51 =	vld.idx.msk [tilespmem:v40+s3+$0x0], $0xffff;
	v1 =	vmax.f32 v1, v12;
	v3 =	vmax.f32 v3, v13;
	v56 =	vor.u32 $0x1, v52  }
0x5b: {  	v25 =	vor.u32 $0x2, v52;
	v14 =	vor.u32 $0x3, v52;
	v4 =	vmax.f32 v4, v28  }
0x5c: {  	v2 =	vmax.f32 v2, v10;
	v53 =	vshll.u32 v36, $0x10;
	v17 =	vshll.u32 v43, $0x2  }
0x5d: {  	v57 =	vand.u32 $0xFFFF0000, v36;
	v33 =	vshll.u32 v9, $0x10;
	v9 =	vand.u32 $0xFFFF0000, v9  }
0x5e: {  	v39 =	vshll.u32 v7, $0x10;
	v7 =	vand.u32 $0xFFFF0000, v7;
	v55 =	vsub.f32 v53, v54  }
0x5f: {  	v59 =	vshll.u32 v50, $0x10;
	v60 =	vand.u32 $0xFFFF0000, v50;
	v61 =	vshll.u32 v51, $0x10  }
0x60: {  	v63 =	vor.u32 $0x1, v17;
	v13 =	vand.u32 $0xFFFF0000, v51;
	v35 =	vsub.f32 v31, v33;
	v31 =	vld [tilespmem:s20+$0xCB20]  }
0x61: {  	v28 =	vor.u32 $0x2, v17;
	v9 =	vsub.f32 v16, v9;
	v33 =	vld [tilespmem:s20+$0x14820];
	v37 =	vshll.u32 v5, $0x10  }
0x62: {  	v29 =	vsub.f32 v60, v13;
	v60 =	vld [tilespmem:s20+$0xD2F0];
	v5 =	vand.u32 $0xFFFF0000, v5;
	v16 =	vsub.f32 v37, v39  }
0x63: {  	v41 =	vor.u32 $0x3, v17;
	v4 =	vmax.f32 v4, v55;
	v62 =	vld.idx.msk [tilespmem:v52+s3+$0x0], $0xffff;
	v5 =	vsub.f32 v5, v7  }
0x64: {  	v8 =	vmax.f32 v8, v35;
	v6 =	vmax.f32 v6, v9;
	v7 =	vld.idx.msk [tilespmem:v42+s3+$0x0], $0xffff;
	v45 =	vmax.f32 v11, v16  }
0x65: {  	v9 =	vld.idx.msk [tilespmem:v44+s3+$0x0], $0xffff;
	v0 =	vmax.f32 v0, v5;
	v5 =	vsub.f32 v46, v48;
	v11 =	vsub.f32 v47, v49  }
0x66: {  	v18 =	vld.idx.msk [tilespmem:v56+s3+$0x0], $0xffff;
	v6 =	vmax.f32 v6, v29;
	v13 =	vshll.u32 v31, $0x2;
	v42 =	vshll.u32 v33, $0x2  }
0x67: {  	v38 =	vld.idx.msk [tilespmem:v25+s3+$0x0], $0xffff;
	v31 =	vshll.u32 v60, $0x2;
	v1 =	vmax.f32 v1, v5;
	v3 =	vmax.f32 v3, v11  }
0x68: {  	v14 =	vld.idx.msk [tilespmem:v14+s3+$0x0], $0xffff;
	v11 =	vsub.f32 v57, v58;
	v5 =	vsub.f32 v59, v61;
	v36 =	vshll.u32 v62, $0x10  }
0x69: {  	v24 =	vld.idx.msk [tilespmem:v17+s3+$0x0], $0xffff;
	v16 =	vand.u32 $0xFFFF0000, v62;
	v47 =	vor.u32 $0x1, v42;
	v57 =	vor.u32 $0x2, v13  }
0x6a: {  	v12 =	vld.idx.msk [tilespmem:v41+s3+$0x0], $0xffff;
	v59 =	vor.u32 $0x2, v42;
	v33 =	vor.u32 $0x1, v31;
	v41 =	vor.u32 $0x2, v31  }
0x6b: {  	v19 =	vor.u32 $0x3, v31;
	v26 =	vshll.u32 v7, $0x10;
	v27 =	vshll.u32 v9, $0x10  }
0x6c: {  	v35 =	vld.idx.msk [tilespmem:v63+s3+$0x0], $0xffff;
	v7 =	vand.u32 $0xFFFF0000, v7;
	v32 =	vand.u32 $0xFFFF0000, v9;
	v43 =	vshll.u32 v18, $0x10  }
0x6d: {  	v40 =	vld.idx.msk [tilespmem:v28+s3+$0x0], $0xffff;
	v44 =	vand.u32 $0xFFFF0000, v18;
	v48 =	vshll.u32 v38, $0x10;
	v52 =	vand.u32 $0xFFFF0000, v38  }
0x6e: {  	v55 =	vshll.u32 v14, $0x10;
	v14 =	vand.u32 $0xFFFF0000, v14;
	v2 =	vmax.f32 v2, v11  }
0x6f: {  	v30 =	vsub.f32 v26, v27;
	v5 =	vmax.f32 v8, v5;
	v37 =	vshll.u32 v24, $0x10  }
0x70: {  	v7 =	vsub.f32 v7, v32;
	v15 =	vand.u32 $0xFFFF0000, v24;
	v39 =	vsub.f32 v36, v37  }
0x71: {  	v63 =	vld [tilespmem:s20+$0x14FF0];
	v15 =	vsub.f32 v16, v15;
	v46 =	vshll.u32 v35, $0x10;
	v10 =	vand.u32 $0xFFFF0000, v35  }
0x72: {  	v49 =	vshll.u32 v40, $0x10;
	v11 =	vand.u32 $0xFFFF0000, v40;
	v58 =	vshll.u32 v12, $0x10  }
0x73: {  	v12 =	vand.u32 $0xFFFF0000, v12;
	v34 =	vmax.f32 v45, v30;
	v9 =	vsub.f32 v43, v46  }
0x74: {  	v0 =	vmax.f32 v0, v7;
	v10 =	vsub.f32 v44, v10;
	v50 =	vsub.f32 v48, v49;
	v51 =	vld.idx.msk [tilespmem:v13+s3+$0x0], $0xffff  }
0x75: {  	v45 =	vor.u32 $0x1, v13;
	v53 =	vld.idx.msk [tilespmem:v42+s3+$0x0], $0xffff;
	v61 =	vsub.f32 v55, v58;
	v62 =	vsub.f32 v14, v12  }
0x76: {  	v13 =	vor.u32 $0x3, v13;
	v7 =	vor.u32 $0x3, v42;
	v12 =	vshll.u32 v63, $0x2;
	v37 =	vld.idx.msk [tilespmem:v31+s3+$0x0], $0xffff  }
0x77: {  	v1 =	vmax.f32 v1, v39;
	v3 =	vmax.f32 v3, v15;
	v56 =	vld.idx.msk [tilespmem:v47+s3+$0x0], $0xffff;
	v38 =	vor.u32 $0x1, v12  }
0x78: {  	v28 =	vld.idx.msk [tilespmem:v57+s3+$0x0], $0xffff;
	v43 =	vor.u32 $0x2, v12;
	v4 =	vmax.f32 v4, v9;
	v9 =	vsub.f32 v52, v11  }
0x79: {  	v30 =	vld.idx.msk [tilespmem:v59+s3+$0x0], $0xffff;
	v2 =	vmax.f32 v2, v10;
	v5 =	vmax.f32 v5, v50;
	v8 =	vmax.f32 v34, v61  }
0x7a: {  	v47 =	vld [tilespmem:s20+$0x157C0];
	v0 =	vmax.f32 v0, v62;
	v6 =	vmax.f32 v6, v9;
	v24 =	vshll.u32 v51, $0x10  }
0x7b: {  	v54 =	vld.idx.msk [tilespmem:v45+s3+$0x0], $0xffff;
	v16 =	vand.u32 $0xFFFF0000, v51;
	v25 =	vshll.u32 v53, $0x10;
	v18 =	vand.u32 $0xFFFF0000, v53  }
0x7c: {  	v40 =	vld.idx.msk [tilespmem:v12+s3+$0x0], $0xffff;
	v48 =	vshll.u32 v37, $0x10;
	v14 =	vand.u32 $0xFFFF0000, v37;
	v12 =	vor.u32 $0x3, v12  }
0x7d: {  	v13 =	vld.idx.msk [tilespmem:v13+s3+$0x0], $0xffff;
	v26 =	vsub.f32 v24, v25;
	v27 =	vsub.f32 v16, v18;
	v32 =	vshll.u32 v56, $0x10  }
0x7e: {  	v7 =	vld.idx.msk [tilespmem:v7+s3+$0x0], $0xffff;
	v15 =	vand.u32 $0xFFFF0000, v56;
	v34 =	vshll.u32 v28, $0x10;
	v36 =	vshll.u32 v30, $0x10  }
0x7f: {  	v31 =	vld [tilespmem:s20+$0xE290];
	v35 =	vand.u32 $0xFFFF0000, v28;
	v53 =	vshll.u32 v47, $0x2;
	v9 =	vsub.f32 v34, v36  }
0x80: {  	v45 =	vld [tilespmem:s20+$0xDAC0];
	v39 =	vand.u32 $0xFFFF0000, v30;
	v24 =	vor.u32 $0x1, v53;
	v1 =	vmax.f32 v1, v26  }
0x81: {  	v16 =	vld.idx.msk [tilespmem:v38+s3+$0x0], $0xffff;
	v3 =	vmax.f32 v3, v27;
	v5 =	vmax.f32 v5, v9;
	v9 =	vor.u32 $0x3, v53  }
0x82: {  	v18 =	vld.idx.msk [tilespmem:v41+s3+$0x0], $0xffff;
	v29 =	vshll.u32 v54, $0x10;
	v10 =	vand.u32 $0xFFFF0000, v54;
	v42 =	vshll.u32 v13, $0x10  }
0x83: {  	v51 =	vld.idx.msk [tilespmem:v43+s3+$0x0], $0xffff;
	v13 =	vand.u32 $0xFFFF0000, v13;
	v44 =	vshll.u32 v7, $0x10;
	v7 =	vand.u32 $0xFFFF0000, v7  }
0x84: {  	v56 =	vld.idx.msk [tilespmem:v19+s3+$0x0], $0xffff;
	v49 =	vshll.u32 v40, $0x10;
	v11 =	vand.u32 $0xFFFF0000, v40;
	v17 =	vsub.f32 v29, v32  }
0x85: {  	v52 =	vshll.u32 v45, $0x2;
	v10 =	vsub.f32 v10, v15;
	v46 =	vsub.f32 v42, v44  }
0x86: {  	v40 =	vshll.u32 v31, $0x2;
	v7 =	vsub.f32 v13, v7;
	v50 =	vsub.f32 v48, v49  }
0x87: {  	v11 =	vsub.f32 v14, v11;
	v55 =	vshll.u32 v16, $0x10;
	v57 =	vor.u32 $0x1, v52  }
0x88: {  	v16 =	vand.u32 $0xFFFF0000, v16;
	v60 =	vshll.u32 v18, $0x10;
	v61 =	vshll.u32 v51, $0x10  }
0x89: {  	v25 =	vand.u32 $0xFFFF0000, v18;
	v14 =	vand.u32 $0xFFFF0000, v51;
	v27 =	vshll.u32 v56, $0x10  }
0x8a: {  	v58 =	vld.idx.msk [tilespmem:v12+s3+$0x0], $0xffff;
	v13 =	vand.u32 $0xFFFF0000, v56;
	v30 =	vor.u32 $0x2, v52;
	v32 =	vor.u32 $0x2, v53  }
0x8b: {  	v15 =	vld.idx.msk [tilespmem:v33+s3+$0x0], $0xffff;
	v44 =	vor.u32 $0x1, v40;
	v62 =	vsub.f32 v60, v61;
	v12 =	vsub.f32 v25, v14  }
0x8c: {  	v26 =	vld.idx.msk [tilespmem:v53+s3+$0x0], $0xffff;
	v4 =	vmax.f32 v4, v17;
	v2 =	vmax.f32 v2, v10;
	v10 =	vsub.f32 v35, v39  }
0x8d: {  	v33 =	vld [tilespmem:s20+$0x15F90];
	v8 =	vmax.f32 v8, v46;
	v0 =	vmax.f32 v0, v7;
	v1 =	vmax.f32 v1, v50  }
0x8e: {  	v34 =	vld.idx.msk [tilespmem:v24+s3+$0x0], $0xffff;
	v3 =	vmax.f32 v3, v11;
	v7 =	vor.u32 $0x3, v52;
	v5 =	vmax.f32 v5, v62  }
0x8f: {  	v6 =	vmax.f32 v6, v10;
	v29 =	vshll.u32 v58, $0x10;
	v11 =	vand.u32 $0xFFFF0000, v58  }
0x90: {  	v9 =	vld.idx.msk [tilespmem:v9+s3+$0x0], $0xffff;
	v58 =	vor.u32 $0x3, v40;
	v54 =	vshll.u32 v15, $0x10;
	v15 =	vand.u32 $0xFFFF0000, v15  }
0x91: {  	v63 =	vld.idx.msk [tilespmem:v52+s3+$0x0], $0xffff;
	v6 =	vmax.f32 v6, v12;
	v11 =	vsub.f32 v13, v11;
	v37 =	vshll.u32 v26, $0x10  }
0x92: {  	v47 =	vld.idx.msk [tilespmem:v40+s3+$0x0], $0xffff;
	v38 =	vand.u32 $0xFFFF0000, v26;
	v42 =	vshll.u32 v33, $0x2;
	v10 =	vsub.f32 v54, v55  }
0x93: {  	v28 =	vld.idx.msk [tilespmem:v57+s3+$0x0], $0xffff;
	v59 =	vsub.f32 v15, v16;
	v43 =	vshll.u32 v34, $0x10;
	v12 =	vand.u32 $0xFFFF0000, v34  }
0x94: {  	v39 =	vld.idx.msk [tilespmem:v30+s3+$0x0], $0xffff;
	v45 =	vor.u32 $0x1, v42;
	v55 =	vor.u32 $0x2, v40;
	v56 =	vor.u32 $0x2, v42  }
0x95: {  	v17 =	vld.idx.msk [tilespmem:v32+s3+$0x0], $0xffff;
	v60 =	vor.u32 $0x3, v42;
	v0 =	vmax.f32 v0, v11;
	v4 =	vmax.f32 v4, v10  }
0x96: {  	v53 =	vld.idx.msk [tilespmem:v44+s3+$0x0], $0xffff;
	v2 =	vmax.f32 v2, v59;
	v10 =	vsub.f32 v27, v29;
	v54 =	vshll.u32 v9, $0x10  }
0x97: {  	v57 =	vld [tilespmem:s20+$0xEA60];
	v9 =	vand.u32 $0xFFFF0000, v9;
	v35 =	vshll.u32 v63, $0x10;
	v36 =	vand.u32 $0xFFFF0000, v63  }
0x98: {  	v61 =	vshll.u32 v47, $0x10;
	v11 =	vand.u32 $0xFFFF0000, v47;
	v8 =	vmax.f32 v8, v10  }
0x99: {  	v10 =	vsub.f32 v35, v37;
	v13 =	vsub.f32 v36, v38;
	v41 =	vshll.u32 v28, $0x10  }
0x9a: {  	v7 =	vld.idx.msk [tilespmem:v7+s3+$0x0], $0xffff;
	v14 =	vand.u32 $0xFFFF0000, v28;
	v46 =	vshll.u32 v39, $0x10;
	v48 =	vand.u32 $0xFFFF0000, v39  }
0x9b: {  	v49 =	vshll.u32 v17, $0x10;
	v50 =	vand.u32 $0xFFFF0000, v17;
	v25 =	vshll.u32 v53, $0x10  }
0x9c: {  	v27 =	vshll.u32 v57, $0x2;
	v29 =	vand.u32 $0xFFFF0000, v53;
	v18 =	vsub.f32 v41, v43  }
0x9d: {  	v59 =	vld [tilespmem:s20+$0x16760];
	v12 =	vsub.f32 v14, v12;
	v31 =	vor.u32 $0x1, v27;
	v37 =	vor.u32 $0x2, v27  }
0x9e: {  	v51 =	vld.idx.msk [tilespmem:v42+s3+$0x0], $0xffff;
	v1 =	vmax.f32 v1, v10;
	v3 =	vmax.f32 v3, v13;
	v10 =	vsub.f32 v46, v49  }
0x9f: {  	v14 =	vld.idx.msk [tilespmem:v45+s3+$0x0], $0xffff;
	v52 =	vshll.u32 v7, $0x10;
	v7 =	vand.u32 $0xFFFF0000, v7;
	v46 =	vor.u32 $0x3, v27  }
0xa0: {  	v24 =	vld.idx.msk [tilespmem:v55+s3+$0x0], $0xffff;
	v2 =	vmax.f32 v2, v12;
	v12 =	vsub.f32 v48, v50;
	v13 =	vsub.f32 v52, v54  }
0xa1: {  	v41 =	vld [tilespmem:s20+$0xF230];
	v4 =	vmax.f32 v4, v18;
	v7 =	vsub.f32 v7, v9;
	v5 =	vmax.f32 v5, v10  }
0xa2: {  	v10 =	vshll.u32 v59, $0x2;
	v6 =	vmax.f32 v6, v12;
	v8 =	vmax.f32 v8, v13  }
0xa3: {  	v18 =	vld.idx.msk [tilespmem:v56+s3+$0x0], $0xffff;
	v0 =	vmax.f32 v0, v7;
	v62 =	vshll.u32 v51, $0x10;
	v63 =	vand.u32 $0xFFFF0000, v51  }
0xa4: {  	v9 =	vld.idx.msk [tilespmem:v58+s3+$0x0], $0xffff;
	v35 =	vor.u32 $0x1, v10;
	v40 =	vor.u32 $0x2, v10;
	v7 =	vsub.f32 v61, v62  }
0xa5: {  	v26 =	vshll.u32 v14, $0x10;
	v11 =	vsub.f32 v11, v63;
	v14 =	vand.u32 $0xFFFF0000, v14  }
0xa6: {  	v43 =	vld [tilespmem:s20+$0x16F30];
	v30 =	vshll.u32 v24, $0x10;
	v13 =	vand.u32 $0xFFFF0000, v24;
	v50 =	vshll.u32 v41, $0x2  }
0xa7: {  	v12 =	vld.idx.msk [tilespmem:v60+s3+$0x0], $0xffff;
	v28 =	vsub.f32 v25, v26;
	v52 =	vor.u32 $0x1, v50;
	v63 =	vor.u32 $0x2, v50  }
0xa8: {  	v34 =	vld.idx.msk [tilespmem:v27+s3+$0x0], $0xffff;
	v1 =	vmax.f32 v1, v7;
	v3 =	vmax.f32 v3, v11;
	v7 =	vsub.f32 v29, v14  }
0xa9: {  	v44 =	vld.idx.msk [tilespmem:v31+s3+$0x0], $0xffff;
	v32 =	vshll.u32 v18, $0x10;
	v33 =	vand.u32 $0xFFFF0000, v18;
	v38 =	vshll.u32 v9, $0x10  }
0xaa: {  	v16 =	vld.idx.msk [tilespmem:v37+s3+$0x0], $0xffff;
	v9 =	vand.u32 $0xFFFF0000, v9;
	v4 =	vmax.f32 v4, v28;
	v11 =	vsub.f32 v30, v32  }
0xab: {  	v13 =	vsub.f32 v13, v33;
	v36 =	vld.idx.msk [tilespmem:v10+s3+$0x0], $0xffff;
	v10 =	vor.u32 $0x3, v10;
	v28 =	vor.u32 $0x3, v50  }
0xac: {  	v39 =	vshll.u32 v12, $0x10;
	v2 =	vmax.f32 v2, v7;
	v12 =	vand.u32 $0xFFFF0000, v12  }
0xad: {  	v45 =	vld.idx.msk [tilespmem:v35+s3+$0x0], $0xffff;
	v47 =	vshll.u32 v34, $0x10;
	v17 =	vand.u32 $0xFFFF0000, v34;
	v5 =	vmax.f32 v5, v11  }
0xae: {  	v49 =	vld.idx.msk [tilespmem:v40+s3+$0x0], $0xffff;
	v42 =	vsub.f32 v38, v39;
	v6 =	vmax.f32 v6, v13;
	v9 =	vsub.f32 v9, v12  }
0xaf: {  	v11 =	vshll.u32 v43, $0x2;
	v51 =	vshll.u32 v44, $0x10;
	v13 =	vand.u32 $0xFFFF0000, v44  }
0xb0: {  	v12 =	vld.idx.msk [tilespmem:v46+s3+$0x0], $0xffff;
	v55 =	vshll.u32 v16, $0x10;
	v16 =	vand.u32 $0xFFFF0000, v16;
	v54 =	vor.u32 $0x1, v11  }
0xb1: {  	v23 =	vld.idx.msk [tilespmem:v50+s3+$0x0], $0xffff;
	v26 =	vor.u32 $0x2, v11;
	v48 =	vshll.u32 v36, $0x10;
	v15 =	vand.u32 $0xFFFF0000, v36  }
0xb2: {  	v27 =	vld [tilespmem:s20+$0x17700];
	v7 =	vmax.f32 v8, v42;
	v14 =	vsub.f32 v47, v48;
	v15 =	vsub.f32 v17, v15  }
0xb3: {  	v60 =	vld.idx.msk [tilespmem:v52+s3+$0x0], $0xffff;
	v53 =	vshll.u32 v45, $0x10;
	v8 =	vand.u32 $0xFFFF0000, v45;
	v56 =	vshll.u32 v49, $0x10  }
0xb4: {  	v24 =	vld [tilespmem:s20+$0xFA00];
	v19 =	vand.u32 $0xFFFF0000, v49;
	v17 =	vsub.f32 v51, v53;
	v8 =	vsub.f32 v13, v8  }
0xb5: {  	v0 =	vmax.f32 v0, v9;
	v57 =	vsub.f32 v55, v56;
	v58 =	vsub.f32 v16, v19  }
0xb6: {  	v46 =	vld [tilespmem:s20+$0x101D0];
	v62 =	vshll.u32 v12, $0x10;
	v12 =	vand.u32 $0xFFFF0000, v12;
	v29 =	vshll.u32 v23, $0x10  }
0xb7: {  	v59 =	vld.idx.msk [tilespmem:v11+s3+$0x0], $0xffff;
	v11 =	vor.u32 $0x3, v11;
	v31 =	vand.u32 $0xFFFF0000, v23;
	v19 =	vshll.u32 v27, $0x2  }
0xb8: {  	v10 =	vld.idx.msk [tilespmem:v10+s3+$0x0], $0xffff;
	v1 =	vmax.f32 v1, v14;
	v3 =	vmax.f32 v3, v15;
	v32 =	vshll.u32 v60, $0x10  }
0xb9: {  	v15 =	vshll.u32 v24, $0x2;
	v14 =	vand.u32 $0xFFFF0000, v60;
	v38 =	vor.u32 $0x1, v19  }
0xba: {  	v13 =	vld.idx.msk [tilespmem:v63+s3+$0x0], $0xffff;
	v47 =	vor.u32 $0x2, v19;
	v52 =	vor.u32 $0x3, v19;
	v4 =	vmax.f32 v4, v17  }
0xbb: {  	v48 =	vld [tilespmem:s20+$0x17ED0];
	v2 =	vmax.f32 v2, v8;
	v5 =	vmax.f32 v5, v57;
	v6 =	vmax.f32 v6, v58  }
0xbc: {  	v61 =	vld.idx.msk [tilespmem:v54+s3+$0x0], $0xffff;
	v34 =	vor.u32 $0x1, v15;
	v45 =	vor.u32 $0x2, v15;
	v51 =	vor.u32 $0x3, v15  }
0xbd: {  	v18 =	vld.idx.msk [tilespmem:v26+s3+$0x0], $0xffff;
	v57 =	vshll.u32 v46, $0x2;
	v25 =	vshll.u32 v10, $0x10;
	v10 =	vand.u32 $0xFFFF0000, v10  }
0xbe: {  	v9 =	vsub.f32 v62, v25;
	v10 =	vsub.f32 v12, v10;
	v62 =	vor.u32 $0x1, v57  }
0xbf: {  	v30 =	vshll.u32 v59, $0x10;
	v16 =	vand.u32 $0xFFFF0000, v59;
	v36 =	vshll.u32 v13, $0x10  }
0xc0: {  	v12 =	vld.idx.msk [tilespmem:v28+s3+$0x0], $0xffff;
	v13 =	vand.u32 $0xFFFF0000, v13;
	v59 =	vshll.u32 v48, $0x2;
	v17 =	vsub.f32 v29, v30  }
0xc1: {  	v35 =	vld.idx.msk [tilespmem:v11+s3+$0x0], $0xffff;
	v16 =	vsub.f32 v31, v16;
	v33 =	vshll.u32 v61, $0x10;
	v8 =	vand.u32 $0xFFFF0000, v61  }
0xc2: {  	v41 =	vld.idx.msk [tilespmem:v19+s3+$0x0], $0xffff;
	v7 =	vmax.f32 v7, v9;
	v0 =	vmax.f32 v0, v10;
	v39 =	vshll.u32 v18, $0x10  }
0xc3: {  	v37 =	vld.idx.msk [tilespmem:v15+s3+$0x0], $0xffff;
	v40 =	vand.u32 $0xFFFF0000, v18;
	v25 =	vor.u32 $0x1, v59;
	v29 =	vor.u32 $0x2, v57  }
0xc4: {  	v50 =	vld.idx.msk [tilespmem:v38+s3+$0x0], $0xffff;
	v22 =	vor.u32 $0x2, v59;
	v20 =	vsub.f32 v32, v33;
	v8 =	vsub.f32 v14, v8  }
0xc5: {  	v58 =	vld.idx.msk [tilespmem:v47+s3+$0x0], $0xffff;
	v13 =	vsub.f32 v13, v40;
	v1 =	vmax.f32 v1, v17;
	v3 =	vmax.f32 v3, v16  }
0xc6: {  	v43 =	vld.idx.msk [tilespmem:v34+s3+$0x0], $0xffff;
	v4 =	vmax.f32 v4, v20;
	v2 =	vmax.f32 v2, v8;
	v8 =	vsub.f32 v36, v39  }
0xc7: {  	v56 =	vld.idx.msk [tilespmem:v45+s3+$0x0], $0xffff;
	v42 =	vshll.u32 v12, $0x10;
	v12 =	vand.u32 $0xFFFF0000, v12;
	v6 =	vmax.f32 v6, v13  }
0xc8: {  	v11 =	vld.idx.msk [tilespmem:v51+s3+$0x0], $0xffff;
	v36 =	vor.u32 $0x3, v57;
	v39 =	vor.u32 $0x3, v59;
	v44 =	vshll.u32 v35, $0x10  }
0xc9: {  	v24 =	vld.idx.msk [tilespmem:v57+s3+$0x0], $0xffff;
	v9 =	vand.u32 $0xFFFF0000, v35;
	v54 =	vshll.u32 v41, $0x10;
	v55 =	vand.u32 $0xFFFF0000, v41  }
0xca: {  	v32 =	vld [tilespmem:s20+$0x109A0];
	v14 =	vsub.f32 v42, v44;
	v5 =	vmax.f32 v5, v8;
	v49 =	vsub.f32 v12, v9  }
0xcb: {  	v33 =	vld [tilespmem:s20+$0x186A0];
	v53 =	vshll.u32 v37, $0x10;
	v10 =	vand.u32 $0xFFFF0000, v37;
	v61 =	vshll.u32 v50, $0x10  }
0xcc: {  	v9 =	vand.u32 $0xFFFF0000, v50;
	v26 =	vshll.u32 v58, $0x10;
	v13 =	vand.u32 $0xFFFF0000, v58  }
0xcd: {  	v8 =	vsub.f32 v53, v54;
	v10 =	vsub.f32 v10, v55;
	v60 =	vshll.u32 v43, $0x10  }
0xce: {  	v16 =	vand.u32 $0xFFFF0000, v43;
	v23 =	vshll.u32 v56, $0x10;
	v15 =	vand.u32 $0xFFFF0000, v56  }
0xcf: {  	v30 =	vshll.u32 v11, $0x10;
	v11 =	vand.u32 $0xFFFF0000, v11;
	v37 =	vshll.u32 v24, $0x10  }
0xd0: {  	v28 =	vld.idx.msk [tilespmem:v62+s3+$0x0], $0xffff;
	v42 =	vshll.u32 v32, $0x2;
	v44 =	vshll.u32 v33, $0x2;
	v7 =	vmax.f32 v7, v14  }
0xd1: {  	v27 =	vld.idx.msk [tilespmem:v59+s3+$0x0], $0xffff;
	v0 =	vmax.f32 v0, v49;
	v18 =	vsub.f32 v60, v61;
	v63 =	vsub.f32 v16, v9  }
0xd2: {  	v12 =	vld.idx.msk [tilespmem:v52+s3+$0x0], $0xffff;
	v9 =	vsub.f32 v23, v26;
	v13 =	vsub.f32 v15, v13;
	v54 =	vor.u32 $0x1, v42  }
0xd3: {  	v35 =	vld.idx.msk [tilespmem:v25+s3+$0x0], $0xffff;
	v55 =	vor.u32 $0x1, v44;
	v57 =	vor.u32 $0x2, v42;
	v61 =	vor.u32 $0x2, v44  }
0xd4: {  	v38 =	vld.idx.msk [tilespmem:v29+s3+$0x0], $0xffff;
	v26 =	vor.u32 $0x3, v42;
	v29 =	vor.u32 $0x3, v44;
	v1 =	vmax.f32 v1, v8  }
0xd5: {  	v41 =	vld.idx.msk [tilespmem:v22+s3+$0x0], $0xffff;
	v3 =	vmax.f32 v3, v10;
	v10 =	vand.u32 $0xFFFF0000, v24;
	v45 =	vshll.u32 v28, $0x10  }
0xd6: {  	v15 =	vand.u32 $0xFFFF0000, v28;
	v4 =	vmax.f32 v4, v18;
	v2 =	vmax.f32 v2, v63  }
0xd7: {  	v58 =	vld [tilespmem:s20+$0x18E70];
	v5 =	vmax.f32 v5, v9;
	v6 =	vmax.f32 v6, v13;
	v40 =	vshll.u32 v27, $0x10  }
0xd8: {  	v56 =	vld [tilespmem:s20+$0x11170];
	v43 =	vand.u32 $0xFFFF0000, v27;
	v31 =	vshll.u32 v12, $0x10;
	v12 =	vand.u32 $0xFFFF0000, v12  }
0xd9: {  	v8 =	vsub.f32 v37, v40;
	v10 =	vsub.f32 v10, v43;
	v46 =	vshll.u32 v35, $0x10  }
0xda: {  	v9 =	vand.u32 $0xFFFF0000, v35;
	v49 =	vshll.u32 v38, $0x10;
	v50 =	vshll.u32 v41, $0x10  }
0xdb: {  	v16 =	vand.u32 $0xFFFF0000, v41;
	v20 =	vsub.f32 v30, v31;
	v34 =	vsub.f32 v11, v12  }
0xdc: {  	v48 =	vld.idx.msk [tilespmem:v39+s3+$0x0], $0xffff;
	v24 =	vshll.u32 v58, $0x2;
	v18 =	vsub.f32 v45, v46;
	v47 =	vsub.f32 v15, v9  }
0xdd: {  	v11 =	vld.idx.msk [tilespmem:v36+s3+$0x0], $0xffff;
	v52 =	vsub.f32 v49, v50;
	v12 =	vand.u32 $0xFFFF0000, v38;
	v19 =	vshll.u32 v56, $0x2  }
0xde: {  	v51 =	vld.idx.msk [tilespmem:v42+s3+$0x0], $0xffff;
	v35 =	vor.u32 $0x1, v24;
	v40 =	vor.u32 $0x2, v24;
	v1 =	vmax.f32 v1, v8  }
0xdf: {  	v53 =	vld.idx.msk [tilespmem:v44+s3+$0x0], $0xffff;
	v3 =	vmax.f32 v3, v10;
	v12 =	vsub.f32 v12, v16;
	v33 =	vor.u32 $0x1, v19  }
0xe0: {  	v13 =	vld.idx.msk [tilespmem:v54+s3+$0x0], $0xffff;
	v38 =	vor.u32 $0x2, v19;
	v43 =	vor.u32 $0x3, v19;
	v7 =	vmax.f32 v7, v20  }
0xe1: {  	v8 =	vld.idx.msk [tilespmem:v57+s3+$0x0], $0xffff;
	v0 =	vmax.f32 v0, v34;
	v4 =	vmax.f32 v4, v18;
	v2 =	vmax.f32 v2, v47  }
0xe2: {  	v25 =	vld.idx.msk [tilespmem:v61+s3+$0x0], $0xffff;
	v5 =	vmax.f32 v5, v52;
	v60 =	vshll.u32 v48, $0x10;
	v9 =	vand.u32 $0xFFFF0000, v48  }
0xe3: {  	v16 =	vld.idx.msk [tilespmem:v26+s3+$0x0], $0xffff;
	v6 =	vmax.f32 v6, v12;
	v59 =	vshll.u32 v11, $0x10;
	v11 =	vand.u32 $0xFFFF0000, v11  }
0xe4: {  	v18 =	vld.idx.msk [tilespmem:v55+s3+$0x0], $0xffff;
	v62 =	vshll.u32 v51, $0x10;
	v15 =	vand.u32 $0xFFFF0000, v51;
	v63 =	vshll.u32 v53, $0x10  }
0xe5: {  	v10 =	vand.u32 $0xFFFF0000, v53;
	v20 =	vsub.f32 v59, v60;
	v9 =	vsub.f32 v11, v9  }
0xe6: {  	v11 =	vsub.f32 v62, v63;
	v10 =	vsub.f32 v15, v10;
	v27 =	vshll.u32 v13, $0x10  }
0xe7: {  	v28 =	vand.u32 $0xFFFF0000, v13;
	v36 =	vshll.u32 v8, $0x10;
	v37 =	vshll.u32 v25, $0x10  }
0xe8: {  	v34 =	vld.idx.msk [tilespmem:v24+s3+$0x0], $0xffff;
	v8 =	vand.u32 $0xFFFF0000, v8;
	v41 =	vand.u32 $0xFFFF0000, v25;
	v15 =	vor.u32 $0x3, v24  }
0xe9: {  	v32 =	vld.idx.msk [tilespmem:v19+s3+$0x0], $0xffff;
	v47 =	vshll.u32 v16, $0x10;
	v16 =	vand.u32 $0xFFFF0000, v16;
	v30 =	vshll.u32 v18, $0x10  }
0xea: {  	v14 =	vld.idx.msk [tilespmem:v35+s3+$0x0], $0xffff;
	v31 =	vand.u32 $0xFFFF0000, v18;
	v39 =	vsub.f32 v36, v37;
	v8 =	vsub.f32 v8, v41  }
0xeb: {  	v49 =	vld.idx.msk [tilespmem:v40+s3+$0x0], $0xffff;
	v7 =	vmax.f32 v7, v20;
	v0 =	vmax.f32 v0, v9;
	v1 =	vmax.f32 v1, v11  }
0xec: {  	v42 =	vld.idx.msk [tilespmem:v33+s3+$0x0], $0xffff;
	v3 =	vmax.f32 v3, v10;
	v9 =	vsub.f32 v27, v30;
	v10 =	vsub.f32 v28, v31  }
0xed: {  	v48 =	vld.idx.msk [tilespmem:v38+s3+$0x0], $0xffff;
	v5 =	vmax.f32 v5, v39;
	v45 =	vshll.u32 v34, $0x10;
	v6 =	vmax.f32 v6, v8  }
0xee: {  	v51 =	vld.idx.msk [tilespmem:v43+s3+$0x0], $0xffff;
	v13 =	vand.u32 $0xFFFF0000, v34;
	v4 =	vmax.f32 v4, v9;
	v2 =	vmax.f32 v2, v10  }
0xef: {  	v11 =	vld.idx.msk [tilespmem:v29+s3+$0x0], $0xffff;
	v44 =	vshll.u32 v32, $0x10;
	v17 =	vand.u32 $0xFFFF0000, v32;
	v53 =	vshll.u32 v14, $0x10  }
0xf0: {  	v14 =	vand.u32 $0xFFFF0000, v14;
	v55 =	vshll.u32 v49, $0x10;
	v57 =	vand.u32 $0xFFFF0000, v49  }
0xf1: {  	v46 =	vsub.f32 v44, v45;
	v13 =	vsub.f32 v17, v13;
	v52 =	vshll.u32 v42, $0x10  }
0xf2: {  	v15 =	vld.idx.msk [tilespmem:v15+s3+$0x0], $0xffff;
	v9 =	vand.u32 $0xFFFF0000, v42;
	v54 =	vshll.u32 v48, $0x10;
	v56 =	vand.u32 $0xFFFF0000, v48  }
0xf3: {  	v59 =	vshll.u32 v51, $0x10;
	v61 =	vand.u32 $0xFFFF0000, v51;
	v10 =	vsub.f32 v52, v53  }
0xf4: {  	v9 =	vsub.f32 v9, v14;
	v50 =	vshll.u32 v11, $0x10;
	v1 =	vmax.f32 v1, v46  }
0xf5: {  	v11 =	vand.u32 $0xFFFF0000, v11;
	v3 =	vmax.f32 v3, v13;
	v13 =	vsub.f32 v54, v55;
	[tilespmem:s20+$0x19640] =	vst v1  }
0xf6: {  	v12 =	vsub.f32 v47, v50;
	v11 =	vsub.f32 v16, v11;
	v4 =	vmax.f32 v4, v10;
	[tilespmem:s20+$0x1B580] =	vst v3  }
0xf7: {  	p0 =	sne.s32 s19, $0x1F00;
	v2 =	vmax.f32 v2, v9;
	v1 =	vsub.f32 v56, v57;
	[tilespmem:s20+$0x19E10] =	vst v4;
	v60 =	vshll.u32 v15, $0x10  }
.Ltmp0:
0xf8: {  	v58 =	vmax.f32 v5, v13;
	[tilespmem:s20+$0x1BD50] =	vst v2;
	v62 =	vand.u32 $0xFFFF0000, v15;
	v5 =	vsub.f32 v59, v60;
	(pc) =	sbr.rel @p0 .LBB2_3-.Ltmp0, $4  }
0xf9: {  	v63 =	vmax.f32 v7, v12;
	v1 =	vmax.f32 v6, v1;
	[tilespmem:s20+$0x1A5E0] =	vst v58;
	v4 =	vsub.f32 v61, v62  }
0xfa: {  	v0 =	vmax.f32 v0, v11;
	[tilespmem:s20+$0x1C520] =	vst v1;
	v2 =	vmax.f32 v63, v5  }
0xfb: {  	v0 =	vmax.f32 v0, v4;
	[tilespmem:s20+$0x1ADB0] =	vst v2  }
0xfc: {  	s19 =	sadd.s32 $0x40, s19;
	[tilespmem:s20+$0x1CCF0] =	vst v0  }
0xfd: {  	s18 =	sadd.s32 s18, s8;
	s17 =	sadd.s32 $0x1, s17  }
0xfe: {  	s18 =	sshrl.u32 s18, $0x3;
	p0 =	sne.s32 s17, $0x5  }
.Ltmp1:
0xff: {  	s18 =	sadd.s32 s2, s18;
	(pc) =	sbr.rel @p0 .LBB2_2-.Ltmp1, $4  }
0x100: {  	[hbm4b:s18+s11] =	stream.strided.scatter [tilespmem:s15], [sflag:$0x1], $0x3E80, s12, s11, $0x38;
	[tilespmem:$0x1D4C0] =	vst v63  }
0x101: {  	_ =	swait.ge [sflag:s10], $0x3E80  }
0x102: {  	[sflag:s10] =	ssyncset.done $0x0  }
0x103: {  	[sflag:s10] =	ssyncadd.s32 $0xFFFFC180  }
0x104: {  	s16 =	sadd.s32 $0x1, s16  }
0x105: {  	p0 =	sne.s32 s16, s9  }
.Ltmp2:
0x106: {  	_ = 	snop;
	(pc) =	sbr.rel @p0 .LBB2_1-.Ltmp2, $1  }
0x107: {  	_ =	sdelay $0x3  }
0x108: {  	_ =	sfence.sel $0x180000  }
0x109: {  	[bflag:$0x0] =	sbarrier.arrive $0xFFFF  }
0x10a: {  	p0 =	sne.s32 s0, $0x0;
	_ =	strace $0x90000047  }
0x10b: {  	s0 =	sadd.s32 @!p0 $0x100000, s1;
	[bflag:$0x2] =	sbarrier.arrive $0xFFFF  }
0x10c: {  	[sflag:s0] =	ssyncadd.tile.s32 @!p0 $0x1;
	_ =	shalt  }
.Lfunc_end2:
_tile_overlayer_lowered:
.L_overlay_start_2:
0x10d: {  	(tag) =	ssettag $0x2  }
0x10e: {  	s0 =	rddreg [dreg:$0x0];
	s2 =	stileid.u32  }
0x10f: {  	s1 =	rddreg [dreg:$0x1];
	p0 =	sne.s32 s2, $0x0  }
0x110: {  	s3 =	rddreg [dreg:$0x2];
	[bflag:$0x3] =	sbarrier.arrive $0xFFFF;
	s2 =	simm.s32 @!p0 $0x1C01  }
0x111: {  	[timem:s3], [sflag:s2] =	dma.local @!p0 [hbm:s0], s1  }
0x112: {  	s0 =	simm.s32 @!p0 $0x1  }
0x113: {  	_ =	swait.ge @!p0 [sflag:s0], s1  }
0x114: {  	s1 =	ssub.s32 @!p0 $0x0, s1;
	[sflag:s0] =	ssyncset.done @!p0 $0x0  }
0x115: {  	[sflag:s0] =	ssyncadd.s32 @!p0 s1  }
0x116: {  	[bflag:$0x3] =	sbarrier.arrive $0xFFFF  }
0x117: {  	_ =	shalt  }

</sc_bundles>
